<compile_context>
chip_gen: v7x
topology: tpu7x:2x2x1
jax: 0.10.2.dev20260603
libtpu: 0.0.44.dev20260713+nightly
codegen_flags: <defaults>
</compile_context>

<pallas_src>
import functools

import jax
import jax.numpy as jnp
from jax import lax
from jax.experimental import pallas as pl
from jax.experimental.pallas import tpu as pltpu
from jax.experimental.pallas import tpu_sc as plsc

V = 10
VP = 16
D = 2048
B = 16384

S = 12288
BLK = 1024
NBLK = (B - S) // BLK

_info = plsc.get_sparse_core_info()
_NC = _info.num_cores
_NS = _info.num_subcores
NW = _NC * _NS
SPW = S // NW
C = 16
NCHUNK = SPW // C

_mesh = plsc.VectorSubcoreMesh(core_axis_name="c", subcore_axis_name="s")


@functools.partial(
    pl.kernel,
    mesh=_mesh,
    out_type=jax.ShapeDtypeStruct((B, D), jnp.float32),
    scratch_types=[
        pltpu.VMEM((V, D), jnp.float32),
        pltpu.VMEM((SPW,), jnp.int32),
        pltpu.VMEM((16,), jnp.float32),
        pltpu.SemaphoreType.DMA,
    ],
)
def _sc_lookup(tab_hbm, idx_hbm, scl_hbm, out_hbm, tab_v, idx_v, scl_v, wsem):
    wid = lax.axis_index("s") * _NC + lax.axis_index("c")
    base = wid * SPW

    pltpu.sync_copy(tab_hbm, tab_v)
    pltpu.sync_copy(idx_hbm.at[wid], idx_v)
    pltpu.sync_copy(scl_hbm, scl_v)
    s = scl_v[...]

    for v in range(V):
        @plsc.parallel_loop(0, D, step=16, unroll=8)
        def _(j):
            sl = pl.ds(j, 16)
            tab_v[v, sl] = tab_v[v, sl] * s

    def k_body(k, carry):
        ids16 = idx_v[pl.ds(k * C, C)]
        for r in range(C):
            pltpu.async_copy(
                tab_v.at[pl.ds(ids16[r], 1)],
                out_hbm.at[pl.ds(base + k * C + r, 1)],
                wsem,
            )
        return carry

    lax.fori_loop(0, NCHUNK, k_body, 0)

    def drain(j, c):
        pltpu.make_async_copy(
            tab_v.at[pl.ds(0, 1)], out_hbm.at[pl.ds(0, 1)], wsem
        ).wait()
        return c

    lax.fori_loop(0, SPW, drain, 0)


def _tc_body(s_ref, ids_ref, tab_ref, prev_ref, o_ref):
    del prev_ref
    ids = ids_ref[0, 0, :]
    onehot = jnp.where(
        ids[:, None] == lax.broadcasted_iota(jnp.int32, (BLK, VP), 1),
        s_ref[0], 0.0,
    )
    o_ref[...] = jnp.dot(onehot, tab_ref[...],
                         preferred_element_type=jnp.float32)


def _tc_lookup(ids3d, tab_p, scale1, out_partial):
    return pl.pallas_call(
        _tc_body,
        grid=(NBLK,),
        in_specs=[
            pl.BlockSpec(memory_space=pltpu.SMEM),
            pl.BlockSpec((1, 1, BLK), lambda i: (i, 0, 0)),
            pl.BlockSpec((VP, D), lambda i: (0, 0)),
            pl.BlockSpec(memory_space=pltpu.MemorySpace.HBM),
        ],
        out_specs=pl.BlockSpec((BLK, D), lambda i: (i + S // BLK, 0)),
        out_shape=jax.ShapeDtypeStruct((B, D), jnp.float32),
        input_output_aliases={3: 0},
    )(scale1, ids3d, tab_p, out_partial)


def kernel(inscription_ids, embedding, scale):
    ids = inscription_ids.astype(jnp.int32)
    out_sc = _sc_lookup(
        embedding,
        ids[:S].reshape(NW, SPW),
        jnp.broadcast_to(scale, (16,)),
    )
    tab_p = jnp.pad(embedding, ((0, VP - V), (0, 0)))
    return _tc_lookup(
        ids[S:].reshape(NBLK, 1, BLK), tab_p, jnp.reshape(scale, (1,)),
        out_sc,
    )

# --- scband reference (transcript-rebuilt; emitter-appended) ---
"""Pipeline reference for scband-inscription-embedding-11278584120047 (READ-ONLY COPY).

The authoritative reference and input builder live on the scoring server;
editing this copy changes nothing except your own understanding.
"""

import jax, jax.numpy as jnp
import numpy as np

N_INSCRIPTIONS = 10
HIDDEN_DIM = 2048
BATCH = 16384

def setup_inputs(seed: int = 0) -> dict:
    key = jax.random.key(seed)
    k_ids, k_emb = jax.random.split(key)
    inscription_ids = jax.random.randint(k_ids, (BATCH,), 0, N_INSCRIPTIONS, dtype=jnp.int64 if jax.config.jax_enable_x64 else jnp.int32)
    embedding = jax.random.normal(k_emb, (N_INSCRIPTIONS, HIDDEN_DIM), dtype=jnp.float32)
    scale = jnp.asarray(0.1, dtype=jnp.float32)
    return {"inscription_ids": inscription_ids, "embedding": embedding, "scale": scale}

def reference(inscription_ids, embedding, scale):
    # nn.Embedding lookup followed by learned scalar scaling
    emb = jnp.take(embedding, inscription_ids, axis=0)
    return emb * scale

if __name__ == "__main__":
    import jax
    _d = setup_inputs()
    print(jax.jit(kernel)(*tuple(_d.values())))

</pallas_src>

<mosaic_0001>
#map = affine_map<(d0, d1) -> (0, 0)>
#map1 = affine_map<(d0, d1) -> (0)>
module attributes {stable_mosaic.version = 14 : i64} {
  func.func @_sc_lookup(%arg0: i32, %arg1: i32, %arg2: memref<10x2048xf32, #tpu.memory_space<hbm>>, %arg3: memref<32x384xi32, #tpu.memory_space<hbm>>, %arg4: memref<16xf32, #tpu.memory_space<hbm>>, %arg5: memref<16384x2048xf32, #tpu.memory_space<hbm>>, %arg6: memref<10x2048xf32, #tpu.memory_space<vmem>>, %arg7: memref<384xi32, #tpu.memory_space<vmem>>, %arg8: memref<16xf32, #tpu.memory_space<vmem>>, %arg9: memref<!tpu.dma_semaphore, #tpu.memory_space<semaphore_mem>>) attributes {dimension_semantics = [#tpu.dimension_semantics<core_parallel>, #tpu.dimension_semantics<subcore_parallel>], iteration_bounds = array<i64: 2, 16>, scalar_prefetch = 0 : i64, scratch_operands = 4 : i64, tpu.core_type = #tpu.core_type<sc_vector_subcore>, window_params = [{transform_indices = #map}, {transform_indices = #map}, {transform_indices = #map1}, {transform_indices = #map}]} {
    %mul3A = arith.constant 2 : i32
    %mul3A_0 = arith.muli %arg1, %mul3A : i32
    %add3A = arith.addi %mul3A_0, %arg0 : i32
    %mul3A_1 = arith.constant 384 : i32
    %mul3A_2 = arith.muli %add3A, %mul3A_1 : i32
    "tpu.region"() ({
      %run_scoped3A = tpu.sem_alloc : memref<!tpu.dma_semaphore, #tpu.memory_space<semaphore_mem>>
      tpu.enqueue_dma source(%arg2 : memref<10x2048xf32, #tpu.memory_space<hbm>>) target(%arg6 : memref<10x2048xf32, #tpu.memory_space<vmem>>) target_semaphore(%run_scoped3A : memref<!tpu.dma_semaphore, #tpu.memory_space<semaphore_mem>>)
      tpu.wait_dma2 semaphore(%run_scoped3A : memref<!tpu.dma_semaphore, #tpu.memory_space<semaphore_mem>>) src(%arg2 : memref<10x2048xf32, #tpu.memory_space<hbm>>) dst(%arg6 : memref<10x2048xf32, #tpu.memory_space<vmem>>)
      tpu.yield
    }) : () -> ()
    "tpu.region"() ({
      %run_scoped3A = tpu.sem_alloc : memref<!tpu.dma_semaphore, #tpu.memory_space<semaphore_mem>>
      %dma_start3A = arith.constant 0 : i32
      %dma_start3A_45 = tpu.memref_slice %arg3[%add3A, %dma_start3A] : memref<32x384xi32, #tpu.memory_space<hbm>> -> memref<1x384xi32, #tpu.memory_space<hbm>>
      %dma_start3A_46 = tpu.memref_squeeze %dma_start3A_45 : memref<1x384xi32, #tpu.memory_space<hbm>> -> memref<384xi32, #tpu.memory_space<hbm>>
      %dma_start3A_47 = arith.constant 0 : i32
      %dma_start3A_48 = tpu.memref_slice %arg3[%add3A, %dma_start3A_47] : memref<32x384xi32, #tpu.memory_space<hbm>> -> memref<1x384xi32, #tpu.memory_space<hbm>>
      %dma_start3A_49 = tpu.memref_squeeze %dma_start3A_48 : memref<1x384xi32, #tpu.memory_space<hbm>> -> memref<384xi32, #tpu.memory_space<hbm>>
      tpu.enqueue_dma source(%dma_start3A_49 : memref<384xi32, #tpu.memory_space<hbm>>) target(%arg7 : memref<384xi32, #tpu.memory_space<vmem>>) target_semaphore(%run_scoped3A : memref<!tpu.dma_semaphore, #tpu.memory_space<semaphore_mem>>)
      %dma_wait3A = arith.constant 0 : i32
      %dma_wait3A_50 = tpu.memref_slice %arg3[%add3A, %dma_wait3A] : memref<32x384xi32, #tpu.memory_space<hbm>> -> memref<1x384xi32, #tpu.memory_space<hbm>>
      %dma_wait3A_51 = tpu.memref_squeeze %dma_wait3A_50 : memref<1x384xi32, #tpu.memory_space<hbm>> -> memref<384xi32, #tpu.memory_space<hbm>>
      %dma_wait3A_52 = arith.constant 0 : i32
      %dma_wait3A_53 = tpu.memref_slice %arg3[%add3A, %dma_wait3A_52] : memref<32x384xi32, #tpu.memory_space<hbm>> -> memref<1x384xi32, #tpu.memory_space<hbm>>
      %dma_wait3A_54 = tpu.memref_squeeze %dma_wait3A_53 : memref<1x384xi32, #tpu.memory_space<hbm>> -> memref<384xi32, #tpu.memory_space<hbm>>
      tpu.wait_dma2 semaphore(%run_scoped3A : memref<!tpu.dma_semaphore, #tpu.memory_space<semaphore_mem>>) src(%dma_wait3A_54 : memref<384xi32, #tpu.memory_space<hbm>>) dst(%arg7 : memref<384xi32, #tpu.memory_space<vmem>>)
      tpu.yield
    }) : () -> ()
    "tpu.region"() ({
      %run_scoped3A = tpu.sem_alloc : memref<!tpu.dma_semaphore, #tpu.memory_space<semaphore_mem>>
      tpu.enqueue_dma source(%arg4 : memref<16xf32, #tpu.memory_space<hbm>>) target(%arg8 : memref<16xf32, #tpu.memory_space<vmem>>) target_semaphore(%run_scoped3A : memref<!tpu.dma_semaphore, #tpu.memory_space<semaphore_mem>>)
      tpu.wait_dma2 semaphore(%run_scoped3A : memref<!tpu.dma_semaphore, #tpu.memory_space<semaphore_mem>>) src(%arg4 : memref<16xf32, #tpu.memory_space<hbm>>) dst(%arg8 : memref<16xf32, #tpu.memory_space<vmem>>)
      tpu.yield
    }) : () -> ()
    %get3A = arith.constant 0 : index
    %get3A_3 = tpu.vector_load %arg8[%get3A] {strides = array<i32>} : memref<16xf32, #tpu.memory_space<vmem>>, vector<16xf32>,
    %get3A_4 = vector.shape_cast %get3A_3 : vector<16xf32> to vector<16xf32>
    %parallel_loop3A = arith.constant 0 : i32
    %parallel_loop3A_5 = arith.constant 2048 : i32
    %parallel_loop3A_6 = arith.constant 16 : i32
    scf.for %parallel_loop3A_45 = %parallel_loop3A to %parallel_loop3A_5 step %parallel_loop3A_6  : i32 {
      %parallel_loop3A_46 = arith.constant 0 : i32
      %parallel_loop3A_47 = arith.index_cast %parallel_loop3A_46 : i32 to index
      %parallel_loop3A_48 = arith.index_cast %parallel_loop3A_45 : i32 to index
      %parallel_loop3A_49 = tpu.vector_load %arg6[%parallel_loop3A_47, %parallel_loop3A_48] {strides = array<i32>} : memref<10x2048xf32, #tpu.memory_space<vmem>>, vector<1x16xf32>,
      %parallel_loop3A_50 = vector.shape_cast %parallel_loop3A_49 : vector<1x16xf32> to vector<16xf32>
      %parallel_loop3A_51 = arith.mulf %parallel_loop3A_50, %get3A_4 : vector<16xf32>
      %parallel_loop3A_52 = arith.constant 0 : i32
      %parallel_loop3A_53 = arith.index_cast %parallel_loop3A_52 : i32 to index
      %parallel_loop3A_54 = arith.index_cast %parallel_loop3A_45 : i32 to index
      %parallel_loop3A_55 = tpu.vector_load %arg6[%parallel_loop3A_53, %parallel_loop3A_54] {strides = array<i32>} : memref<10x2048xf32, #tpu.memory_space<vmem>>, vector<1x16xf32>,
      %parallel_loop3A_56 = vector.shape_cast %parallel_loop3A_55 : vector<1x16xf32> to vector<16xf32>
      %parallel_loop3A_57 = vector.shape_cast %parallel_loop3A_51 : vector<16xf32> to vector<1x16xf32>
      tpu.vector_store %arg6[%parallel_loop3A_53, %parallel_loop3A_54], %parallel_loop3A_57 {strides = array<i32>} : memref<10x2048xf32, #tpu.memory_space<vmem>>, vector<1x16xf32>,
    } {sc.loop_unroll_factor = 8 : i64, sc.parallel_access}
    %parallel_loop3A_7 = arith.constant 0 : i32
    %parallel_loop3A_8 = arith.constant 2048 : i32
    %parallel_loop3A_9 = arith.constant 16 : i32
    scf.for %parallel_loop3A_45 = %parallel_loop3A_7 to %parallel_loop3A_8 step %parallel_loop3A_9  : i32 {
      %parallel_loop3A_46 = arith.constant 1 : i32
      %parallel_loop3A_47 = arith.index_cast %parallel_loop3A_46 : i32 to index
      %parallel_loop3A_48 = arith.index_cast %parallel_loop3A_45 : i32 to index
      %parallel_loop3A_49 = tpu.vector_load %arg6[%parallel_loop3A_47, %parallel_loop3A_48] {strides = array<i32>} : memref<10x2048xf32, #tpu.memory_space<vmem>>, vector<1x16xf32>,
      %parallel_loop3A_50 = vector.shape_cast %parallel_loop3A_49 : vector<1x16xf32> to vector<16xf32>
      %parallel_loop3A_51 = arith.mulf %parallel_loop3A_50, %get3A_4 : vector<16xf32>
      %parallel_loop3A_52 = arith.constant 1 : i32
      %parallel_loop3A_53 = arith.index_cast %parallel_loop3A_52 : i32 to index
      %parallel_loop3A_54 = arith.index_cast %parallel_loop3A_45 : i32 to index
      %parallel_loop3A_55 = tpu.vector_load %arg6[%parallel_loop3A_53, %parallel_loop3A_54] {strides = array<i32>} : memref<10x2048xf32, #tpu.memory_space<vmem>>, vector<1x16xf32>,
      %parallel_loop3A_56 = vector.shape_cast %parallel_loop3A_55 : vector<1x16xf32> to vector<16xf32>
      %parallel_loop3A_57 = vector.shape_cast %parallel_loop3A_51 : vector<16xf32> to vector<1x16xf32>
      tpu.vector_store %arg6[%parallel_loop3A_53, %parallel_loop3A_54], %parallel_loop3A_57 {strides = array<i32>} : memref<10x2048xf32, #tpu.memory_space<vmem>>, vector<1x16xf32>,
    } {sc.loop_unroll_factor = 8 : i64, sc.parallel_access}
    %parallel_loop3A_10 = arith.constant 0 : i32
    %parallel_loop3A_11 = arith.constant 2048 : i32
    %parallel_loop3A_12 = arith.constant 16 : i32
    scf.for %parallel_loop3A_45 = %parallel_loop3A_10 to %parallel_loop3A_11 step %parallel_loop3A_12  : i32 {
      %parallel_loop3A_46 = arith.constant 2 : i32
      %parallel_loop3A_47 = arith.index_cast %parallel_loop3A_46 : i32 to index
      %parallel_loop3A_48 = arith.index_cast %parallel_loop3A_45 : i32 to index
      %parallel_loop3A_49 = tpu.vector_load %arg6[%parallel_loop3A_47, %parallel_loop3A_48] {strides = array<i32>} : memref<10x2048xf32, #tpu.memory_space<vmem>>, vector<1x16xf32>,
      %parallel_loop3A_50 = vector.shape_cast %parallel_loop3A_49 : vector<1x16xf32> to vector<16xf32>
      %parallel_loop3A_51 = arith.mulf %parallel_loop3A_50, %get3A_4 : vector<16xf32>
      %parallel_loop3A_52 = arith.constant 2 : i32
      %parallel_loop3A_53 = arith.index_cast %parallel_loop3A_52 : i32 to index
      %parallel_loop3A_54 = arith.index_cast %parallel_loop3A_45 : i32 to index
      %parallel_loop3A_55 = tpu.vector_load %arg6[%parallel_loop3A_53, %parallel_loop3A_54] {strides = array<i32>} : memref<10x2048xf32, #tpu.memory_space<vmem>>, vector<1x16xf32>,
      %parallel_loop3A_56 = vector.shape_cast %parallel_loop3A_55 : vector<1x16xf32> to vector<16xf32>
      %parallel_loop3A_57 = vector.shape_cast %parallel_loop3A_51 : vector<16xf32> to vector<1x16xf32>
      tpu.vector_store %arg6[%parallel_loop3A_53, %parallel_loop3A_54], %parallel_loop3A_57 {strides = array<i32>} : memref<10x2048xf32, #tpu.memory_space<vmem>>, vector<1x16xf32>,
    } {sc.loop_unroll_factor = 8 : i64, sc.parallel_access}
    %parallel_loop3A_13 = arith.constant 0 : i32
    %parallel_loop3A_14 = arith.constant 2048 : i32
    %parallel_loop3A_15 = arith.constant 16 : i32
    scf.for %parallel_loop3A_45 = %parallel_loop3A_13 to %parallel_loop3A_14 step %parallel_loop3A_15  : i32 {
      %parallel_loop3A_46 = arith.constant 3 : i32
      %parallel_loop3A_47 = arith.index_cast %parallel_loop3A_46 : i32 to index
      %parallel_loop3A_48 = arith.index_cast %parallel_loop3A_45 : i32 to index
      %parallel_loop3A_49 = tpu.vector_load %arg6[%parallel_loop3A_47, %parallel_loop3A_48] {strides = array<i32>} : memref<10x2048xf32, #tpu.memory_space<vmem>>, vector<1x16xf32>,
      %parallel_loop3A_50 = vector.shape_cast %parallel_loop3A_49 : vector<1x16xf32> to vector<16xf32>
      %parallel_loop3A_51 = arith.mulf %parallel_loop3A_50, %get3A_4 : vector<16xf32>
      %parallel_loop3A_52 = arith.constant 3 : i32
      %parallel_loop3A_53 = arith.index_cast %parallel_loop3A_52 : i32 to index
      %parallel_loop3A_54 = arith.index_cast %parallel_loop3A_45 : i32 to index
      %parallel_loop3A_55 = tpu.vector_load %arg6[%parallel_loop3A_53, %parallel_loop3A_54] {strides = array<i32>} : memref<10x2048xf32, #tpu.memory_space<vmem>>, vector<1x16xf32>,
      %parallel_loop3A_56 = vector.shape_cast %parallel_loop3A_55 : vector<1x16xf32> to vector<16xf32>
      %parallel_loop3A_57 = vector.shape_cast %parallel_loop3A_51 : vector<16xf32> to vector<1x16xf32>
      tpu.vector_store %arg6[%parallel_loop3A_53, %parallel_loop3A_54], %parallel_loop3A_57 {strides = array<i32>} : memref<10x2048xf32, #tpu.memory_space<vmem>>, vector<1x16xf32>,
    } {sc.loop_unroll_factor = 8 : i64, sc.parallel_access}
    %parallel_loop3A_16 = arith.constant 0 : i32
    %parallel_loop3A_17 = arith.constant 2048 : i32
    %parallel_loop3A_18 = arith.constant 16 : i32
    scf.for %parallel_loop3A_45 = %parallel_loop3A_16 to %parallel_loop3A_17 step %parallel_loop3A_18  : i32 {
      %parallel_loop3A_46 = arith.constant 4 : i32
      %parallel_loop3A_47 = arith.index_cast %parallel_loop3A_46 : i32 to index
      %parallel_loop3A_48 = arith.index_cast %parallel_loop3A_45 : i32 to index
      %parallel_loop3A_49 = tpu.vector_load %arg6[%parallel_loop3A_47, %parallel_loop3A_48] {strides = array<i32>} : memref<10x2048xf32, #tpu.memory_space<vmem>>, vector<1x16xf32>,
      %parallel_loop3A_50 = vector.shape_cast %parallel_loop3A_49 : vector<1x16xf32> to vector<16xf32>
      %parallel_loop3A_51 = arith.mulf %parallel_loop3A_50, %get3A_4 : vector<16xf32>
      %parallel_loop3A_52 = arith.constant 4 : i32
      %parallel_loop3A_53 = arith.index_cast %parallel_loop3A_52 : i32 to index
      %parallel_loop3A_54 = arith.index_cast %parallel_loop3A_45 : i32 to index
      %parallel_loop3A_55 = tpu.vector_load %arg6[%parallel_loop3A_53, %parallel_loop3A_54] {strides = array<i32>} : memref<10x2048xf32, #tpu.memory_space<vmem>>, vector<1x16xf32>,
      %parallel_loop3A_56 = vector.shape_cast %parallel_loop3A_55 : vector<1x16xf32> to vector<16xf32>
      %parallel_loop3A_57 = vector.shape_cast %parallel_loop3A_51 : vector<16xf32> to vector<1x16xf32>
      tpu.vector_store %arg6[%parallel_loop3A_53, %parallel_loop3A_54], %parallel_loop3A_57 {strides = array<i32>} : memref<10x2048xf32, #tpu.memory_space<vmem>>, vector<1x16xf32>,
    } {sc.loop_unroll_factor = 8 : i64, sc.parallel_access}
    %parallel_loop3A_19 = arith.constant 0 : i32
    %parallel_loop3A_20 = arith.constant 2048 : i32
    %parallel_loop3A_21 = arith.constant 16 : i32
    scf.for %parallel_loop3A_45 = %parallel_loop3A_19 to %parallel_loop3A_20 step %parallel_loop3A_21  : i32 {
      %parallel_loop3A_46 = arith.constant 5 : i32
      %parallel_loop3A_47 = arith.index_cast %parallel_loop3A_46 : i32 to index
      %parallel_loop3A_48 = arith.index_cast %parallel_loop3A_45 : i32 to index
      %parallel_loop3A_49 = tpu.vector_load %arg6[%parallel_loop3A_47, %parallel_loop3A_48] {strides = array<i32>} : memref<10x2048xf32, #tpu.memory_space<vmem>>, vector<1x16xf32>,
      %parallel_loop3A_50 = vector.shape_cast %parallel_loop3A_49 : vector<1x16xf32> to vector<16xf32>
      %parallel_loop3A_51 = arith.mulf %parallel_loop3A_50, %get3A_4 : vector<16xf32>
      %parallel_loop3A_52 = arith.constant 5 : i32
      %parallel_loop3A_53 = arith.index_cast %parallel_loop3A_52 : i32 to index
      %parallel_loop3A_54 = arith.index_cast %parallel_loop3A_45 : i32 to index
      %parallel_loop3A_55 = tpu.vector_load %arg6[%parallel_loop3A_53, %parallel_loop3A_54] {strides = array<i32>} : memref<10x2048xf32, #tpu.memory_space<vmem>>, vector<1x16xf32>,
      %parallel_loop3A_56 = vector.shape_cast %parallel_loop3A_55 : vector<1x16xf32> to vector<16xf32>
      %parallel_loop3A_57 = vector.shape_cast %parallel_loop3A_51 : vector<16xf32> to vector<1x16xf32>
      tpu.vector_store %arg6[%parallel_loop3A_53, %parallel_loop3A_54], %parallel_loop3A_57 {strides = array<i32>} : memref<10x2048xf32, #tpu.memory_space<vmem>>, vector<1x16xf32>,
    } {sc.loop_unroll_factor = 8 : i64, sc.parallel_access}
    %parallel_loop3A_22 = arith.constant 0 : i32
    %parallel_loop3A_23 = arith.constant 2048 : i32
    %parallel_loop3A_24 = arith.constant 16 : i32
    scf.for %parallel_loop3A_45 = %parallel_loop3A_22 to %parallel_loop3A_23 step %parallel_loop3A_24  : i32 {
      %parallel_loop3A_46 = arith.constant 6 : i32
      %parallel_loop3A_47 = arith.index_cast %parallel_loop3A_46 : i32 to index
      %parallel_loop3A_48 = arith.index_cast %parallel_loop3A_45 : i32 to index
      %parallel_loop3A_49 = tpu.vector_load %arg6[%parallel_loop3A_47, %parallel_loop3A_48] {strides = array<i32>} : memref<10x2048xf32, #tpu.memory_space<vmem>>, vector<1x16xf32>,
      %parallel_loop3A_50 = vector.shape_cast %parallel_loop3A_49 : vector<1x16xf32> to vector<16xf32>
      %parallel_loop3A_51 = arith.mulf %parallel_loop3A_50, %get3A_4 : vector<16xf32>
      %parallel_loop3A_52 = arith.constant 6 : i32
      %parallel_loop3A_53 = arith.index_cast %parallel_loop3A_52 : i32 to index
      %parallel_loop3A_54 = arith.index_cast %parallel_loop3A_45 : i32 to index
      %parallel_loop3A_55 = tpu.vector_load %arg6[%parallel_loop3A_53, %parallel_loop3A_54] {strides = array<i32>} : memref<10x2048xf32, #tpu.memory_space<vmem>>, vector<1x16xf32>,
      %parallel_loop3A_56 = vector.shape_cast %parallel_loop3A_55 : vector<1x16xf32> to vector<16xf32>
      %parallel_loop3A_57 = vector.shape_cast %parallel_loop3A_51 : vector<16xf32> to vector<1x16xf32>
      tpu.vector_store %arg6[%parallel_loop3A_53, %parallel_loop3A_54], %parallel_loop3A_57 {strides = array<i32>} : memref<10x2048xf32, #tpu.memory_space<vmem>>, vector<1x16xf32>,
    } {sc.loop_unroll_factor = 8 : i64, sc.parallel_access}
    %parallel_loop3A_25 = arith.constant 0 : i32
    %parallel_loop3A_26 = arith.constant 2048 : i32
    %parallel_loop3A_27 = arith.constant 16 : i32
    scf.for %parallel_loop3A_45 = %parallel_loop3A_25 to %parallel_loop3A_26 step %parallel_loop3A_27  : i32 {
      %parallel_loop3A_46 = arith.constant 7 : i32
      %parallel_loop3A_47 = arith.index_cast %parallel_loop3A_46 : i32 to index
      %parallel_loop3A_48 = arith.index_cast %parallel_loop3A_45 : i32 to index
      %parallel_loop3A_49 = tpu.vector_load %arg6[%parallel_loop3A_47, %parallel_loop3A_48] {strides = array<i32>} : memref<10x2048xf32, #tpu.memory_space<vmem>>, vector<1x16xf32>,
      %parallel_loop3A_50 = vector.shape_cast %parallel_loop3A_49 : vector<1x16xf32> to vector<16xf32>
      %parallel_loop3A_51 = arith.mulf %parallel_loop3A_50, %get3A_4 : vector<16xf32>
      %parallel_loop3A_52 = arith.constant 7 : i32
      %parallel_loop3A_53 = arith.index_cast %parallel_loop3A_52 : i32 to index
      %parallel_loop3A_54 = arith.index_cast %parallel_loop3A_45 : i32 to index
      %parallel_loop3A_55 = tpu.vector_load %arg6[%parallel_loop3A_53, %parallel_loop3A_54] {strides = array<i32>} : memref<10x2048xf32, #tpu.memory_space<vmem>>, vector<1x16xf32>,
      %parallel_loop3A_56 = vector.shape_cast %parallel_loop3A_55 : vector<1x16xf32> to vector<16xf32>
      %parallel_loop3A_57 = vector.shape_cast %parallel_loop3A_51 : vector<16xf32> to vector<1x16xf32>
      tpu.vector_store %arg6[%parallel_loop3A_53, %parallel_loop3A_54], %parallel_loop3A_57 {strides = array<i32>} : memref<10x2048xf32, #tpu.memory_space<vmem>>, vector<1x16xf32>,
    } {sc.loop_unroll_factor = 8 : i64, sc.parallel_access}
    %parallel_loop3A_28 = arith.constant 0 : i32
    %parallel_loop3A_29 = arith.constant 2048 : i32
    %parallel_loop3A_30 = arith.constant 16 : i32
    scf.for %parallel_loop3A_45 = %parallel_loop3A_28 to %parallel_loop3A_29 step %parallel_loop3A_30  : i32 {
      %parallel_loop3A_46 = arith.constant 8 : i32
      %parallel_loop3A_47 = arith.index_cast %parallel_loop3A_46 : i32 to index
      %parallel_loop3A_48 = arith.index_cast %parallel_loop3A_45 : i32 to index
      %parallel_loop3A_49 = tpu.vector_load %arg6[%parallel_loop3A_47, %parallel_loop3A_48] {strides = array<i32>} : memref<10x2048xf32, #tpu.memory_space<vmem>>, vector<1x16xf32>,
      %parallel_loop3A_50 = vector.shape_cast %parallel_loop3A_49 : vector<1x16xf32> to vector<16xf32>
      %parallel_loop3A_51 = arith.mulf %parallel_loop3A_50, %get3A_4 : vector<16xf32>
      %parallel_loop3A_52 = arith.constant 8 : i32
      %parallel_loop3A_53 = arith.index_cast %parallel_loop3A_52 : i32 to index
      %parallel_loop3A_54 = arith.index_cast %parallel_loop3A_45 : i32 to index
      %parallel_loop3A_55 = tpu.vector_load %arg6[%parallel_loop3A_53, %parallel_loop3A_54] {strides = array<i32>} : memref<10x2048xf32, #tpu.memory_space<vmem>>, vector<1x16xf32>,
      %parallel_loop3A_56 = vector.shape_cast %parallel_loop3A_55 : vector<1x16xf32> to vector<16xf32>
      %parallel_loop3A_57 = vector.shape_cast %parallel_loop3A_51 : vector<16xf32> to vector<1x16xf32>
      tpu.vector_store %arg6[%parallel_loop3A_53, %parallel_loop3A_54], %parallel_loop3A_57 {strides = array<i32>} : memref<10x2048xf32, #tpu.memory_space<vmem>>, vector<1x16xf32>,
    } {sc.loop_unroll_factor = 8 : i64, sc.parallel_access}
    %parallel_loop3A_31 = arith.constant 0 : i32
    %parallel_loop3A_32 = arith.constant 2048 : i32
    %parallel_loop3A_33 = arith.constant 16 : i32
    scf.for %parallel_loop3A_45 = %parallel_loop3A_31 to %parallel_loop3A_32 step %parallel_loop3A_33  : i32 {
      %parallel_loop3A_46 = arith.constant 9 : i32
      %parallel_loop3A_47 = arith.index_cast %parallel_loop3A_46 : i32 to index
      %parallel_loop3A_48 = arith.index_cast %parallel_loop3A_45 : i32 to index
      %parallel_loop3A_49 = tpu.vector_load %arg6[%parallel_loop3A_47, %parallel_loop3A_48] {strides = array<i32>} : memref<10x2048xf32, #tpu.memory_space<vmem>>, vector<1x16xf32>,
      %parallel_loop3A_50 = vector.shape_cast %parallel_loop3A_49 : vector<1x16xf32> to vector<16xf32>
      %parallel_loop3A_51 = arith.mulf %parallel_loop3A_50, %get3A_4 : vector<16xf32>
      %parallel_loop3A_52 = arith.constant 9 : i32
      %parallel_loop3A_53 = arith.index_cast %parallel_loop3A_52 : i32 to index
      %parallel_loop3A_54 = arith.index_cast %parallel_loop3A_45 : i32 to index
      %parallel_loop3A_55 = tpu.vector_load %arg6[%parallel_loop3A_53, %parallel_loop3A_54] {strides = array<i32>} : memref<10x2048xf32, #tpu.memory_space<vmem>>, vector<1x16xf32>,
      %parallel_loop3A_56 = vector.shape_cast %parallel_loop3A_55 : vector<1x16xf32> to vector<16xf32>
      %parallel_loop3A_57 = vector.shape_cast %parallel_loop3A_51 : vector<16xf32> to vector<1x16xf32>
      tpu.vector_store %arg6[%parallel_loop3A_53, %parallel_loop3A_54], %parallel_loop3A_57 {strides = array<i32>} : memref<10x2048xf32, #tpu.memory_space<vmem>>, vector<1x16xf32>,
    } {sc.loop_unroll_factor = 8 : i64, sc.parallel_access}
    %scan3A = arith.constant 0 : i32
    %scan3A_34 = arith.constant 0 : i32
    %scan3A_35 = arith.constant 24 : i32
    %scan3A_36 = arith.addi %scan3A_34, %scan3A_35 : i32
    %scan3A_37 = arith.constant 1 : i32
    scf.for %scan3A_45 = %scan3A_34 to %scan3A_36 step %scan3A_37  : i32 {
      %mul3A_46 = arith.constant 16 : i32
      %mul3A_47 = arith.muli %scan3A_45, %mul3A_46 : i32
      %get3A_48 = arith.index_cast %mul3A_47 : i32 to index
      %get3A_49 = tpu.vector_load %arg7[%get3A_48] {strides = array<i32>} : memref<384xi32, #tpu.memory_space<vmem>>, vector<16xi32>,
      %get3A_50 = vector.shape_cast %get3A_49 : vector<16xi32> to vector<16xi32>
      %slice3A = vector.extract_strided_slice %get3A_50 {offsets = [0], sizes = [1], strides = [1]} : vector<16xi32> to vector<1xi32>
      %squeeze3A = vector.extract %slice3A[0] : i32 from vector<1xi32>
      %mul3A_51 = arith.constant 16 : i32
      %mul3A_52 = arith.muli %scan3A_45, %mul3A_51 : i32
      %add3A_53 = arith.addi %mul3A_2, %mul3A_52 : i32
      %add3A_54 = arith.constant 0 : i32
      %add3A_55 = arith.addi %add3A_53, %add3A_54 : i32
      %dma_start3A = arith.constant 0 : i32
      %dma_start3A_56 = tpu.memref_slice %arg6[%squeeze3A, %dma_start3A] : memref<10x2048xf32, #tpu.memory_space<vmem>> -> memref<1x2048xf32, #tpu.memory_space<vmem>>
      %dma_start3A_57 = arith.constant 0 : i32
      %dma_start3A_58 = tpu.memref_slice %arg5[%add3A_55, %dma_start3A_57] : memref<16384x2048xf32, #tpu.memory_space<hbm>> -> memref<1x2048xf32, #tpu.memory_space<hbm>>
      %dma_start3A_59 = arith.constant 0 : i32
      %dma_start3A_60 = tpu.memref_slice %arg5[%add3A_55, %dma_start3A_59] : memref<16384x2048xf32, #tpu.memory_space<hbm>> -> memref<1x2048xf32, #tpu.memory_space<hbm>>
      %dma_start3A_61 = arith.constant 0 : i32
      %dma_start3A_62 = tpu.memref_slice %arg6[%squeeze3A, %dma_start3A_61] : memref<10x2048xf32, #tpu.memory_space<vmem>> -> memref<1x2048xf32, #tpu.memory_space<vmem>>
      tpu.enqueue_dma source(%dma_start3A_62 : memref<1x2048xf32, #tpu.memory_space<vmem>>) target(%dma_start3A_60 : memref<1x2048xf32, #tpu.memory_space<hbm>>) target_semaphore(%arg9 : memref<!tpu.dma_semaphore, #tpu.memory_space<semaphore_mem>>)
      %slice3A_63 = vector.extract_strided_slice %get3A_50 {offsets = [1], sizes = [1], strides = [1]} : vector<16xi32> to vector<1xi32>
      %squeeze3A_64 = vector.extract %slice3A_63[0] : i32 from vector<1xi32>
      %mul3A_65 = arith.constant 16 : i32
      %mul3A_66 = arith.muli %scan3A_45, %mul3A_65 : i32
      %add3A_67 = arith.addi %mul3A_2, %mul3A_66 : i32
      %add3A_68 = arith.constant 1 : i32
      %add3A_69 = arith.addi %add3A_67, %add3A_68 : i32
      %dma_start3A_70 = arith.constant 0 : i32
      %dma_start3A_71 = tpu.memref_slice %arg6[%squeeze3A_64, %dma_start3A_70] : memref<10x2048xf32, #tpu.memory_space<vmem>> -> memref<1x2048xf32, #tpu.memory_space<vmem>>
      %dma_start3A_72 = arith.constant 0 : i32
      %dma_start3A_73 = tpu.memref_slice %arg5[%add3A_69, %dma_start3A_72] : memref<16384x2048xf32, #tpu.memory_space<hbm>> -> memref<1x2048xf32, #tpu.memory_space<hbm>>
      %dma_start3A_74 = arith.constant 0 : i32
      %dma_start3A_75 = tpu.memref_slice %arg5[%add3A_69, %dma_start3A_74] : memref<16384x2048xf32, #tpu.memory_space<hbm>> -> memref<1x2048xf32, #tpu.memory_space<hbm>>
      %dma_start3A_76 = arith.constant 0 : i32
      %dma_start3A_77 = tpu.memref_slice %arg6[%squeeze3A_64, %dma_start3A_76] : memref<10x2048xf32, #tpu.memory_space<vmem>> -> memref<1x2048xf32, #tpu.memory_space<vmem>>
      tpu.enqueue_dma source(%dma_start3A_77 : memref<1x2048xf32, #tpu.memory_space<vmem>>) target(%dma_start3A_75 : memref<1x2048xf32, #tpu.memory_space<hbm>>) target_semaphore(%arg9 : memref<!tpu.dma_semaphore, #tpu.memory_space<semaphore_mem>>)
      %slice3A_78 = vector.extract_strided_slice %get3A_50 {offsets = [2], sizes = [1], strides = [1]} : vector<16xi32> to vector<1xi32>
      %squeeze3A_79 = vector.extract %slice3A_78[0] : i32 from vector<1xi32>
      %mul3A_80 = arith.constant 16 : i32
      %mul3A_81 = arith.muli %scan3A_45, %mul3A_80 : i32
      %add3A_82 = arith.addi %mul3A_2, %mul3A_81 : i32
      %add3A_83 = arith.constant 2 : i32
      %add3A_84 = arith.addi %add3A_82, %add3A_83 : i32
      %dma_start3A_85 = arith.constant 0 : i32
      %dma_start3A_86 = tpu.memref_slice %arg6[%squeeze3A_79, %dma_start3A_85] : memref<10x2048xf32, #tpu.memory_space<vmem>> -> memref<1x2048xf32, #tpu.memory_space<vmem>>
      %dma_start3A_87 = arith.constant 0 : i32
      %dma_start3A_88 = tpu.memref_slice %arg5[%add3A_84, %dma_start3A_87] : memref<16384x2048xf32, #tpu.memory_space<hbm>> -> memref<1x2048xf32, #tpu.memory_space<hbm>>
      %dma_start3A_89 = arith.constant 0 : i32
      %dma_start3A_90 = tpu.memref_slice %arg5[%add3A_84, %dma_start3A_89] : memref<16384x2048xf32, #tpu.memory_space<hbm>> -> memref<1x2048xf32, #tpu.memory_space<hbm>>
      %dma_start3A_91 = arith.constant 0 : i32
      %dma_start3A_92 = tpu.memref_slice %arg6[%squeeze3A_79, %dma_start3A_91] : memref<10x2048xf32, #tpu.memory_space<vmem>> -> memref<1x2048xf32, #tpu.memory_space<vmem>>
      tpu.enqueue_dma source(%dma_start3A_92 : memref<1x2048xf32, #tpu.memory_space<vmem>>) target(%dma_start3A_90 : memref<1x2048xf32, #tpu.memory_space<hbm>>) target_semaphore(%arg9 : memref<!tpu.dma_semaphore, #tpu.memory_space<semaphore_mem>>)
      %slice3A_93 = vector.extract_strided_slice %get3A_50 {offsets = [3], sizes = [1], strides = [1]} : vector<16xi32> to vector<1xi32>
      %squeeze3A_94 = vector.extract %slice3A_93[0] : i32 from vector<1xi32>
      %mul3A_95 = arith.constant 16 : i32
      %mul3A_96 = arith.muli %scan3A_45, %mul3A_95 : i32
      %add3A_97 = arith.addi %mul3A_2, %mul3A_96 : i32
      %add3A_98 = arith.constant 3 : i32
      %add3A_99 = arith.addi %add3A_97, %add3A_98 : i32
      %dma_start3A_100 = arith.constant 0 : i32
      %dma_start3A_101 = tpu.memref_slice %arg6[%squeeze3A_94, %dma_start3A_100] : memref<10x2048xf32, #tpu.memory_space<vmem>> -> memref<1x2048xf32, #tpu.memory_space<vmem>>
      %dma_start3A_102 = arith.constant 0 : i32
      %dma_start3A_103 = tpu.memref_slice %arg5[%add3A_99, %dma_start3A_102] : memref<16384x2048xf32, #tpu.memory_space<hbm>> -> memref<1x2048xf32, #tpu.memory_space<hbm>>
      %dma_start3A_104 = arith.constant 0 : i32
      %dma_start3A_105 = tpu.memref_slice %arg5[%add3A_99, %dma_start3A_104] : memref<16384x2048xf32, #tpu.memory_space<hbm>> -> memref<1x2048xf32, #tpu.memory_space<hbm>>
      %dma_start3A_106 = arith.constant 0 : i32
      %dma_start3A_107 = tpu.memref_slice %arg6[%squeeze3A_94, %dma_start3A_106] : memref<10x2048xf32, #tpu.memory_space<vmem>> -> memref<1x2048xf32, #tpu.memory_space<vmem>>
      tpu.enqueue_dma source(%dma_start3A_107 : memref<1x2048xf32, #tpu.memory_space<vmem>>) target(%dma_start3A_105 : memref<1x2048xf32, #tpu.memory_space<hbm>>) target_semaphore(%arg9 : memref<!tpu.dma_semaphore, #tpu.memory_space<semaphore_mem>>)
      %slice3A_108 = vector.extract_strided_slice %get3A_50 {offsets = [4], sizes = [1], strides = [1]} : vector<16xi32> to vector<1xi32>
      %squeeze3A_109 = vector.extract %slice3A_108[0] : i32 from vector<1xi32>
      %mul3A_110 = arith.constant 16 : i32
      %mul3A_111 = arith.muli %scan3A_45, %mul3A_110 : i32
      %add3A_112 = arith.addi %mul3A_2, %mul3A_111 : i32
      %add3A_113 = arith.constant 4 : i32
      %add3A_114 = arith.addi %add3A_112, %add3A_113 : i32
      %dma_start3A_115 = arith.constant 0 : i32
      %dma_start3A_116 = tpu.memref_slice %arg6[%squeeze3A_109, %dma_start3A_115] : memref<10x2048xf32, #tpu.memory_space<vmem>> -> memref<1x2048xf32, #tpu.memory_space<vmem>>
      %dma_start3A_117 = arith.constant 0 : i32
      %dma_start3A_118 = tpu.memref_slice %arg5[%add3A_114, %dma_start3A_117] : memref<16384x2048xf32, #tpu.memory_space<hbm>> -> memref<1x2048xf32, #tpu.memory_space<hbm>>
      %dma_start3A_119 = arith.constant 0 : i32
      %dma_start3A_120 = tpu.memref_slice %arg5[%add3A_114, %dma_start3A_119] : memref<16384x2048xf32, #tpu.memory_space<hbm>> -> memref<1x2048xf32, #tpu.memory_space<hbm>>
      %dma_start3A_121 = arith.constant 0 : i32
      %dma_start3A_122 = tpu.memref_slice %arg6[%squeeze3A_109, %dma_start3A_121] : memref<10x2048xf32, #tpu.memory_space<vmem>> -> memref<1x2048xf32, #tpu.memory_space<vmem>>
      tpu.enqueue_dma source(%dma_start3A_122 : memref<1x2048xf32, #tpu.memory_space<vmem>>) target(%dma_start3A_120 : memref<1x2048xf32, #tpu.memory_space<hbm>>) target_semaphore(%arg9 : memref<!tpu.dma_semaphore, #tpu.memory_space<semaphore_mem>>)
      %slice3A_123 = vector.extract_strided_slice %get3A_50 {offsets = [5], sizes = [1], strides = [1]} : vector<16xi32> to vector<1xi32>
      %squeeze3A_124 = vector.extract %slice3A_123[0] : i32 from vector<1xi32>
      %mul3A_125 = arith.constant 16 : i32
      %mul3A_126 = arith.muli %scan3A_45, %mul3A_125 : i32
      %add3A_127 = arith.addi %mul3A_2, %mul3A_126 : i32
      %add3A_128 = arith.constant 5 : i32
      %add3A_129 = arith.addi %add3A_127, %add3A_128 : i32
      %dma_start3A_130 = arith.constant 0 : i32
      %dma_start3A_131 = tpu.memref_slice %arg6[%squeeze3A_124, %dma_start3A_130] : memref<10x2048xf32, #tpu.memory_space<vmem>> -> memref<1x2048xf32, #tpu.memory_space<vmem>>
      %dma_start3A_132 = arith.constant 0 : i32
      %dma_start3A_133 = tpu.memref_slice %arg5[%add3A_129, %dma_start3A_132] : memref<16384x2048xf32, #tpu.memory_space<hbm>> -> memref<1x2048xf32, #tpu.memory_space<hbm>>
      %dma_start3A_134 = arith.constant 0 : i32
      %dma_start3A_135 = tpu.memref_slice %arg5[%add3A_129, %dma_start3A_134] : memref<16384x2048xf32, #tpu.memory_space<hbm>> -> memref<1x2048xf32, #tpu.memory_space<hbm>>
      %dma_start3A_136 = arith.constant 0 : i32
      %dma_start3A_137 = tpu.memref_slice %arg6[%squeeze3A_124, %dma_start3A_136] : memref<10x2048xf32, #tpu.memory_space<vmem>> -> memref<1x2048xf32, #tpu.memory_space<vmem>>
      tpu.enqueue_dma source(%dma_start3A_137 : memref<1x2048xf32, #tpu.memory_space<vmem>>) target(%dma_start3A_135 : memref<1x2048xf32, #tpu.memory_space<hbm>>) target_semaphore(%arg9 : memref<!tpu.dma_semaphore, #tpu.memory_space<semaphore_mem>>)
      %slice3A_138 = vector.extract_strided_slice %get3A_50 {offsets = [6], sizes = [1], strides = [1]} : vector<16xi32> to vector<1xi32>
      %squeeze3A_139 = vector.extract %slice3A_138[0] : i32 from vector<1xi32>
      %mul3A_140 = arith.constant 16 : i32
      %mul3A_141 = arith.muli %scan3A_45, %mul3A_140 : i32
      %add3A_142 = arith.addi %mul3A_2, %mul3A_141 : i32
      %add3A_143 = arith.constant 6 : i32
      %add3A_144 = arith.addi %add3A_142, %add3A_143 : i32
      %dma_start3A_145 = arith.constant 0 : i32
      %dma_start3A_146 = tpu.memref_slice %arg6[%squeeze3A_139, %dma_start3A_145] : memref<10x2048xf32, #tpu.memory_space<vmem>> -> memref<1x2048xf32, #tpu.memory_space<vmem>>
      %dma_start3A_147 = arith.constant 0 : i32
      %dma_start3A_148 = tpu.memref_slice %arg5[%add3A_144, %dma_start3A_147] : memref<16384x2048xf32, #tpu.memory_space<hbm>> -> memref<1x2048xf32, #tpu.memory_space<hbm>>
      %dma_start3A_149 = arith.constant 0 : i32
      %dma_start3A_150 = tpu.memref_slice %arg5[%add3A_144, %dma_start3A_149] : memref<16384x2048xf32, #tpu.memory_space<hbm>> -> memref<1x2048xf32, #tpu.memory_space<hbm>>
      %dma_start3A_151 = arith.constant 0 : i32
      %dma_start3A_152 = tpu.memref_slice %arg6[%squeeze3A_139, %dma_start3A_151] : memref<10x2048xf32, #tpu.memory_space<vmem>> -> memref<1x2048xf32, #tpu.memory_space<vmem>>
      tpu.enqueue_dma source(%dma_start3A_152 : memref<1x2048xf32, #tpu.memory_space<vmem>>) target(%dma_start3A_150 : memref<1x2048xf32, #tpu.memory_space<hbm>>) target_semaphore(%arg9 : memref<!tpu.dma_semaphore, #tpu.memory_space<semaphore_mem>>)
      %slice3A_153 = vector.extract_strided_slice %get3A_50 {offsets = [7], sizes = [1], strides = [1]} : vector<16xi32> to vector<1xi32>
      %squeeze3A_154 = vector.extract %slice3A_153[0] : i32 from vector<1xi32>
      %mul3A_155 = arith.constant 16 : i32
      %mul3A_156 = arith.muli %scan3A_45, %mul3A_155 : i32
      %add3A_157 = arith.addi %mul3A_2, %mul3A_156 : i32
      %add3A_158 = arith.constant 7 : i32
      %add3A_159 = arith.addi %add3A_157, %add3A_158 : i32
      %dma_start3A_160 = arith.constant 0 : i32
      %dma_start3A_161 = tpu.memref_slice %arg6[%squeeze3A_154, %dma_start3A_160] : memref<10x2048xf32, #tpu.memory_space<vmem>> -> memref<1x2048xf32, #tpu.memory_space<vmem>>
      %dma_start3A_162 = arith.constant 0 : i32
      %dma_start3A_163 = tpu.memref_slice %arg5[%add3A_159, %dma_start3A_162] : memref<16384x2048xf32, #tpu.memory_space<hbm>> -> memref<1x2048xf32, #tpu.memory_space<hbm>>
      %dma_start3A_164 = arith.constant 0 : i32
      %dma_start3A_165 = tpu.memref_slice %arg5[%add3A_159, %dma_start3A_164] : memref<16384x2048xf32, #tpu.memory_space<hbm>> -> memref<1x2048xf32, #tpu.memory_space<hbm>>
      %dma_start3A_166 = arith.constant 0 : i32
      %dma_start3A_167 = tpu.memref_slice %arg6[%squeeze3A_154, %dma_start3A_166] : memref<10x2048xf32, #tpu.memory_space<vmem>> -> memref<1x2048xf32, #tpu.memory_space<vmem>>
      tpu.enqueue_dma source(%dma_start3A_167 : memref<1x2048xf32, #tpu.memory_space<vmem>>) target(%dma_start3A_165 : memref<1x2048xf32, #tpu.memory_space<hbm>>) target_semaphore(%arg9 : memref<!tpu.dma_semaphore, #tpu.memory_space<semaphore_mem>>)
      %slice3A_168 = vector.extract_strided_slice %get3A_50 {offsets = [8], sizes = [1], strides = [1]} : vector<16xi32> to vector<1xi32>
      %squeeze3A_169 = vector.extract %slice3A_168[0] : i32 from vector<1xi32>
      %mul3A_170 = arith.constant 16 : i32
      %mul3A_171 = arith.muli %scan3A_45, %mul3A_170 : i32
      %add3A_172 = arith.addi %mul3A_2, %mul3A_171 : i32
      %add3A_173 = arith.constant 8 : i32
      %add3A_174 = arith.addi %add3A_172, %add3A_173 : i32
      %dma_start3A_175 = arith.constant 0 : i32
      %dma_start3A_176 = tpu.memref_slice %arg6[%squeeze3A_169, %dma_start3A_175] : memref<10x2048xf32, #tpu.memory_space<vmem>> -> memref<1x2048xf32, #tpu.memory_space<vmem>>
      %dma_start3A_177 = arith.constant 0 : i32
      %dma_start3A_178 = tpu.memref_slice %arg5[%add3A_174, %dma_start3A_177] : memref<16384x2048xf32, #tpu.memory_space<hbm>> -> memref<1x2048xf32, #tpu.memory_space<hbm>>
      %dma_start3A_179 = arith.constant 0 : i32
      %dma_start3A_180 = tpu.memref_slice %arg5[%add3A_174, %dma_start3A_179] : memref<16384x2048xf32, #tpu.memory_space<hbm>> -> memref<1x2048xf32, #tpu.memory_space<hbm>>
      %dma_start3A_181 = arith.constant 0 : i32
      %dma_start3A_182 = tpu.memref_slice %arg6[%squeeze3A_169, %dma_start3A_181] : memref<10x2048xf32, #tpu.memory_space<vmem>> -> memref<1x2048xf32, #tpu.memory_space<vmem>>
      tpu.enqueue_dma source(%dma_start3A_182 : memref<1x2048xf32, #tpu.memory_space<vmem>>) target(%dma_start3A_180 : memref<1x2048xf32, #tpu.memory_space<hbm>>) target_semaphore(%arg9 : memref<!tpu.dma_semaphore, #tpu.memory_space<semaphore_mem>>)
      %slice3A_183 = vector.extract_strided_slice %get3A_50 {offsets = [9], sizes = [1], strides = [1]} : vector<16xi32> to vector<1xi32>
      %squeeze3A_184 = vector.extract %slice3A_183[0] : i32 from vector<1xi32>
      %mul3A_185 = arith.constant 16 : i32
      %mul3A_186 = arith.muli %scan3A_45, %mul3A_185 : i32
      %add3A_187 = arith.addi %mul3A_2, %mul3A_186 : i32
      %add3A_188 = arith.constant 9 : i32
      %add3A_189 = arith.addi %add3A_187, %add3A_188 : i32
      %dma_start3A_190 = arith.constant 0 : i32
      %dma_start3A_191 = tpu.memref_slice %arg6[%squeeze3A_184, %dma_start3A_190] : memref<10x2048xf32, #tpu.memory_space<vmem>> -> memref<1x2048xf32, #tpu.memory_space<vmem>>
      %dma_start3A_192 = arith.constant 0 : i32
      %dma_start3A_193 = tpu.memref_slice %arg5[%add3A_189, %dma_start3A_192] : memref<16384x2048xf32, #tpu.memory_space<hbm>> -> memref<1x2048xf32, #tpu.memory_space<hbm>>
      %dma_start3A_194 = arith.constant 0 : i32
      %dma_start3A_195 = tpu.memref_slice %arg5[%add3A_189, %dma_start3A_194] : memref<16384x2048xf32, #tpu.memory_space<hbm>> -> memref<1x2048xf32, #tpu.memory_space<hbm>>
      %dma_start3A_196 = arith.constant 0 : i32
      %dma_start3A_197 = tpu.memref_slice %arg6[%squeeze3A_184, %dma_start3A_196] : memref<10x2048xf32, #tpu.memory_space<vmem>> -> memref<1x2048xf32, #tpu.memory_space<vmem>>
      tpu.enqueue_dma source(%dma_start3A_197 : memref<1x2048xf32, #tpu.memory_space<vmem>>) target(%dma_start3A_195 : memref<1x2048xf32, #tpu.memory_space<hbm>>) target_semaphore(%arg9 : memref<!tpu.dma_semaphore, #tpu.memory_space<semaphore_mem>>)
      %slice3A_198 = vector.extract_strided_slice %get3A_50 {offsets = [10], sizes = [1], strides = [1]} : vector<16xi32> to vector<1xi32>
      %squeeze3A_199 = vector.extract %slice3A_198[0] : i32 from vector<1xi32>
      %mul3A_200 = arith.constant 16 : i32
      %mul3A_201 = arith.muli %scan3A_45, %mul3A_200 : i32
      %add3A_202 = arith.addi %mul3A_2, %mul3A_201 : i32
      %add3A_203 = arith.constant 10 : i32
      %add3A_204 = arith.addi %add3A_202, %add3A_203 : i32
      %dma_start3A_205 = arith.constant 0 : i32
      %dma_start3A_206 = tpu.memref_slice %arg6[%squeeze3A_199, %dma_start3A_205] : memref<10x2048xf32, #tpu.memory_space<vmem>> -> memref<1x2048xf32, #tpu.memory_space<vmem>>
      %dma_start3A_207 = arith.constant 0 : i32
      %dma_start3A_208 = tpu.memref_slice %arg5[%add3A_204, %dma_start3A_207] : memref<16384x2048xf32, #tpu.memory_space<hbm>> -> memref<1x2048xf32, #tpu.memory_space<hbm>>
      %dma_start3A_209 = arith.constant 0 : i32
      %dma_start3A_210 = tpu.memref_slice %arg5[%add3A_204, %dma_start3A_209] : memref<16384x2048xf32, #tpu.memory_space<hbm>> -> memref<1x2048xf32, #tpu.memory_space<hbm>>
      %dma_start3A_211 = arith.constant 0 : i32
      %dma_start3A_212 = tpu.memref_slice %arg6[%squeeze3A_199, %dma_start3A_211] : memref<10x2048xf32, #tpu.memory_space<vmem>> -> memref<1x2048xf32, #tpu.memory_space<vmem>>
      tpu.enqueue_dma source(%dma_start3A_212 : memref<1x2048xf32, #tpu.memory_space<vmem>>) target(%dma_start3A_210 : memref<1x2048xf32, #tpu.memory_space<hbm>>) target_semaphore(%arg9 : memref<!tpu.dma_semaphore, #tpu.memory_space<semaphore_mem>>)
      %slice3A_213 = vector.extract_strided_slice %get3A_50 {offsets = [11], sizes = [1], strides = [1]} : vector<16xi32> to vector<1xi32>
      %squeeze3A_214 = vector.extract %slice3A_213[0] : i32 from vector<1xi32>
      %mul3A_215 = arith.constant 16 : i32
      %mul3A_216 = arith.muli %scan3A_45, %mul3A_215 : i32
      %add3A_217 = arith.addi %mul3A_2, %mul3A_216 : i32
      %add3A_218 = arith.constant 11 : i32
      %add3A_219 = arith.addi %add3A_217, %add3A_218 : i32
      %dma_start3A_220 = arith.constant 0 : i32
      %dma_start3A_221 = tpu.memref_slice %arg6[%squeeze3A_214, %dma_start3A_220] : memref<10x2048xf32, #tpu.memory_space<vmem>> -> memref<1x2048xf32, #tpu.memory_space<vmem>>
      %dma_start3A_222 = arith.constant 0 : i32
      %dma_start3A_223 = tpu.memref_slice %arg5[%add3A_219, %dma_start3A_222] : memref<16384x2048xf32, #tpu.memory_space<hbm>> -> memref<1x2048xf32, #tpu.memory_space<hbm>>
      %dma_start3A_224 = arith.constant 0 : i32
      %dma_start3A_225 = tpu.memref_slice %arg5[%add3A_219, %dma_start3A_224] : memref<16384x2048xf32, #tpu.memory_space<hbm>> -> memref<1x2048xf32, #tpu.memory_space<hbm>>
      %dma_start3A_226 = arith.constant 0 : i32
      %dma_start3A_227 = tpu.memref_slice %arg6[%squeeze3A_214, %dma_start3A_226] : memref<10x2048xf32, #tpu.memory_space<vmem>> -> memref<1x2048xf32, #tpu.memory_space<vmem>>
      tpu.enqueue_dma source(%dma_start3A_227 : memref<1x2048xf32, #tpu.memory_space<vmem>>) target(%dma_start3A_225 : memref<1x2048xf32, #tpu.memory_space<hbm>>) target_semaphore(%arg9 : memref<!tpu.dma_semaphore, #tpu.memory_space<semaphore_mem>>)
      %slice3A_228 = vector.extract_strided_slice %get3A_50 {offsets = [12], sizes = [1], strides = [1]} : vector<16xi32> to vector<1xi32>
      %squeeze3A_229 = vector.extract %slice3A_228[0] : i32 from vector<1xi32>
      %mul3A_230 = arith.constant 16 : i32
      %mul3A_231 = arith.muli %scan3A_45, %mul3A_230 : i32
      %add3A_232 = arith.addi %mul3A_2, %mul3A_231 : i32
      %add3A_233 = arith.constant 12 : i32
      %add3A_234 = arith.addi %add3A_232, %add3A_233 : i32
      %dma_start3A_235 = arith.constant 0 : i32
      %dma_start3A_236 = tpu.memref_slice %arg6[%squeeze3A_229, %dma_start3A_235] : memref<10x2048xf32, #tpu.memory_space<vmem>> -> memref<1x2048xf32, #tpu.memory_space<vmem>>
      %dma_start3A_237 = arith.constant 0 : i32
      %dma_start3A_238 = tpu.memref_slice %arg5[%add3A_234, %dma_start3A_237] : memref<16384x2048xf32, #tpu.memory_space<hbm>> -> memref<1x2048xf32, #tpu.memory_space<hbm>>
      %dma_start3A_239 = arith.constant 0 : i32
      %dma_start3A_240 = tpu.memref_slice %arg5[%add3A_234, %dma_start3A_239] : memref<16384x2048xf32, #tpu.memory_space<hbm>> -> memref<1x2048xf32, #tpu.memory_space<hbm>>
      %dma_start3A_241 = arith.constant 0 : i32
      %dma_start3A_242 = tpu.memref_slice %arg6[%squeeze3A_229, %dma_start3A_241] : memref<10x2048xf32, #tpu.memory_space<vmem>> -> memref<1x2048xf32, #tpu.memory_space<vmem>>
      tpu.enqueue_dma source(%dma_start3A_242 : memref<1x2048xf32, #tpu.memory_space<vmem>>) target(%dma_start3A_240 : memref<1x2048xf32, #tpu.memory_space<hbm>>) target_semaphore(%arg9 : memref<!tpu.dma_semaphore, #tpu.memory_space<semaphore_mem>>)
      %slice3A_243 = vector.extract_strided_slice %get3A_50 {offsets = [13], sizes = [1], strides = [1]} : vector<16xi32> to vector<1xi32>
      %squeeze3A_244 = vector.extract %slice3A_243[0] : i32 from vector<1xi32>
      %mul3A_245 = arith.constant 16 : i32
      %mul3A_246 = arith.muli %scan3A_45, %mul3A_245 : i32
      %add3A_247 = arith.addi %mul3A_2, %mul3A_246 : i32
      %add3A_248 = arith.constant 13 : i32
      %add3A_249 = arith.addi %add3A_247, %add3A_248 : i32
      %dma_start3A_250 = arith.constant 0 : i32
      %dma_start3A_251 = tpu.memref_slice %arg6[%squeeze3A_244, %dma_start3A_250] : memref<10x2048xf32, #tpu.memory_space<vmem>> -> memref<1x2048xf32, #tpu.memory_space<vmem>>
      %dma_start3A_252 = arith.constant 0 : i32
      %dma_start3A_253 = tpu.memref_slice %arg5[%add3A_249, %dma_start3A_252] : memref<16384x2048xf32, #tpu.memory_space<hbm>> -> memref<1x2048xf32, #tpu.memory_space<hbm>>
      %dma_start3A_254 = arith.constant 0 : i32
      %dma_start3A_255 = tpu.memref_slice %arg5[%add3A_249, %dma_start3A_254] : memref<16384x2048xf32, #tpu.memory_space<hbm>> -> memref<1x2048xf32, #tpu.memory_space<hbm>>
      %dma_start3A_256 = arith.constant 0 : i32
      %dma_start3A_257 = tpu.memref_slice %arg6[%squeeze3A_244, %dma_start3A_256] : memref<10x2048xf32, #tpu.memory_space<vmem>> -> memref<1x2048xf32, #tpu.memory_space<vmem>>
      tpu.enqueue_dma source(%dma_start3A_257 : memref<1x2048xf32, #tpu.memory_space<vmem>>) target(%dma_start3A_255 : memref<1x2048xf32, #tpu.memory_space<hbm>>) target_semaphore(%arg9 : memref<!tpu.dma_semaphore, #tpu.memory_space<semaphore_mem>>)
      %slice3A_258 = vector.extract_strided_slice %get3A_50 {offsets = [14], sizes = [1], strides = [1]} : vector<16xi32> to vector<1xi32>
      %squeeze3A_259 = vector.extract %slice3A_258[0] : i32 from vector<1xi32>
      %mul3A_260 = arith.constant 16 : i32
      %mul3A_261 = arith.muli %scan3A_45, %mul3A_260 : i32
      %add3A_262 = arith.addi %mul3A_2, %mul3A_261 : i32
      %add3A_263 = arith.constant 14 : i32
      %add3A_264 = arith.addi %add3A_262, %add3A_263 : i32
      %dma_start3A_265 = arith.constant 0 : i32
      %dma_start3A_266 = tpu.memref_slice %arg6[%squeeze3A_259, %dma_start3A_265] : memref<10x2048xf32, #tpu.memory_space<vmem>> -> memref<1x2048xf32, #tpu.memory_space<vmem>>
      %dma_start3A_267 = arith.constant 0 : i32
      %dma_start3A_268 = tpu.memref_slice %arg5[%add3A_264, %dma_start3A_267] : memref<16384x2048xf32, #tpu.memory_space<hbm>> -> memref<1x2048xf32, #tpu.memory_space<hbm>>
      %dma_start3A_269 = arith.constant 0 : i32
      %dma_start3A_270 = tpu.memref_slice %arg5[%add3A_264, %dma_start3A_269] : memref<16384x2048xf32, #tpu.memory_space<hbm>> -> memref<1x2048xf32, #tpu.memory_space<hbm>>
      %dma_start3A_271 = arith.constant 0 : i32
      %dma_start3A_272 = tpu.memref_slice %arg6[%squeeze3A_259, %dma_start3A_271] : memref<10x2048xf32, #tpu.memory_space<vmem>> -> memref<1x2048xf32, #tpu.memory_space<vmem>>
      tpu.enqueue_dma source(%dma_start3A_272 : memref<1x2048xf32, #tpu.memory_space<vmem>>) target(%dma_start3A_270 : memref<1x2048xf32, #tpu.memory_space<hbm>>) target_semaphore(%arg9 : memref<!tpu.dma_semaphore, #tpu.memory_space<semaphore_mem>>)
      %slice3A_273 = vector.extract_strided_slice %get3A_50 {offsets = [15], sizes = [1], strides = [1]} : vector<16xi32> to vector<1xi32>
      %squeeze3A_274 = vector.extract %slice3A_273[0] : i32 from vector<1xi32>
      %mul3A_275 = arith.constant 16 : i32
      %mul3A_276 = arith.muli %scan3A_45, %mul3A_275 : i32
      %add3A_277 = arith.addi %mul3A_2, %mul3A_276 : i32
      %add3A_278 = arith.constant 15 : i32
      %add3A_279 = arith.addi %add3A_277, %add3A_278 : i32
      %dma_start3A_280 = arith.constant 0 : i32
      %dma_start3A_281 = tpu.memref_slice %arg6[%squeeze3A_274, %dma_start3A_280] : memref<10x2048xf32, #tpu.memory_space<vmem>> -> memref<1x2048xf32, #tpu.memory_space<vmem>>
      %dma_start3A_282 = arith.constant 0 : i32
      %dma_start3A_283 = tpu.memref_slice %arg5[%add3A_279, %dma_start3A_282] : memref<16384x2048xf32, #tpu.memory_space<hbm>> -> memref<1x2048xf32, #tpu.memory_space<hbm>>
      %dma_start3A_284 = arith.constant 0 : i32
      %dma_start3A_285 = tpu.memref_slice %arg5[%add3A_279, %dma_start3A_284] : memref<16384x2048xf32, #tpu.memory_space<hbm>> -> memref<1x2048xf32, #tpu.memory_space<hbm>>
      %dma_start3A_286 = arith.constant 0 : i32
      %dma_start3A_287 = tpu.memref_slice %arg6[%squeeze3A_274, %dma_start3A_286] : memref<10x2048xf32, #tpu.memory_space<vmem>> -> memref<1x2048xf32, #tpu.memory_space<vmem>>
      tpu.enqueue_dma source(%dma_start3A_287 : memref<1x2048xf32, #tpu.memory_space<vmem>>) target(%dma_start3A_285 : memref<1x2048xf32, #tpu.memory_space<hbm>>) target_semaphore(%arg9 : memref<!tpu.dma_semaphore, #tpu.memory_space<semaphore_mem>>)
    }
    %scan3A_38 = arith.constant 24 : i32
    %scan3A_39 = arith.constant 0 : i32
    %scan3A_40 = arith.constant 0 : i32
    %scan3A_41 = arith.constant 384 : i32
    %scan3A_42 = arith.addi %scan3A_40, %scan3A_41 : i32
    %scan3A_43 = arith.constant 1 : i32
    scf.for %scan3A_45 = %scan3A_40 to %scan3A_42 step %scan3A_43  : i32 {
      %dma_wait3A = arith.constant 0 : i32
      %dma_wait3A_46 = arith.constant 0 : i32
      %dma_wait3A_47 = tpu.memref_slice %arg6[%dma_wait3A, %dma_wait3A_46] : memref<10x2048xf32, #tpu.memory_space<vmem>> -> memref<1x2048xf32, #tpu.memory_space<vmem>>
      %dma_wait3A_48 = arith.constant 0 : i32
      %dma_wait3A_49 = arith.constant 0 : i32
      %dma_wait3A_50 = tpu.memref_slice %arg5[%dma_wait3A_48, %dma_wait3A_49] : memref<16384x2048xf32, #tpu.memory_space<hbm>> -> memref<1x2048xf32, #tpu.memory_space<hbm>>
      %dma_wait3A_51 = arith.constant 0 : i32
      %dma_wait3A_52 = arith.constant 0 : i32
      %dma_wait3A_53 = tpu.memref_slice %arg5[%dma_wait3A_51, %dma_wait3A_52] : memref<16384x2048xf32, #tpu.memory_space<hbm>> -> memref<1x2048xf32, #tpu.memory_space<hbm>>
      %dma_wait3A_54 = arith.constant 0 : i32
      %dma_wait3A_55 = arith.constant 0 : i32
      %dma_wait3A_56 = tpu.memref_slice %arg6[%dma_wait3A_54, %dma_wait3A_55] : memref<10x2048xf32, #tpu.memory_space<vmem>> -> memref<1x2048xf32, #tpu.memory_space<vmem>>
      tpu.wait_dma2 semaphore(%arg9 : memref<!tpu.dma_semaphore, #tpu.memory_space<semaphore_mem>>) src(%dma_wait3A_56 : memref<1x2048xf32, #tpu.memory_space<vmem>>) dst(%dma_wait3A_53 : memref<1x2048xf32, #tpu.memory_space<hbm>>)
    }
    %scan3A_44 = arith.constant 384 : i32
    return
  }
}

module attributes {stable_mosaic.version = 14 : i64} {
  func.func @_tc_body(%arg0: i32, %arg1: memref<1xf32, #tpu.memory_space<smem>>, %arg2: memref<1x1x1024xi32, #tpu.memory_space<vmem>>, %arg3: memref<16x2048xf32, #tpu.memory_space<vmem>>, %arg4: memref<16384x2048xf32, #tpu.memory_space<hbm>>, %arg5: memref<1024x2048xf32, #tpu.memory_space<vmem>>) attributes {dimension_semantics = [#tpu.dimension_semantics<arbitrary>], iteration_bounds = array<i64: 4>, scalar_prefetch = 0 : i64, scratch_operands = 0 : i64, tpu.core_type = #tpu.core_type<tc>, window_params = [{transform_indices = @transform_0, window_bounds = array<i64: 1>}, {transform_indices = @transform_1, window_bounds = array<i64: 1, 1, 1024>}, {pipeline_mode = #tpu.pipeline_mode<synchronous>, transform_indices = @transform_2, window_bounds = array<i64: 16, 2048>}, {}, {transform_indices = @transform_4, window_bounds = array<i64: 1024, 2048>}]} {
    %get3A = arith.constant 0 : index
    %get3A_0 = arith.constant 0 : index
    %get3A_1 = arith.constant 0 : index
    %get3A_2 = vector.load %arg2[%get3A, %get3A_0, %get3A_1] : memref<1x1x1024xi32, #tpu.memory_space<vmem>>, vector<1x1x1024xi32>
    %get3A_3 = vector.shape_cast %get3A_2 : vector<1x1x1024xi32> to vector<1024xi32>
    %broadcast_in_dim3A = vector.shape_cast %get3A_3 : vector<1024xi32> to vector<1024x1xi32>
    %iota3A = tpu.iota {dimensions = array<i32: 1>} : vector<1024x16xi32>
    %eq3A = vector.broadcast %broadcast_in_dim3A : vector<1024x1xi32> to vector<1024x16xi32>
    %eq3A_4 = arith.cmpi eq, %eq3A, %iota3A : vector<1024x16xi32>
    %get3A_5 = arith.constant 0 : index
    %get3A_6 = memref.load %arg1[%get3A_5] : memref<1xf32, #tpu.memory_space<smem>>
    %jit3A = arith.constant 0.000000e+00 : f32
    %broadcast_in_dim3A_7 = vector.broadcast %get3A_6 : f32 to vector<1024x16xf32>
    %broadcast_in_dim3A_8 = vector.broadcast %jit3A : f32 to vector<1024x16xf32>
    %select_n3A = arith.select %eq3A_4, %broadcast_in_dim3A_7, %broadcast_in_dim3A_8 : vector<1024x16xi1>, vector<1024x16xf32>
    %get3A_9 = arith.constant 0 : index
    %get3A_10 = arith.constant 0 : index
    %get3A_11 = vector.load %arg3[%get3A_9, %get3A_10] : memref<16x2048xf32, #tpu.memory_space<vmem>>, vector<16x2048xf32>
    %dot_general3A = arith.constant dense<0.000000e+00> : vector<1024x2048xf32>
    %dot_general3A_12 = tpu.matmul %select_n3A, %get3A_11, %dot_general3A {dimension_numbers = #tpu.dot_dimension_numbers<[1], [0], [0], [1], [0, 0, 1, 1], [], []>, transpose_lhs_hint = false} : vector<1024x16xf32>, vector<16x2048xf32>, vector<1024x2048xf32> -> vector<1024x2048xf32>
    %swap3A = arith.constant 0 : index
    %swap3A_13 = arith.constant 0 : index
    %swap3A_14 = vector.load %arg5[%swap3A, %swap3A_13] : memref<1024x2048xf32, #tpu.memory_space<vmem>>, vector<1024x2048xf32>
    tpu.vector_store %arg5[%swap3A, %swap3A_13], %dot_general3A_12 {strides = array<i32>} : memref<1024x2048xf32, #tpu.memory_space<vmem>>, vector<1024x2048xf32>,
    return
  }
  func.func @transform_0(%arg0: i32) -> i32 {
    %c0_i32 = arith.constant 0 : i32
    %c0_i32_0 = arith.constant 0 : i32
    return %c0_i32 : i32
  }
  func.func @transform_1(%arg0: i32) -> (i32, i32, i32) {
    %c0_i32 = arith.constant 0 : i32
    %c0_i32_0 = arith.constant 0 : i32
    %c0_i32_1 = arith.constant 0 : i32
    return %arg0, %c0_i32, %c0_i32_0 : i32, i32, i32
  }
  func.func @transform_2(%arg0: i32) -> (i32, i32) {
    %c0_i32 = arith.constant 0 : i32
    %c0_i32_0 = arith.constant 0 : i32
    %c0_i32_1 = arith.constant 0 : i32
    return %c0_i32, %c0_i32_0 : i32, i32
  }
  func.func @transform_4(%arg0: i32) -> (i32, i32) {
    %add3A = arith.constant 12 : i32
    %add3A_0 = arith.addi %arg0, %add3A : i32
    %c0_i32 = arith.constant 0 : i32
    %c0_i32_1 = arith.constant 0 : i32
    return %add3A_0, %c0_i32 : i32, i32
  }
}

</mosaic_0001>

<sc_bundles>
// kernel: kernel.4.cloned.1.call-start
scs
__scs_entry_jumppad:
0x0: {  	(pc) =	sbr.rel $0x88, $3  }
0x1: {  	(tag) =	ssettag $0x0;
	lr =	simm.s32 $0x1  }
0x2: {  	[smem:$0x3F9E] =	sst lr;
	_ =	strace $0xD0000000  }
0x3: {  	_ = 	snop  }
0x4: {  	_ = 	snop  }
0x5: {  	_ = 	snop  }
0x6: {  	_ = 	snop  }
0x7: {  	_ = 	snop  }
__scs_overlays_trampoline_lowered:
0x8: {  	[smem:$0x3FAD] =	sst s0  }
0x9: {  	[smem:$0x3FAE] =	sst s1  }
0xa: {  	[smem:$0x3FAF] =	sst s2  }
0xb: {  	[smem:$0x3FB0] =	sst s3  }
0xc: {  	[smem:$0x3FB1] =	sst s4  }
0xd: {  	[smem:$0x3FB2] =	sst s5  }
0xe: {  	[smem:$0x3FB3] =	sst s6  }
0xf: {  	[smem:$0x3FB4] =	sst s7  }
0x10: {  	[smem:$0x3FB5] =	sst s8  }
0x11: {  	[smem:$0x3FB6] =	sst s9;
	s0 =	simm.s32 @!p0 $0x0  }
0x12: {  	s1 =	sld [smem:$0x3F9C];
	s0 =	simm.s32 @p0 $0x1  }
0x13: {  	[smem:$0x3FB7] =	sst s0;
	s0 =	simm.s32 @!p1 $0x0  }
0x14: {  	s2 =	sld [smem:$0x3F9B];
	s0 =	simm.s32 @p1 $0x1  }
0x15: {  	[smem:$0x3FB8] =	sst s0;
	s0 =	simm.s32 @!p2 $0x0  }
0x16: {  	s3 =	sld [smem:$0x3FDB];
	s0 =	simm.s32 @p2 $0x1  }
0x17: {  	s4 =	simm.s32 $0x1BF5;
	[smem:$0x3FBA] =	sst s0  }
0x18: {  	s0 =	sld [smem:$0x3F9D];
	_ =	swait.ge [sflag:s4], $0x0  }
0x19: {  	s7 =	sld [smem:$0x3F9E]  }
0x1a: {  	s8 =	sadd.s32 $0xFFFFE003, lr  }
0x1b: {  	s9 =	sadd.s32 $0xFFFFFEF7, lr;
	s5 =	simm.s32 $0xFFFFFFFF;
	p2 =	slt.u32 s8, $0xFFFFF086  }
0x1c: {  	p1 =	slt.u32 s9, $0xF7A;
	s5 =	simm.s32 @!p2 $0x0  }
0x1d: {  	s5 =	simm.s32 @p1 $0x1;
	p0 =	seq.s32 s7, s2  }
0x1e: {  	s7 =	smul.u32 @!p0 $0xF7A, s2;
	p2 =	seq.s32 @!p0 s5, $0x0  }
0x1f: {  	s9 =	smul.u32 $0xF7A, s1;
	s8 =	simm.s32 @!p0 $0x1BF5;
	p2 =	por !p2, p0  }
0x20: {  	[sflag:s8] =	ssyncset.s32 @!p0 $0xFFFFF086;
	s6 =	sadd.s32 @!p0 s3, s7;
	s7 =	simm.s32 @!p0 $0x108  }
0x21: {  	s3 =	sadd.s32 s3, s9;
	s6 =	sadd.s32 @!p0 $0x88, s6;
	s7 =	simm.s32 @p2 $0x1082  }
0x22: {  	[simem:s7], [sflag:s8] =	dma.local @!p0 [hbm:s6], $0xF7A  }
0x23: {  	s9 =	sor.u32 $0xD0000000, s2;
	s6 =	simm.s32 $0x108;
	_ =	swait.ge @!p0 [sflag:s8], $0x0  }
0x24: {  	s3 =	sadd.s32 $0x88, s3;
	s6 =	simm.s32 @!p1 $0x1082;
	[sflag:s4] =	ssyncset.s32 $0xFFFFF086  }
0x25: {  	[simem:s6], [sflag:s4] =	dma.local [hbm:s3], $0xF7A  }
0x26: {  	[smem:$0x3F9E] =	sst s1;
	(tag) =	ssettag s2;
	_ =	strace s9  }
0x27: {  	s1 =	sld [smem:$0x3FAE]  }
0x28: {  	s2 =	sld [smem:$0x3FAF]  }
0x29: {  	s4 =	sld [smem:$0x3FB1]  }
0x2a: {  	p0 =	seq.s32 s5, $0x0;
	s5 =	sld [smem:$0x3FB2]  }
0x2b: {  	s6 =	sld [smem:$0x3FB3]  }
0x2c: {  	s7 =	sld [smem:$0x3FB4]  }
0x2d: {  	s3 =	simm.s32 $0x108;
	s8 =	sld [smem:$0x3FB5]  }
0x2e: {  	s3 =	simm.s32 @!p0 $0x1082;
	s9 =	sld [smem:$0x3FB6]  }
0x2f: {  	lr =	sadd.s32 s0, s3;
	s0 =	sld [smem:$0x3FAD]  }
0x30: {  	s3 =	sld [smem:$0x3FB0]  }
0x31: {  	[smem:$0x3FB9] =	sst s10  }
0x32: {  	s10 =	sld [smem:$0x3FB7];
	_ =	sdelay $0x3  }
0x33: {  	p0 =	seq.s32 s10, $0x1;
	s10 =	sld [smem:$0x3FB9];
	_ =	sdelay $0x3  }
0x34: {  	[smem:$0x3FB9] =	sst s10  }
0x35: {  	s10 =	sld [smem:$0x3FB8];
	_ =	sdelay $0x3  }
0x36: {  	p1 =	seq.s32 s10, $0x1;
	s10 =	sld [smem:$0x3FB9];
	_ =	sdelay $0x3  }
0x37: {  	[smem:$0x3FB9] =	sst s10  }
0x38: {  	s10 =	sld [smem:$0x3FBA]  }
0x39: {  	_ = 	snop;
	(pc) =	sbr.ind lr, $3  }
0x3a: {  	_ = 	snop  }
0x3b: {  	_ = 	snop  }
0x3c: {  	p2 =	seq.s32 s10, $0x1;
	s10 =	sld [smem:$0x3FB9]  }
0x3d: {  	_ =	shalt  }
0x3e: {  	_ =	shalt  }
0x3f: {  	_ =	shalt  }
0x40: {  	_ =	shalt  }
0x41: {  	_ =	shalt  }
0x42: {  	_ =	shalt  }
0x43: {  	_ =	shalt  }
0x44: {  	_ =	shalt  }
0x45: {  	_ =	shalt  }
0x46: {  	_ =	shalt  }
0x47: {  	_ =	shalt  }
0x48: {  	_ =	shalt  }
0x49: {  	_ =	shalt  }
0x4a: {  	_ =	shalt  }
0x4b: {  	_ =	shalt  }
0x4c: {  	_ =	shalt  }
0x4d: {  	_ =	shalt  }
0x4e: {  	_ =	shalt  }
0x4f: {  	_ =	shalt  }
0x50: {  	_ =	shalt  }
0x51: {  	_ =	shalt  }
0x52: {  	_ =	shalt  }
0x53: {  	_ =	shalt  }
0x54: {  	_ =	shalt  }
0x55: {  	_ =	shalt  }
0x56: {  	_ =	shalt  }
0x57: {  	_ =	shalt  }
0x58: {  	_ =	shalt  }
0x59: {  	_ =	shalt  }
0x5a: {  	_ =	shalt  }
0x5b: {  	_ =	shalt  }
0x5c: {  	_ =	shalt  }
0x5d: {  	_ =	shalt  }
0x5e: {  	_ =	shalt  }
0x5f: {  	_ =	shalt  }
0x60: {  	_ =	shalt  }
0x61: {  	_ =	shalt  }
0x62: {  	_ =	shalt  }
0x63: {  	_ =	shalt  }
0x64: {  	_ =	shalt  }
0x65: {  	_ =	shalt  }
0x66: {  	_ =	shalt  }
0x67: {  	_ =	shalt  }
0x68: {  	_ =	shalt  }
0x69: {  	_ =	shalt  }
0x6a: {  	_ =	shalt  }
0x6b: {  	_ =	shalt  }
0x6c: {  	_ =	shalt  }
0x6d: {  	_ =	shalt  }
0x6e: {  	_ =	shalt  }
0x6f: {  	_ =	shalt  }
0x70: {  	_ =	shalt  }
0x71: {  	_ =	shalt  }
0x72: {  	_ =	shalt  }
0x73: {  	_ =	shalt  }
0x74: {  	_ =	shalt  }
0x75: {  	_ =	shalt  }
0x76: {  	_ =	shalt  }
0x77: {  	_ =	shalt  }
0x78: {  	_ =	shalt  }
0x79: {  	_ =	shalt  }
0x7a: {  	_ =	shalt  }
0x7b: {  	_ =	shalt  }
0x7c: {  	_ =	shalt  }
0x7d: {  	_ =	shalt  }
0x7e: {  	_ =	shalt  }
0x7f: {  	_ =	shalt  }
0x80: {  	_ =	shalt  }
0x81: {  	_ =	shalt  }
0x82: {  	_ =	shalt  }
0x83: {  	_ =	shalt  }
0x84: {  	_ =	shalt  }
0x85: {  	_ =	shalt  }
0x86: {  	_ =	shalt  }
0x87: {  	_ =	shalt  }
.Lfunc_end0:
.L_simem_size_0:
called_computation_lowered:
.L_overlay_start_0:
0x88: {  	s2 =	sld [smem:$0x3FD9]  }
0x89: {  	s3 =	sld [smem:$0x3FFE];
	_ =	sdelay $0x1  }
0x8a: {  	s1 =	srdreg.scid  }
0x8b: {  	s0 =	sand.u32 $0x1, s1  }
0x8c: {  	s17 =	sshll.u32 s0, $0xA;
	s2 =	sadd.s32 s3, s2  }
0x8d: {  	s2 =	sadd.s32 s2, s17  }
0x8e: {  	[smem:$0x3FC5] =	sst s2  }
0x8f: {  	_ = 	snop  }
0x90: {  	s2 =	sld [smem:$0x3FC8]  }
0x91: {  	s18 =	sld [smem:$0x3FD0];
	(tm) =	ssettm $0x1  }
0x92: {  	s4 =	sld [smem:$0x3FFB];
	_ =	sdelay $0x3  }
0x93: {  	_ =	strace s4  }
0x94: {  	s4 =	sld [smem:$0x3FFC];
	_ =	sdelay $0x3  }
0x95: {  	_ =	strace s4  }
0x96: {  	s4 =	sld [smem:$0x3FFD];
	_ =	sdelay $0x3  }
0x97: {  	_ =	strace s4  }
0x98: {  	_ =	strace $0x8FFFFFFF  }
0x99: {  	s19 =	sld [smem:$0x3FDB];
	_ =	sdelay $0x1  }
0x9a: {  	s5 =	simm.s32 $_scs_section_size  }
0x9b: {  	s6 =	simm.s32 $_size__tile_overlayer_lowered;
	s7 =	simm.s32 $_tile_overlayer_lowered  }
0x9c: {  	s22 =	simm.s32 $0x1BFF;
	s21 =	sshll.u32 s7, $0x1;
	s4 =	sadd.s32 s5, s19  }
0x9d: {  	s8 =	simm.s32 $0x0;
	s20 =	sshll.u32 s6, $0x1;
	s6 =	sadd.s32 s21, s4  }
0x9e: {  	[timem:s8], [sflag:s22] =	dma.local [hbm:s6], s20  }
0x9f: {  	_ =	swait.ge [sflag:s22], s20  }
0xa0: {  	s5 =	ssub.s32 $0x0, s20;
	[sflag:s22] =	ssyncset.done $0x0  }
0xa1: {  	[sflag:s22] =	ssyncadd.s32 s5;
	_ =	sdelay $0x1  }
0xa2: {  	s23 =	simm.s32 $0x1B8B  }
0xa3: {  	_ =	swait.ge [sflag:s23], $0x1  }
0xa4: {  	[sflag:s23] =	ssyncset.done $0x0  }
0xa5: {  	s25 =	simm.s32 $0x1B8E;
	s24 =	sld [smem:$0x3FFE];
	[sflag:s23] =	ssyncadd.s32 $0xFFFFFFFF  }
0xa6: {  	s26 =	simm.s32 $execute0_lowered;
	[smem:$0x3FD2] =	sst s25  }
0xa7: {  	s6 =	sshll.u32 s26, $0x1;
	_ =	strace $0x80000046;
	[dreg:$0x1] =	wrdreg $0xFFFFFFFF  }
0xa8: {  	s28 =	simm.s32 $_size_execute0_lowered;
	s4 =	sadd.s32 s4, s6;
	[dreg:$0x0] =	wrdreg $0x0  }
0xa9: {  	s6 =	sshll.u32 s28, $0x1;
	[dreg:$0x2] =	wrdreg s4  }
0xaa: {  	[dreg:$0x3] =	wrdreg s6  }
0xab: {  	[dreg:$0x4] =	wrdreg $0xC0  }
0xac: {  	_ =	task [dreg:s8], $0x5FFFF  }
0xad: {  	[dreg:$0x1] =	wrdreg $0xFFFFFFFF  }
0xae: {  	[dreg:$0x0] =	wrdreg $0x60  }
0xaf: {  	[dreg:$0x2] =	wrdreg s2  }
0xb0: {  	[dreg:$0x3] =	wrdreg s24  }
0xb1: {  	[dreg:$0x4] =	wrdreg s18  }
0xb2: {  	[dreg:$0x5] =	wrdreg $0x9  }
0xb3: {  	_ =	task.clear_ibuf [dreg:s8], $0x6FFFF;
	_ =	strace $0x90000046  }
0xb4: {  	s29 =	simm.s32 $0x9;
	_ =	strace $0x80000048  }
0xb5: {  	_ =	swait.ge [sflag:s29], $0x1  }
0xb6: {  	[sflag:s29] =	ssyncadd.s32 $0xFFFFFFFF  }
0xb7: {  	_ =	strace $0x90000048  }
0xb8: {  	_ =	sfence  }
0xb9: {  	s30 =	sld [smem:$0x0];
	_ =	sdelay $0x2  }
0xba: {  	s31 =	sshll.u32 s1, $0xD;
	s1 =	sshrl.u32 s1, $0x2  }
0xbb: {  	s3 =	sand.u32 $0x4000, s31;
	s1 =	sadd.s32 s1, s30  }
0xbc: {  	s0 =	sor.u32 s3, s0;
	s1 =	sshll.u32 s1, $0x11  }
0xbd: {  	s0 =	sor.u32 s1, s0  }
0xbe: {  	s0 =	sadd.s32 $0x8F2B, s0  }
0xbf: {  	[sflag:s0] =	ssyncadd.remote.s32 $0x1  }
0xc0: {  	_ =	sfence.sel $0xFFFF  }
0xc1: {  	[dreg:$0x0] =	wrdreg $0xFFFFFFFF;
	(pc) =	sbr.abs _section_cstart, $3  }
0xc2: {  	[dreg:$0x1] =	wrdreg $0xFFFFFFFF  }
0xc3: {  	_ =	task.clear_ibuf [dreg:s8], $0x2FFFF;
	_ =	strace $0x9FFFFFFF  }
0xc4: {  	(tm) =	ssettm $0x7FFFFFFF  }
0xc5: {  	_ =	shalt  }
tec
execute0_lowered:
.L_overlay_start_1:
0x0: {  	(tag) =	ssettag $0x1  }
0x1: {  	s2 =	srdreg.scid;
	s4 =	rddreg [dreg:$0x1]  }
0x2: {  	s0 =	stileid.u32;
	s7 =	rddreg [dreg:$0x2]  }
0x3: {  	s11 =	simm.s32 $0x8180;
	s12 =	simm.s32 $0x1;
	s13 =	simm.s32 $0x0  }
0x4: {  	s5 =	sand.u32 $0x1, s2;
	s28 =	sshrl.u32 s0, $0x2;
	s29 =	smul.u32 $0x30000, s0  }
0x5: {  	s3 =	sshll.u32 s0, $0x8;
	s6 =	sshll.u32 s5, $0x7;
	s8 =	smul.u32 $0xC00, s28  }
0x6: {  	s9 =	ssub.s32 $0x2, s5;
	s10 =	smul.u32 $0x18000, s5;
	s6 =	sor.u32 s6, s3  }
0x7: {  	s3 =	simm.s32 $0x0;
	s30 =	sshrl.u32 s9, $0x1;
	s7 =	sadd.s32 s29, s7  }
0x8: {  	s6 =	sand.u32 $0x380, s6;
	[smem:$0x7FF] =	sst s3;
	s31 =	ssub.s32 s9, s30  }
0x9: {  	s7 =	sadd.s32 s10, s7;
	s9 =	simm.s32 $0x400;
	s6 =	sor.u32 s8, s6  }
0xa: {  	s10 =	simm.s32 $0x8000;
	_ =	strace $0x80000047;
	s6 =	sshrl.u32 s6, $0x3  }
0xb: {  	[dreg:$0x4] =	wrdreg s7;
	s7 =	simm.s32 $0x2;
	s6 =	sadd.s32 s6, s4  }
0xc: {  	s4 =	sadd.s32 $0xE00, s4;
	s5 =	sadd.s32 $0x800, s6;
	s6 =	smax.u32 s31, $0x1  }
.LBB2_1:
0xd: {  	s0 =	rddreg [dreg:$0x0]  }
0xe: {  	[tilespmem:s3], [sflag:$0x2] =	stream.linear.gather [hbm4b:s0+s3], $0x8000, $0x38;
	[tilespmem:$0x8200] =	vst v63  }
0xf: {  	_ =	swait.ge [sflag:s7], $0x8000  }
0x10: {  	[sflag:s7] =	ssyncset.done $0x0  }
0x11: {  	s31 =	simm.s32 $0x80;
	[sflag:s7] =	ssyncadd.s32 $0xFFFF8000  }
0x12: {  	[tilespmem:s10], [sflag:$0x2] =	stream.strided.gather [hbm4b:s5+s31], $0x180, s9, s31, $0x38;
	[tilespmem:$0x8200] =	vst v63  }
0x13: {  	_ =	swait.ge [sflag:s7], $0x180  }
0x14: {  	[sflag:s7] =	ssyncset.done $0x0  }
0x15: {  	[sflag:s7] =	ssyncadd.s32 $0xFFFFFE80  }
0x16: {  	[tilespmem:s11], [sflag:$0x2] =	stream.linear.gather [hbm4b:s4+s3], $0x80, $0x38;
	[tilespmem:$0x8200] =	vst v63  }
0x17: {  	_ =	swait.ge [sflag:s7], $0x80  }
0x18: {  	[sflag:s7] =	ssyncset.done $0x0  }
0x19: {  	[sflag:s7] =	ssyncadd.s32 $0xFFFFFF80  }
0x1a: {  	s15 =	simm.s32 $0x40;
	v0 =	vld [tilespmem:$0x8180]  }
0x1b: {  	v3 =	vld [tilespmem:s15+$0x30]  }
0x1c: {  	v5 =	vld [tilespmem:s15+$0xFFFFFFD0]  }
0x1d: {  	v7 =	vld [tilespmem:s15+$0xFFFFFFE0]  }
0x1e: {  	v4 =	vld [tilespmem:s15+$0xFFFFFFF0]  }
0x1f: {  	v2 =	vld [tilespmem:s15+$0x0]  }
0x20: {  	v1 =	vld [tilespmem:s15+$0x10];
	v8 =	vmul.f32 v3, v0  }
0x21: {  	v3 =	vld [tilespmem:s15+$0x20];
	v6 =	vmul.f32 v5, v0  }
0x22: {  	s16 =	simm.s32 $0x0;
	s17 =	simm.s32 $0x440;
	s14 =	simm.s32 $0xF0;
	v5 =	vld [tilespmem:s15+$0xFFFFFFC0];
	v7 =	vmul.f32 v7, v0;
	[tilespmem:s15+$0x30] =	vst v8  }
.LBB2_2:
0x23: {  	v8 =	vld [tilespmem:s17+$0x30];
	s16 =	sadd.s32 $0x80, s16;
	[tilespmem:s15+$0xFFFFFFD0] =	vst v6;
	v4 =	vmul.f32 v4, v0  }
0x24: {  	v6 =	vld [tilespmem:s17+$0xFFFFFFD0];
	p0 =	slt.u32 s16, $0x780;
	[tilespmem:s15+$0xFFFFFFE0] =	vst v7;
	v2 =	vmul.f32 v2, v0  }
0x25: {  	v7 =	vld [tilespmem:s17+$0xFFFFFFE0];
	[tilespmem:s15+$0xFFFFFFF0] =	vst v4;
	v1 =	vmul.f32 v1, v0  }
.Ltmp0:
0x26: {  	v4 =	vld [tilespmem:s17+$0xFFFFFFF0];
	[tilespmem:s15+$0x0] =	vst v2;
	v3 =	vmul.f32 v3, v0;
	(pc) =	sbr.rel @p0 .LBB2_2-.Ltmp0, $4  }
0x27: {  	v2 =	vld [tilespmem:s17+$0x0];
	v5 =	vmul.f32 v5, v0;
	[tilespmem:s15+$0x10] =	vst v1  }
0x28: {  	v1 =	vld [tilespmem:s17+$0x10];
	v8 =	vmul.f32 v8, v0;
	[tilespmem:s15+$0x20] =	vst v3  }
0x29: {  	v6 =	vmul.f32 v6, v0;
	v3 =	vld [tilespmem:s17+$0x20];
	[tilespmem:s15+$0xFFFFFFC0] =	vst v5;
	s15 =	smov.u32 s17  }
0x2a: {  	s17 =	sadd.s32 $0x400, s17;
	v5 =	vld [tilespmem:s15+$0xFFFFFFC0];
	v7 =	vmul.f32 v7, v0;
	[tilespmem:s15+$0x30] =	vst v8  }
0x2b: {  	[tilespmem:s15+$0xFFFFFFD0] =	vst v6;
	v4 =	vmul.f32 v4, v0  }
0x2c: {  	[tilespmem:s15+$0xFFFFFFE0] =	vst v7;
	v2 =	vmul.f32 v2, v0  }
0x2d: {  	[tilespmem:s15+$0xFFFFFFF0] =	vst v4;
	v1 =	vmul.f32 v1, v0  }
0x2e: {  	[tilespmem:s15+$0x0] =	vst v2;
	v2 =	vmul.f32 v3, v0  }
0x2f: {  	v3 =	vmul.f32 v5, v0;
	[tilespmem:s15+$0x10] =	vst v1  }
0x30: {  	[tilespmem:s15+$0x20] =	vst v2  }
0x31: {  	[tilespmem:s15+$0xFFFFFFC0] =	vst v3  }
0x32: {  	v3 =	vld [tilespmem:s14+$0x0]  }
0x33: {  	v5 =	vld [tilespmem:s14+$0xFFFFFFA0]  }
0x34: {  	v7 =	vld [tilespmem:s14+$0xFFFFFFB0]  }
0x35: {  	v4 =	vld [tilespmem:s14+$0xFFFFFFC0]  }
0x36: {  	v2 =	vld [tilespmem:s14+$0xFFFFFFD0]  }
0x37: {  	v1 =	vld [tilespmem:s14+$0xFFFFFFE0];
	v8 =	vmul.f32 v3, v0  }
0x38: {  	v3 =	vld [tilespmem:s14+$0xFFFFFFF0];
	v6 =	vmul.f32 v5, v0  }
0x39: {  	s16 =	simm.s32 $0x0;
	s17 =	simm.s32 $0x4F0;
	s15 =	simm.s32 $0x170;
	v5 =	vld [tilespmem:s14+$0xFFFFFF90];
	v7 =	vmul.f32 v7, v0;
	[tilespmem:s14+$0x0] =	vst v8  }
.LBB2_4:
0x3a: {  	v8 =	vld [tilespmem:s17+$0x0];
	s16 =	sadd.s32 $0x80, s16;
	[tilespmem:s14+$0xFFFFFFA0] =	vst v6;
	v4 =	vmul.f32 v4, v0  }
0x3b: {  	v6 =	vld [tilespmem:s17+$0xFFFFFFA0];
	p0 =	slt.u32 s16, $0x780;
	[tilespmem:s14+$0xFFFFFFB0] =	vst v7;
	v2 =	vmul.f32 v2, v0  }
0x3c: {  	v7 =	vld [tilespmem:s17+$0xFFFFFFB0];
	[tilespmem:s14+$0xFFFFFFC0] =	vst v4;
	v1 =	vmul.f32 v1, v0  }
.Ltmp1:
0x3d: {  	v4 =	vld [tilespmem:s17+$0xFFFFFFC0];
	[tilespmem:s14+$0xFFFFFFD0] =	vst v2;
	v3 =	vmul.f32 v3, v0;
	(pc) =	sbr.rel @p0 .LBB2_4-.Ltmp1, $4  }
0x3e: {  	v2 =	vld [tilespmem:s17+$0xFFFFFFD0];
	v5 =	vmul.f32 v5, v0;
	[tilespmem:s14+$0xFFFFFFE0] =	vst v1  }
0x3f: {  	v1 =	vld [tilespmem:s17+$0xFFFFFFE0];
	v8 =	vmul.f32 v8, v0;
	[tilespmem:s14+$0xFFFFFFF0] =	vst v3  }
0x40: {  	v6 =	vmul.f32 v6, v0;
	v3 =	vld [tilespmem:s17+$0xFFFFFFF0];
	[tilespmem:s14+$0xFFFFFF90] =	vst v5;
	s14 =	smov.u32 s17  }
0x41: {  	s17 =	sadd.s32 $0x400, s17;
	v5 =	vld [tilespmem:s14+$0xFFFFFF90];
	v7 =	vmul.f32 v7, v0;
	[tilespmem:s14+$0x0] =	vst v8  }
0x42: {  	[tilespmem:s14+$0xFFFFFFA0] =	vst v6;
	v4 =	vmul.f32 v4, v0  }
0x43: {  	[tilespmem:s14+$0xFFFFFFB0] =	vst v7;
	v2 =	vmul.f32 v2, v0  }
0x44: {  	[tilespmem:s14+$0xFFFFFFC0] =	vst v4;
	v1 =	vmul.f32 v1, v0  }
0x45: {  	[tilespmem:s14+$0xFFFFFFD0] =	vst v2;
	v2 =	vmul.f32 v3, v0  }
0x46: {  	v3 =	vmul.f32 v5, v0;
	[tilespmem:s14+$0xFFFFFFE0] =	vst v1  }
0x47: {  	[tilespmem:s14+$0xFFFFFFF0] =	vst v2  }
0x48: {  	[tilespmem:s14+$0xFFFFFF90] =	vst v3  }
0x49: {  	v3 =	vld [tilespmem:s15+$0x0]  }
0x4a: {  	v5 =	vld [tilespmem:s15+$0xFFFFFFA0]  }
0x4b: {  	v7 =	vld [tilespmem:s15+$0xFFFFFFB0]  }
0x4c: {  	v4 =	vld [tilespmem:s15+$0xFFFFFFC0]  }
0x4d: {  	v2 =	vld [tilespmem:s15+$0xFFFFFFD0]  }
0x4e: {  	v1 =	vld [tilespmem:s15+$0xFFFFFFE0];
	v8 =	vmul.f32 v3, v0  }
0x4f: {  	v3 =	vld [tilespmem:s15+$0xFFFFFFF0];
	v6 =	vmul.f32 v5, v0  }
0x50: {  	s16 =	simm.s32 $0x0;
	s17 =	simm.s32 $0x570;
	s14 =	simm.s32 $0x1F0;
	v5 =	vld [tilespmem:s15+$0xFFFFFF90];
	v7 =	vmul.f32 v7, v0;
	[tilespmem:s15+$0x0] =	vst v8  }
.LBB2_6:
0x51: {  	v8 =	vld [tilespmem:s17+$0x0];
	s16 =	sadd.s32 $0x80, s16;
	[tilespmem:s15+$0xFFFFFFA0] =	vst v6;
	v4 =	vmul.f32 v4, v0  }
0x52: {  	v6 =	vld [tilespmem:s17+$0xFFFFFFA0];
	p0 =	slt.u32 s16, $0x780;
	[tilespmem:s15+$0xFFFFFFB0] =	vst v7;
	v2 =	vmul.f32 v2, v0  }
0x53: {  	v7 =	vld [tilespmem:s17+$0xFFFFFFB0];
	[tilespmem:s15+$0xFFFFFFC0] =	vst v4;
	v1 =	vmul.f32 v1, v0  }
.Ltmp2:
0x54: {  	v4 =	vld [tilespmem:s17+$0xFFFFFFC0];
	[tilespmem:s15+$0xFFFFFFD0] =	vst v2;
	v3 =	vmul.f32 v3, v0;
	(pc) =	sbr.rel @p0 .LBB2_6-.Ltmp2, $4  }
0x55: {  	v2 =	vld [tilespmem:s17+$0xFFFFFFD0];
	v5 =	vmul.f32 v5, v0;
	[tilespmem:s15+$0xFFFFFFE0] =	vst v1  }
0x56: {  	v1 =	vld [tilespmem:s17+$0xFFFFFFE0];
	v8 =	vmul.f32 v8, v0;
	[tilespmem:s15+$0xFFFFFFF0] =	vst v3  }
0x57: {  	v6 =	vmul.f32 v6, v0;
	v3 =	vld [tilespmem:s17+$0xFFFFFFF0];
	[tilespmem:s15+$0xFFFFFF90] =	vst v5;
	s15 =	smov.u32 s17  }
0x58: {  	s17 =	sadd.s32 $0x400, s17;
	v5 =	vld [tilespmem:s15+$0xFFFFFF90];
	v7 =	vmul.f32 v7, v0;
	[tilespmem:s15+$0x0] =	vst v8  }
0x59: {  	[tilespmem:s15+$0xFFFFFFA0] =	vst v6;
	v4 =	vmul.f32 v4, v0  }
0x5a: {  	[tilespmem:s15+$0xFFFFFFB0] =	vst v7;
	v2 =	vmul.f32 v2, v0  }
0x5b: {  	[tilespmem:s15+$0xFFFFFFC0] =	vst v4;
	v1 =	vmul.f32 v1, v0  }
0x5c: {  	[tilespmem:s15+$0xFFFFFFD0] =	vst v2;
	v2 =	vmul.f32 v3, v0  }
0x5d: {  	v3 =	vmul.f32 v5, v0;
	[tilespmem:s15+$0xFFFFFFE0] =	vst v1  }
0x5e: {  	[tilespmem:s15+$0xFFFFFFF0] =	vst v2  }
0x5f: {  	[tilespmem:s15+$0xFFFFFF90] =	vst v3  }
0x60: {  	v3 =	vld [tilespmem:s14+$0x0]  }
0x61: {  	v5 =	vld [tilespmem:s14+$0xFFFFFFA0]  }
0x62: {  	v7 =	vld [tilespmem:s14+$0xFFFFFFB0]  }
0x63: {  	v4 =	vld [tilespmem:s14+$0xFFFFFFC0]  }
0x64: {  	v2 =	vld [tilespmem:s14+$0xFFFFFFD0]  }
0x65: {  	v1 =	vld [tilespmem:s14+$0xFFFFFFE0];
	v8 =	vmul.f32 v3, v0  }
0x66: {  	v3 =	vld [tilespmem:s14+$0xFFFFFFF0];
	v6 =	vmul.f32 v5, v0  }
0x67: {  	s16 =	simm.s32 $0x0;
	s17 =	simm.s32 $0x5F0;
	s15 =	simm.s32 $0x270;
	v5 =	vld [tilespmem:s14+$0xFFFFFF90];
	v7 =	vmul.f32 v7, v0;
	[tilespmem:s14+$0x0] =	vst v8  }
.LBB2_8:
0x68: {  	v8 =	vld [tilespmem:s17+$0x0];
	s16 =	sadd.s32 $0x80, s16;
	[tilespmem:s14+$0xFFFFFFA0] =	vst v6;
	v4 =	vmul.f32 v4, v0  }
0x69: {  	v6 =	vld [tilespmem:s17+$0xFFFFFFA0];
	p0 =	slt.u32 s16, $0x780;
	[tilespmem:s14+$0xFFFFFFB0] =	vst v7;
	v2 =	vmul.f32 v2, v0  }
0x6a: {  	v7 =	vld [tilespmem:s17+$0xFFFFFFB0];
	[tilespmem:s14+$0xFFFFFFC0] =	vst v4;
	v1 =	vmul.f32 v1, v0  }
.Ltmp3:
0x6b: {  	v4 =	vld [tilespmem:s17+$0xFFFFFFC0];
	[tilespmem:s14+$0xFFFFFFD0] =	vst v2;
	v3 =	vmul.f32 v3, v0;
	(pc) =	sbr.rel @p0 .LBB2_8-.Ltmp3, $4  }
0x6c: {  	v2 =	vld [tilespmem:s17+$0xFFFFFFD0];
	v5 =	vmul.f32 v5, v0;
	[tilespmem:s14+$0xFFFFFFE0] =	vst v1  }
0x6d: {  	v1 =	vld [tilespmem:s17+$0xFFFFFFE0];
	v8 =	vmul.f32 v8, v0;
	[tilespmem:s14+$0xFFFFFFF0] =	vst v3  }
0x6e: {  	v6 =	vmul.f32 v6, v0;
	v3 =	vld [tilespmem:s17+$0xFFFFFFF0];
	[tilespmem:s14+$0xFFFFFF90] =	vst v5;
	s14 =	smov.u32 s17  }
0x6f: {  	s17 =	sadd.s32 $0x400, s17;
	v5 =	vld [tilespmem:s14+$0xFFFFFF90];
	v7 =	vmul.f32 v7, v0;
	[tilespmem:s14+$0x0] =	vst v8  }
0x70: {  	[tilespmem:s14+$0xFFFFFFA0] =	vst v6;
	v4 =	vmul.f32 v4, v0  }
0x71: {  	[tilespmem:s14+$0xFFFFFFB0] =	vst v7;
	v2 =	vmul.f32 v2, v0  }
0x72: {  	[tilespmem:s14+$0xFFFFFFC0] =	vst v4;
	v1 =	vmul.f32 v1, v0  }
0x73: {  	[tilespmem:s14+$0xFFFFFFD0] =	vst v2;
	v2 =	vmul.f32 v3, v0  }
0x74: {  	v3 =	vmul.f32 v5, v0;
	[tilespmem:s14+$0xFFFFFFE0] =	vst v1  }
0x75: {  	[tilespmem:s14+$0xFFFFFFF0] =	vst v2  }
0x76: {  	[tilespmem:s14+$0xFFFFFF90] =	vst v3  }
0x77: {  	v3 =	vld [tilespmem:s15+$0x0]  }
0x78: {  	v5 =	vld [tilespmem:s15+$0xFFFFFFA0]  }
0x79: {  	v7 =	vld [tilespmem:s15+$0xFFFFFFB0]  }
0x7a: {  	v4 =	vld [tilespmem:s15+$0xFFFFFFC0]  }
0x7b: {  	v2 =	vld [tilespmem:s15+$0xFFFFFFD0]  }
0x7c: {  	v1 =	vld [tilespmem:s15+$0xFFFFFFE0];
	v8 =	vmul.f32 v3, v0  }
0x7d: {  	v3 =	vld [tilespmem:s15+$0xFFFFFFF0];
	v6 =	vmul.f32 v5, v0  }
0x7e: {  	s16 =	simm.s32 $0x0;
	s17 =	simm.s32 $0x670;
	s14 =	simm.s32 $0x2F0;
	v5 =	vld [tilespmem:s15+$0xFFFFFF90];
	v7 =	vmul.f32 v7, v0;
	[tilespmem:s15+$0x0] =	vst v8  }
.LBB2_10:
0x7f: {  	v8 =	vld [tilespmem:s17+$0x0];
	s16 =	sadd.s32 $0x80, s16;
	[tilespmem:s15+$0xFFFFFFA0] =	vst v6;
	v4 =	vmul.f32 v4, v0  }
0x80: {  	v6 =	vld [tilespmem:s17+$0xFFFFFFA0];
	p0 =	slt.u32 s16, $0x780;
	[tilespmem:s15+$0xFFFFFFB0] =	vst v7;
	v2 =	vmul.f32 v2, v0  }
0x81: {  	v7 =	vld [tilespmem:s17+$0xFFFFFFB0];
	[tilespmem:s15+$0xFFFFFFC0] =	vst v4;
	v1 =	vmul.f32 v1, v0  }
.Ltmp4:
0x82: {  	v4 =	vld [tilespmem:s17+$0xFFFFFFC0];
	[tilespmem:s15+$0xFFFFFFD0] =	vst v2;
	v3 =	vmul.f32 v3, v0;
	(pc) =	sbr.rel @p0 .LBB2_10-.Ltmp4, $4  }
0x83: {  	v2 =	vld [tilespmem:s17+$0xFFFFFFD0];
	v5 =	vmul.f32 v5, v0;
	[tilespmem:s15+$0xFFFFFFE0] =	vst v1  }
0x84: {  	v1 =	vld [tilespmem:s17+$0xFFFFFFE0];
	v8 =	vmul.f32 v8, v0;
	[tilespmem:s15+$0xFFFFFFF0] =	vst v3  }
0x85: {  	v6 =	vmul.f32 v6, v0;
	v3 =	vld [tilespmem:s17+$0xFFFFFFF0];
	[tilespmem:s15+$0xFFFFFF90] =	vst v5;
	s15 =	smov.u32 s17  }
0x86: {  	s17 =	sadd.s32 $0x400, s17;
	v5 =	vld [tilespmem:s15+$0xFFFFFF90];
	v7 =	vmul.f32 v7, v0;
	[tilespmem:s15+$0x0] =	vst v8  }
0x87: {  	[tilespmem:s15+$0xFFFFFFA0] =	vst v6;
	v4 =	vmul.f32 v4, v0  }
0x88: {  	[tilespmem:s15+$0xFFFFFFB0] =	vst v7;
	v2 =	vmul.f32 v2, v0  }
0x89: {  	[tilespmem:s15+$0xFFFFFFC0] =	vst v4;
	v1 =	vmul.f32 v1, v0  }
0x8a: {  	[tilespmem:s15+$0xFFFFFFD0] =	vst v2;
	v2 =	vmul.f32 v3, v0  }
0x8b: {  	v3 =	vmul.f32 v5, v0;
	[tilespmem:s15+$0xFFFFFFE0] =	vst v1  }
0x8c: {  	[tilespmem:s15+$0xFFFFFFF0] =	vst v2  }
0x8d: {  	[tilespmem:s15+$0xFFFFFF90] =	vst v3  }
0x8e: {  	v3 =	vld [tilespmem:s14+$0x0]  }
0x8f: {  	v5 =	vld [tilespmem:s14+$0xFFFFFFA0]  }
0x90: {  	v7 =	vld [tilespmem:s14+$0xFFFFFFB0]  }
0x91: {  	v4 =	vld [tilespmem:s14+$0xFFFFFFC0]  }
0x92: {  	v2 =	vld [tilespmem:s14+$0xFFFFFFD0]  }
0x93: {  	v1 =	vld [tilespmem:s14+$0xFFFFFFE0];
	v8 =	vmul.f32 v3, v0  }
0x94: {  	v3 =	vld [tilespmem:s14+$0xFFFFFFF0];
	v6 =	vmul.f32 v5, v0  }
0x95: {  	s16 =	simm.s32 $0x0;
	s17 =	simm.s32 $0x6F0;
	s15 =	simm.s32 $0x370;
	v5 =	vld [tilespmem:s14+$0xFFFFFF90];
	v7 =	vmul.f32 v7, v0;
	[tilespmem:s14+$0x0] =	vst v8  }
.LBB2_12:
0x96: {  	v8 =	vld [tilespmem:s17+$0x0];
	s16 =	sadd.s32 $0x80, s16;
	[tilespmem:s14+$0xFFFFFFA0] =	vst v6;
	v4 =	vmul.f32 v4, v0  }
0x97: {  	v6 =	vld [tilespmem:s17+$0xFFFFFFA0];
	p0 =	slt.u32 s16, $0x780;
	[tilespmem:s14+$0xFFFFFFB0] =	vst v7;
	v2 =	vmul.f32 v2, v0  }
0x98: {  	v7 =	vld [tilespmem:s17+$0xFFFFFFB0];
	[tilespmem:s14+$0xFFFFFFC0] =	vst v4;
	v1 =	vmul.f32 v1, v0  }
.Ltmp5:
0x99: {  	v4 =	vld [tilespmem:s17+$0xFFFFFFC0];
	[tilespmem:s14+$0xFFFFFFD0] =	vst v2;
	v3 =	vmul.f32 v3, v0;
	(pc) =	sbr.rel @p0 .LBB2_12-.Ltmp5, $4  }
0x9a: {  	v2 =	vld [tilespmem:s17+$0xFFFFFFD0];
	v5 =	vmul.f32 v5, v0;
	[tilespmem:s14+$0xFFFFFFE0] =	vst v1  }
0x9b: {  	v1 =	vld [tilespmem:s17+$0xFFFFFFE0];
	v8 =	vmul.f32 v8, v0;
	[tilespmem:s14+$0xFFFFFFF0] =	vst v3  }
0x9c: {  	v6 =	vmul.f32 v6, v0;
	v3 =	vld [tilespmem:s17+$0xFFFFFFF0];
	[tilespmem:s14+$0xFFFFFF90] =	vst v5;
	s14 =	smov.u32 s17  }
0x9d: {  	s17 =	sadd.s32 $0x400, s17;
	v5 =	vld [tilespmem:s14+$0xFFFFFF90];
	v7 =	vmul.f32 v7, v0;
	[tilespmem:s14+$0x0] =	vst v8  }
0x9e: {  	[tilespmem:s14+$0xFFFFFFA0] =	vst v6;
	v4 =	vmul.f32 v4, v0  }
0x9f: {  	[tilespmem:s14+$0xFFFFFFB0] =	vst v7;
	v2 =	vmul.f32 v2, v0  }
0xa0: {  	[tilespmem:s14+$0xFFFFFFC0] =	vst v4;
	v1 =	vmul.f32 v1, v0  }
0xa1: {  	[tilespmem:s14+$0xFFFFFFD0] =	vst v2;
	v2 =	vmul.f32 v3, v0  }
0xa2: {  	v3 =	vmul.f32 v5, v0;
	[tilespmem:s14+$0xFFFFFFE0] =	vst v1  }
0xa3: {  	[tilespmem:s14+$0xFFFFFFF0] =	vst v2  }
0xa4: {  	[tilespmem:s14+$0xFFFFFF90] =	vst v3  }
0xa5: {  	v3 =	vld [tilespmem:s15+$0x0]  }
0xa6: {  	v5 =	vld [tilespmem:s15+$0xFFFFFFA0]  }
0xa7: {  	v7 =	vld [tilespmem:s15+$0xFFFFFFB0]  }
0xa8: {  	v4 =	vld [tilespmem:s15+$0xFFFFFFC0]  }
0xa9: {  	v2 =	vld [tilespmem:s15+$0xFFFFFFD0]  }
0xaa: {  	v1 =	vld [tilespmem:s15+$0xFFFFFFE0];
	v8 =	vmul.f32 v3, v0  }
0xab: {  	v3 =	vld [tilespmem:s15+$0xFFFFFFF0];
	v6 =	vmul.f32 v5, v0  }
0xac: {  	s16 =	simm.s32 $0x0;
	s17 =	simm.s32 $0x770;
	s14 =	simm.s32 $0x3F0;
	v5 =	vld [tilespmem:s15+$0xFFFFFF90];
	v7 =	vmul.f32 v7, v0;
	[tilespmem:s15+$0x0] =	vst v8  }
.LBB2_14:
0xad: {  	v8 =	vld [tilespmem:s17+$0x0];
	s16 =	sadd.s32 $0x80, s16;
	[tilespmem:s15+$0xFFFFFFA0] =	vst v6;
	v4 =	vmul.f32 v4, v0  }
0xae: {  	v6 =	vld [tilespmem:s17+$0xFFFFFFA0];
	p0 =	slt.u32 s16, $0x780;
	[tilespmem:s15+$0xFFFFFFB0] =	vst v7;
	v2 =	vmul.f32 v2, v0  }
0xaf: {  	v7 =	vld [tilespmem:s17+$0xFFFFFFB0];
	[tilespmem:s15+$0xFFFFFFC0] =	vst v4;
	v1 =	vmul.f32 v1, v0  }
.Ltmp6:
0xb0: {  	v4 =	vld [tilespmem:s17+$0xFFFFFFC0];
	[tilespmem:s15+$0xFFFFFFD0] =	vst v2;
	v3 =	vmul.f32 v3, v0;
	(pc) =	sbr.rel @p0 .LBB2_14-.Ltmp6, $4  }
0xb1: {  	v2 =	vld [tilespmem:s17+$0xFFFFFFD0];
	v5 =	vmul.f32 v5, v0;
	[tilespmem:s15+$0xFFFFFFE0] =	vst v1  }
0xb2: {  	v1 =	vld [tilespmem:s17+$0xFFFFFFE0];
	v8 =	vmul.f32 v8, v0;
	[tilespmem:s15+$0xFFFFFFF0] =	vst v3  }
0xb3: {  	v6 =	vmul.f32 v6, v0;
	v3 =	vld [tilespmem:s17+$0xFFFFFFF0];
	[tilespmem:s15+$0xFFFFFF90] =	vst v5;
	s15 =	smov.u32 s17  }
0xb4: {  	s17 =	sadd.s32 $0x400, s17;
	v5 =	vld [tilespmem:s15+$0xFFFFFF90];
	v7 =	vmul.f32 v7, v0;
	[tilespmem:s15+$0x0] =	vst v8  }
0xb5: {  	[tilespmem:s15+$0xFFFFFFA0] =	vst v6;
	v4 =	vmul.f32 v4, v0  }
0xb6: {  	[tilespmem:s15+$0xFFFFFFB0] =	vst v7;
	v2 =	vmul.f32 v2, v0  }
0xb7: {  	[tilespmem:s15+$0xFFFFFFC0] =	vst v4;
	v1 =	vmul.f32 v1, v0  }
0xb8: {  	[tilespmem:s15+$0xFFFFFFD0] =	vst v2;
	v2 =	vmul.f32 v3, v0  }
0xb9: {  	v3 =	vmul.f32 v5, v0;
	[tilespmem:s15+$0xFFFFFFE0] =	vst v1  }
0xba: {  	[tilespmem:s15+$0xFFFFFFF0] =	vst v2  }
0xbb: {  	[tilespmem:s15+$0xFFFFFF90] =	vst v3  }
0xbc: {  	v3 =	vld [tilespmem:s14+$0x0]  }
0xbd: {  	v5 =	vld [tilespmem:s14+$0xFFFFFFA0]  }
0xbe: {  	v7 =	vld [tilespmem:s14+$0xFFFFFFB0]  }
0xbf: {  	v4 =	vld [tilespmem:s14+$0xFFFFFFC0]  }
0xc0: {  	v2 =	vld [tilespmem:s14+$0xFFFFFFD0]  }
0xc1: {  	v1 =	vld [tilespmem:s14+$0xFFFFFFE0];
	v8 =	vmul.f32 v3, v0  }
0xc2: {  	v3 =	vld [tilespmem:s14+$0xFFFFFFF0];
	v6 =	vmul.f32 v5, v0  }
0xc3: {  	s16 =	simm.s32 $0x0;
	s17 =	simm.s32 $0x7F0;
	s15 =	simm.s32 $0x4070;
	v5 =	vld [tilespmem:s14+$0xFFFFFF90];
	v7 =	vmul.f32 v7, v0;
	[tilespmem:s14+$0x0] =	vst v8  }
.LBB2_16:
0xc4: {  	v8 =	vld [tilespmem:s17+$0x0];
	s16 =	sadd.s32 $0x80, s16;
	[tilespmem:s14+$0xFFFFFFA0] =	vst v6;
	v4 =	vmul.f32 v4, v0  }
0xc5: {  	v6 =	vld [tilespmem:s17+$0xFFFFFFA0];
	p0 =	slt.u32 s16, $0x780;
	[tilespmem:s14+$0xFFFFFFB0] =	vst v7;
	v2 =	vmul.f32 v2, v0  }
0xc6: {  	v7 =	vld [tilespmem:s17+$0xFFFFFFB0];
	[tilespmem:s14+$0xFFFFFFC0] =	vst v4;
	v1 =	vmul.f32 v1, v0  }
.Ltmp7:
0xc7: {  	v4 =	vld [tilespmem:s17+$0xFFFFFFC0];
	[tilespmem:s14+$0xFFFFFFD0] =	vst v2;
	v3 =	vmul.f32 v3, v0;
	(pc) =	sbr.rel @p0 .LBB2_16-.Ltmp7, $4  }
0xc8: {  	v2 =	vld [tilespmem:s17+$0xFFFFFFD0];
	v5 =	vmul.f32 v5, v0;
	[tilespmem:s14+$0xFFFFFFE0] =	vst v1  }
0xc9: {  	v1 =	vld [tilespmem:s17+$0xFFFFFFE0];
	v8 =	vmul.f32 v8, v0;
	[tilespmem:s14+$0xFFFFFFF0] =	vst v3  }
0xca: {  	v6 =	vmul.f32 v6, v0;
	v3 =	vld [tilespmem:s17+$0xFFFFFFF0];
	[tilespmem:s14+$0xFFFFFF90] =	vst v5;
	s14 =	smov.u32 s17  }
0xcb: {  	s17 =	sadd.s32 $0x400, s17;
	v5 =	vld [tilespmem:s14+$0xFFFFFF90];
	v7 =	vmul.f32 v7, v0;
	[tilespmem:s14+$0x0] =	vst v8  }
0xcc: {  	[tilespmem:s14+$0xFFFFFFA0] =	vst v6;
	v4 =	vmul.f32 v4, v0  }
0xcd: {  	[tilespmem:s14+$0xFFFFFFB0] =	vst v7;
	v2 =	vmul.f32 v2, v0  }
0xce: {  	[tilespmem:s14+$0xFFFFFFC0] =	vst v4;
	v1 =	vmul.f32 v1, v0  }
0xcf: {  	[tilespmem:s14+$0xFFFFFFD0] =	vst v2;
	v2 =	vmul.f32 v3, v0  }
0xd0: {  	v3 =	vmul.f32 v5, v0;
	[tilespmem:s14+$0xFFFFFFE0] =	vst v1  }
0xd1: {  	[tilespmem:s14+$0xFFFFFFF0] =	vst v2  }
0xd2: {  	[tilespmem:s14+$0xFFFFFF90] =	vst v3  }
0xd3: {  	v3 =	vld [tilespmem:s15+$0x0]  }
0xd4: {  	v5 =	vld [tilespmem:s15+$0xFFFFFFA0]  }
0xd5: {  	v7 =	vld [tilespmem:s15+$0xFFFFFFB0]  }
0xd6: {  	v4 =	vld [tilespmem:s15+$0xFFFFFFC0]  }
0xd7: {  	v2 =	vld [tilespmem:s15+$0xFFFFFFD0]  }
0xd8: {  	v1 =	vld [tilespmem:s15+$0xFFFFFFE0];
	v8 =	vmul.f32 v3, v0  }
0xd9: {  	v3 =	vld [tilespmem:s15+$0xFFFFFFF0];
	v6 =	vmul.f32 v5, v0  }
0xda: {  	s16 =	simm.s32 $0x0;
	s17 =	simm.s32 $0x4470;
	s14 =	simm.s32 $0x40F0;
	v5 =	vld [tilespmem:s15+$0xFFFFFF90];
	v7 =	vmul.f32 v7, v0;
	[tilespmem:s15+$0x0] =	vst v8  }
.LBB2_18:
0xdb: {  	v8 =	vld [tilespmem:s17+$0x0];
	s16 =	sadd.s32 $0x80, s16;
	[tilespmem:s15+$0xFFFFFFA0] =	vst v6;
	v4 =	vmul.f32 v4, v0  }
0xdc: {  	v6 =	vld [tilespmem:s17+$0xFFFFFFA0];
	p0 =	slt.u32 s16, $0x780;
	[tilespmem:s15+$0xFFFFFFB0] =	vst v7;
	v2 =	vmul.f32 v2, v0  }
0xdd: {  	v7 =	vld [tilespmem:s17+$0xFFFFFFB0];
	[tilespmem:s15+$0xFFFFFFC0] =	vst v4;
	v1 =	vmul.f32 v1, v0  }
.Ltmp8:
0xde: {  	v4 =	vld [tilespmem:s17+$0xFFFFFFC0];
	[tilespmem:s15+$0xFFFFFFD0] =	vst v2;
	v3 =	vmul.f32 v3, v0;
	(pc) =	sbr.rel @p0 .LBB2_18-.Ltmp8, $4  }
0xdf: {  	v2 =	vld [tilespmem:s17+$0xFFFFFFD0];
	v5 =	vmul.f32 v5, v0;
	[tilespmem:s15+$0xFFFFFFE0] =	vst v1  }
0xe0: {  	v1 =	vld [tilespmem:s17+$0xFFFFFFE0];
	v8 =	vmul.f32 v8, v0;
	[tilespmem:s15+$0xFFFFFFF0] =	vst v3  }
0xe1: {  	v6 =	vmul.f32 v6, v0;
	v3 =	vld [tilespmem:s17+$0xFFFFFFF0];
	[tilespmem:s15+$0xFFFFFF90] =	vst v5;
	s15 =	smov.u32 s17  }
0xe2: {  	s17 =	sadd.s32 $0x400, s17;
	v5 =	vld [tilespmem:s15+$0xFFFFFF90];
	v7 =	vmul.f32 v7, v0;
	[tilespmem:s15+$0x0] =	vst v8  }
0xe3: {  	[tilespmem:s15+$0xFFFFFFA0] =	vst v6;
	v4 =	vmul.f32 v4, v0  }
0xe4: {  	[tilespmem:s15+$0xFFFFFFB0] =	vst v7;
	v2 =	vmul.f32 v2, v0  }
0xe5: {  	[tilespmem:s15+$0xFFFFFFC0] =	vst v4;
	v1 =	vmul.f32 v1, v0  }
0xe6: {  	[tilespmem:s15+$0xFFFFFFD0] =	vst v2;
	v2 =	vmul.f32 v3, v0  }
0xe7: {  	v3 =	vmul.f32 v5, v0;
	[tilespmem:s15+$0xFFFFFFE0] =	vst v1  }
0xe8: {  	[tilespmem:s15+$0xFFFFFFF0] =	vst v2  }
0xe9: {  	[tilespmem:s15+$0xFFFFFF90] =	vst v3  }
0xea: {  	v3 =	vld [tilespmem:s14+$0x0]  }
0xeb: {  	v5 =	vld [tilespmem:s14+$0xFFFFFFA0]  }
0xec: {  	v7 =	vld [tilespmem:s14+$0xFFFFFFB0]  }
0xed: {  	v4 =	vld [tilespmem:s14+$0xFFFFFFC0]  }
0xee: {  	v2 =	vld [tilespmem:s14+$0xFFFFFFD0]  }
0xef: {  	v1 =	vld [tilespmem:s14+$0xFFFFFFE0];
	v8 =	vmul.f32 v3, v0  }
0xf0: {  	v3 =	vld [tilespmem:s14+$0xFFFFFFF0];
	v6 =	vmul.f32 v5, v0  }
0xf1: {  	s16 =	simm.s32 $0x44F0;
	s15 =	simm.s32 $0x0;
	v5 =	vld [tilespmem:s14+$0xFFFFFF90];
	v7 =	vmul.f32 v7, v0;
	[tilespmem:s14+$0x0] =	vst v8  }
.LBB2_20:
0xf2: {  	v8 =	vld [tilespmem:s16+$0x0];
	s15 =	sadd.s32 $0x80, s15;
	[tilespmem:s14+$0xFFFFFFA0] =	vst v6;
	v4 =	vmul.f32 v4, v0  }
0xf3: {  	v6 =	vld [tilespmem:s16+$0xFFFFFFA0];
	p0 =	slt.u32 s15, $0x780;
	[tilespmem:s14+$0xFFFFFFB0] =	vst v7;
	v2 =	vmul.f32 v2, v0  }
0xf4: {  	v7 =	vld [tilespmem:s16+$0xFFFFFFB0];
	[tilespmem:s14+$0xFFFFFFC0] =	vst v4;
	v1 =	vmul.f32 v1, v0  }
.Ltmp9:
0xf5: {  	v4 =	vld [tilespmem:s16+$0xFFFFFFC0];
	[tilespmem:s14+$0xFFFFFFD0] =	vst v2;
	v3 =	vmul.f32 v3, v0;
	(pc) =	sbr.rel @p0 .LBB2_20-.Ltmp9, $4  }
0xf6: {  	v2 =	vld [tilespmem:s16+$0xFFFFFFD0];
	v5 =	vmul.f32 v5, v0;
	[tilespmem:s14+$0xFFFFFFE0] =	vst v1  }
0xf7: {  	v1 =	vld [tilespmem:s16+$0xFFFFFFE0];
	v8 =	vmul.f32 v8, v0;
	[tilespmem:s14+$0xFFFFFFF0] =	vst v3  }
0xf8: {  	v6 =	vmul.f32 v6, v0;
	v3 =	vld [tilespmem:s16+$0xFFFFFFF0];
	[tilespmem:s14+$0xFFFFFF90] =	vst v5;
	s14 =	smov.u32 s16  }
0xf9: {  	s17 =	simm.s32 $0x8000;
	s16 =	sadd.s32 $0x400, s16;
	v5 =	vld [tilespmem:s14+$0xFFFFFF90];
	v7 =	vmul.f32 v7, v0;
	[tilespmem:s14+$0x0] =	vst v8  }
0xfa: {  	[tilespmem:s14+$0xFFFFFFA0] =	vst v6;
	v4 =	vmul.f32 v4, v0  }
0xfb: {  	[tilespmem:s14+$0xFFFFFFB0] =	vst v7;
	v2 =	vmul.f32 v2, v0  }
0xfc: {  	[tilespmem:s14+$0xFFFFFFC0] =	vst v4;
	v1 =	vmul.f32 v1, v0  }
0xfd: {  	[tilespmem:s14+$0xFFFFFFD0] =	vst v2;
	v62 =	vmul.f32 v3, v0  }
0xfe: {  	v63 =	vmul.f32 v5, v0;
	[tilespmem:s14+$0xFFFFFFE0] =	vst v1  }
0xff: {  	[tilespmem:s14+$0xFFFFFFF0] =	vst v62  }
0x100: {  	[tilespmem:s14+$0xFFFFFF90] =	vst v63  }
0x101: {  	v0 =	vld [tilespmem:s17+$0x0];
	_ =	sdelay $0x4  }
0x102: {  	(v2sf) =	vpush v0, $0x0;
	_ =	sdelay $0xe  }
0x103: {  	s15 =	spop (v2sf)  }
0x104: {  	s16 =	sshll.u32 s15, $0xB;
	s15 =	sshll.u32 s15, $0x7  }
0x105: {  	s14 =	rddreg [dreg:$0x4];
	s16 =	sand.u32 $0xFFFFC000, s16;
	s15 =	sand.u32 $0x380, s15  }
0x106: {  	s16 =	sor.u32 s15, s16;
	s15 =	sadd.s32 $0x0, s14  }
0x107: {  	[hbm4b:s15+s3] =	stream.linear.scatter [tilespmem:s16], [sflag:$0x1], $0x80, $0x38;
	[tilespmem:$0x8200] =	vst v63  }
0x108: {  	s19 =	sor.u32 $0x400, s16;
	s20 =	sadd.s32 $0x80, s15  }
0x109: {  	[hbm4b:s20+s3] =	stream.linear.scatter [tilespmem:s19], [sflag:$0x1], $0x80, $0x38;
	[tilespmem:$0x8200] =	vst v63  }
0x10a: {  	s21 =	sor.u32 $0x800, s16;
	s22 =	sadd.s32 $0x100, s15  }
0x10b: {  	[hbm4b:s22+s3] =	stream.linear.scatter [tilespmem:s21], [sflag:$0x1], $0x80, $0x38;
	[tilespmem:$0x8200] =	vst v63  }
0x10c: {  	s23 =	sor.u32 $0xC00, s16;
	s24 =	sadd.s32 $0x180, s15  }
0x10d: {  	[hbm4b:s24+s3] =	stream.linear.scatter [tilespmem:s23], [sflag:$0x1], $0x80, $0x38;
	[tilespmem:$0x8200] =	vst v63  }
0x10e: {  	s25 =	sor.u32 $0x1000, s16;
	s26 =	sadd.s32 $0x200, s15  }
0x10f: {  	[hbm4b:s26+s3] =	stream.linear.scatter [tilespmem:s25], [sflag:$0x1], $0x80, $0x38;
	[tilespmem:$0x8200] =	vst v63  }
0x110: {  	s28 =	sor.u32 $0x1400, s16;
	s29 =	sadd.s32 $0x280, s15  }
0x111: {  	(v2sf) =	vpush v0, $0x1;
	[hbm4b:s29+s3] =	stream.linear.scatter [tilespmem:s28], [sflag:$0x1], $0x80, $0x38;
	[tilespmem:$0x8200] =	vst v63  }
0x112: {  	s30 =	sor.u32 $0x1800, s16;
	s31 =	sadd.s32 $0x300, s15  }
0x113: {  	[hbm4b:s31+s3] =	stream.linear.scatter [tilespmem:s30], [sflag:$0x1], $0x80, $0x38;
	[tilespmem:$0x8200] =	vst v63  }
0x114: {  	s0 =	sor.u32 $0x1C00, s16;
	s1 =	sadd.s32 $0x380, s15  }
0x115: {  	[hbm4b:s1+s3] =	stream.linear.scatter [tilespmem:s0], [sflag:$0x1], $0x80, $0x38;
	[tilespmem:$0x8200] =	vst v63  }
0x116: {  	s2 =	sor.u32 $0x2000, s16;
	s8 =	sadd.s32 $0x400, s15  }
0x117: {  	[hbm4b:s8+s3] =	stream.linear.scatter [tilespmem:s2], [sflag:$0x1], $0x80, $0x38;
	[tilespmem:$0x8200] =	vst v63  }
0x118: {  	s17 =	sor.u32 $0x2400, s16;
	s18 =	sadd.s32 $0x480, s15  }
0x119: {  	[hbm4b:s18+s3] =	stream.linear.scatter [tilespmem:s17], [sflag:$0x1], $0x80, $0x38;
	[tilespmem:$0x8200] =	vst v63  }
0x11a: {  	s19 =	sor.u32 $0x2800, s16;
	s20 =	sadd.s32 $0x500, s15  }
0x11b: {  	[hbm4b:s20+s3] =	stream.linear.scatter [tilespmem:s19], [sflag:$0x1], $0x80, $0x38;
	[tilespmem:$0x8200] =	vst v63  }
0x11c: {  	s22 =	sor.u32 $0x2C00, s16;
	s24 =	sor.u32 $0x3000, s16;
	s18 =	sadd.s32 $0x580, s15  }
0x11d: {  	[hbm4b:s18+s3] =	stream.linear.scatter [tilespmem:s22], [sflag:$0x1], $0x80, $0x38;
	[tilespmem:$0x8200] =	vst v63  }
0x11e: {  	s25 =	sor.u32 $0x3400, s16;
	s26 =	sadd.s32 $0x680, s15;
	s19 =	sadd.s32 $0x600, s15  }
0x11f: {  	[hbm4b:s19+s3] =	stream.linear.scatter [tilespmem:s24], [sflag:$0x1], $0x80, $0x38;
	[tilespmem:$0x8200] =	vst v63  }
0x120: {  	s28 =	sor.u32 $0x3800, s16;
	s29 =	sadd.s32 $0x700, s15;
	s21 =	spop (v2sf)  }
0x121: {  	[hbm4b:s26+s3] =	stream.linear.scatter [tilespmem:s25], [sflag:$0x1], $0x80, $0x38;
	[tilespmem:$0x8200] =	vst v63  }
0x122: {  	s16 =	sor.u32 $0x3C00, s16;
	s23 =	sshll.u32 s21, $0xB;
	s14 =	sshll.u32 s21, $0x7  }
0x123: {  	[hbm4b:s29+s3] =	stream.linear.scatter [tilespmem:s28], [sflag:$0x1], $0x80, $0x38;
	[tilespmem:$0x8200] =	vst v63  }
0x124: {  	s30 =	sadd.s32 $0x780, s15;
	s14 =	sand.u32 $0x380, s14;
	s17 =	sand.u32 $0xFFFFC000, s23  }
0x125: {  	[hbm4b:s30+s3] =	stream.linear.scatter [tilespmem:s16], [sflag:$0x1], $0x80, $0x38;
	[tilespmem:$0x8200] =	vst v63  }
0x126: {  	s31 =	sadd.s32 $0x10, s15;
	s14 =	sor.u32 s14, s17  }
0x127: {  	[hbm4b:s31+s3] =	stream.linear.scatter [tilespmem:s14], [sflag:$0x1], $0x80, $0x38;
	[tilespmem:$0x8200] =	vst v63  }
0x128: {  	s1 =	sadd.s32 $0x90, s15;
	s0 =	sor.u32 $0x400, s14  }
0x129: {  	[hbm4b:s1+s3] =	stream.linear.scatter [tilespmem:s0], [sflag:$0x1], $0x80, $0x38;
	[tilespmem:$0x8200] =	vst v63  }
0x12a: {  	s8 =	sadd.s32 $0x110, s15;
	s2 =	sor.u32 $0x800, s14  }
0x12b: {  	[hbm4b:s8+s3] =	stream.linear.scatter [tilespmem:s2], [sflag:$0x1], $0x80, $0x38;
	[tilespmem:$0x8200] =	vst v63  }
0x12c: {  	s18 =	sor.u32 $0xC00, s14;
	s19 =	sadd.s32 $0x190, s15  }
0x12d: {  	(v2sf) =	vpush v0, $0x2;
	[hbm4b:s19+s3] =	stream.linear.scatter [tilespmem:s18], [sflag:$0x1], $0x80, $0x38;
	[tilespmem:$0x8200] =	vst v63  }
0x12e: {  	s21 =	sadd.s32 $0x210, s15;
	s20 =	sor.u32 $0x1000, s14  }
0x12f: {  	[hbm4b:s21+s3] =	stream.linear.scatter [tilespmem:s20], [sflag:$0x1], $0x80, $0x38;
	[tilespmem:$0x8200] =	vst v63  }
0x130: {  	s23 =	sadd.s32 $0x290, s15;
	s22 =	sor.u32 $0x1400, s14  }
0x131: {  	[hbm4b:s23+s3] =	stream.linear.scatter [tilespmem:s22], [sflag:$0x1], $0x80, $0x38;
	[tilespmem:$0x8200] =	vst v63  }
0x132: {  	s24 =	sor.u32 $0x1800, s14;
	s25 =	sadd.s32 $0x310, s15  }
0x133: {  	[hbm4b:s25+s3] =	stream.linear.scatter [tilespmem:s24], [sflag:$0x1], $0x80, $0x38;
	[tilespmem:$0x8200] =	vst v63  }
0x134: {  	s26 =	sor.u32 $0x1C00, s14;
	s28 =	sadd.s32 $0x390, s15  }
0x135: {  	[hbm4b:s28+s3] =	stream.linear.scatter [tilespmem:s26], [sflag:$0x1], $0x80, $0x38;
	[tilespmem:$0x8200] =	vst v63  }
0x136: {  	s29 =	sor.u32 $0x2000, s14;
	s30 =	sadd.s32 $0x410, s15  }
0x137: {  	[hbm4b:s30+s3] =	stream.linear.scatter [tilespmem:s29], [sflag:$0x1], $0x80, $0x38;
	[tilespmem:$0x8200] =	vst v63  }
0x138: {  	s31 =	sor.u32 $0x2400, s14;
	s0 =	sadd.s32 $0x490, s15  }
0x139: {  	[hbm4b:s0+s3] =	stream.linear.scatter [tilespmem:s31], [sflag:$0x1], $0x80, $0x38;
	[tilespmem:$0x8200] =	vst v63  }
0x13a: {  	s1 =	sor.u32 $0x2800, s14;
	s2 =	sadd.s32 $0x510, s15  }
0x13b: {  	[hbm4b:s2+s3] =	stream.linear.scatter [tilespmem:s1], [sflag:$0x1], $0x80, $0x38;
	[tilespmem:$0x8200] =	vst v63  }
0x13c: {  	s8 =	spop (v2sf);
	s20 =	sor.u32 $0x2C00, s14;
	s21 =	sadd.s32 $0x590, s15  }
0x13d: {  	[hbm4b:s21+s3] =	stream.linear.scatter [tilespmem:s20], [sflag:$0x1], $0x80, $0x38;
	[tilespmem:$0x8200] =	vst v63  }
0x13e: {  	s16 =	sshll.u32 s8, $0x7;
	s23 =	sor.u32 $0x3000, s14;
	s24 =	sadd.s32 $0x610, s15  }
0x13f: {  	[hbm4b:s24+s3] =	stream.linear.scatter [tilespmem:s23], [sflag:$0x1], $0x80, $0x38;
	[tilespmem:$0x8200] =	vst v63  }
0x140: {  	s16 =	sand.u32 $0x380, s16;
	s25 =	sor.u32 $0x3400, s14;
	s26 =	sadd.s32 $0x690, s15  }
0x141: {  	[hbm4b:s26+s3] =	stream.linear.scatter [tilespmem:s25], [sflag:$0x1], $0x80, $0x38;
	[tilespmem:$0x8200] =	vst v63  }
0x142: {  	s22 =	sshll.u32 s8, $0xB;
	s28 =	sor.u32 $0x3800, s14;
	s29 =	sadd.s32 $0x710, s15  }
0x143: {  	[hbm4b:s29+s3] =	stream.linear.scatter [tilespmem:s28], [sflag:$0x1], $0x80, $0x38;
	[tilespmem:$0x8200] =	vst v63  }
0x144: {  	s17 =	sand.u32 $0xFFFFC000, s22;
	s14 =	sor.u32 $0x3C00, s14;
	s30 =	sadd.s32 $0x790, s15  }
0x145: {  	[hbm4b:s30+s3] =	stream.linear.scatter [tilespmem:s14], [sflag:$0x1], $0x80, $0x38;
	[tilespmem:$0x8200] =	vst v63  }
0x146: {  	s31 =	sadd.s32 $0x20, s15;
	s14 =	sor.u32 s16, s17  }
0x147: {  	[hbm4b:s31+s3] =	stream.linear.scatter [tilespmem:s14], [sflag:$0x1], $0x80, $0x38;
	[tilespmem:$0x8200] =	vst v63  }
0x148: {  	s1 =	sadd.s32 $0xA0, s15;
	s0 =	sor.u32 $0x400, s14  }
0x149: {  	[hbm4b:s1+s3] =	stream.linear.scatter [tilespmem:s0], [sflag:$0x1], $0x80, $0x38;
	[tilespmem:$0x8200] =	vst v63  }
0x14a: {  	s8 =	sadd.s32 $0x120, s15;
	s2 =	sor.u32 $0x800, s14  }
0x14b: {  	[hbm4b:s8+s3] =	stream.linear.scatter [tilespmem:s2], [sflag:$0x1], $0x80, $0x38;
	[tilespmem:$0x8200] =	vst v63  }
0x14c: {  	s19 =	sadd.s32 $0x1A0, s15;
	s18 =	sor.u32 $0xC00, s14  }
0x14d: {  	(v2sf) =	vpush v0, $0x3;
	[hbm4b:s19+s3] =	stream.linear.scatter [tilespmem:s18], [sflag:$0x1], $0x80, $0x38;
	[tilespmem:$0x8200] =	vst v63  }
0x14e: {  	s21 =	sadd.s32 $0x220, s15;
	s20 =	sor.u32 $0x1000, s14  }
0x14f: {  	[hbm4b:s21+s3] =	stream.linear.scatter [tilespmem:s20], [sflag:$0x1], $0x80, $0x38;
	[tilespmem:$0x8200] =	vst v63  }
0x150: {  	s23 =	sadd.s32 $0x2A0, s15;
	s22 =	sor.u32 $0x1400, s14  }
0x151: {  	[hbm4b:s23+s3] =	stream.linear.scatter [tilespmem:s22], [sflag:$0x1], $0x80, $0x38;
	[tilespmem:$0x8200] =	vst v63  }
0x152: {  	s25 =	sadd.s32 $0x320, s15;
	s24 =	sor.u32 $0x1800, s14  }
0x153: {  	[hbm4b:s25+s3] =	stream.linear.scatter [tilespmem:s24], [sflag:$0x1], $0x80, $0x38;
	[tilespmem:$0x8200] =	vst v63  }
0x154: {  	s28 =	sadd.s32 $0x3A0, s15;
	s26 =	sor.u32 $0x1C00, s14  }
0x155: {  	[hbm4b:s28+s3] =	stream.linear.scatter [tilespmem:s26], [sflag:$0x1], $0x80, $0x38;
	[tilespmem:$0x8200] =	vst v63  }
0x156: {  	s30 =	sadd.s32 $0x420, s15;
	s29 =	sor.u32 $0x2000, s14  }
0x157: {  	[hbm4b:s30+s3] =	stream.linear.scatter [tilespmem:s29], [sflag:$0x1], $0x80, $0x38;
	[tilespmem:$0x8200] =	vst v63  }
0x158: {  	s31 =	sor.u32 $0x2400, s14;
	s0 =	sadd.s32 $0x4A0, s15  }
0x159: {  	[hbm4b:s0+s3] =	stream.linear.scatter [tilespmem:s31], [sflag:$0x1], $0x80, $0x38;
	[tilespmem:$0x8200] =	vst v63  }
0x15a: {  	s1 =	sor.u32 $0x2800, s14;
	s2 =	sadd.s32 $0x520, s15  }
0x15b: {  	[hbm4b:s2+s3] =	stream.linear.scatter [tilespmem:s1], [sflag:$0x1], $0x80, $0x38;
	[tilespmem:$0x8200] =	vst v63  }
0x15c: {  	s8 =	spop (v2sf);
	s20 =	sor.u32 $0x2C00, s14;
	s21 =	sadd.s32 $0x5A0, s15  }
0x15d: {  	[hbm4b:s21+s3] =	stream.linear.scatter [tilespmem:s20], [sflag:$0x1], $0x80, $0x38;
	[tilespmem:$0x8200] =	vst v63  }
0x15e: {  	s16 =	sshll.u32 s8, $0x7;
	s23 =	sor.u32 $0x3000, s14;
	s24 =	sadd.s32 $0x620, s15  }
0x15f: {  	[hbm4b:s24+s3] =	stream.linear.scatter [tilespmem:s23], [sflag:$0x1], $0x80, $0x38;
	[tilespmem:$0x8200] =	vst v63  }
0x160: {  	s16 =	sand.u32 $0x380, s16;
	s25 =	sor.u32 $0x3400, s14;
	s26 =	sadd.s32 $0x6A0, s15  }
0x161: {  	[hbm4b:s26+s3] =	stream.linear.scatter [tilespmem:s25], [sflag:$0x1], $0x80, $0x38;
	[tilespmem:$0x8200] =	vst v63  }
0x162: {  	s22 =	sshll.u32 s8, $0xB;
	s28 =	sor.u32 $0x3800, s14;
	s29 =	sadd.s32 $0x720, s15  }
0x163: {  	[hbm4b:s29+s3] =	stream.linear.scatter [tilespmem:s28], [sflag:$0x1], $0x80, $0x38;
	[tilespmem:$0x8200] =	vst v63  }
0x164: {  	s17 =	sand.u32 $0xFFFFC000, s22;
	s14 =	sor.u32 $0x3C00, s14;
	s30 =	sadd.s32 $0x7A0, s15  }
0x165: {  	[hbm4b:s30+s3] =	stream.linear.scatter [tilespmem:s14], [sflag:$0x1], $0x80, $0x38;
	[tilespmem:$0x8200] =	vst v63  }
0x166: {  	s31 =	sadd.s32 $0x30, s15;
	s14 =	sor.u32 s16, s17  }
0x167: {  	[hbm4b:s31+s3] =	stream.linear.scatter [tilespmem:s14], [sflag:$0x1], $0x80, $0x38;
	[tilespmem:$0x8200] =	vst v63  }
0x168: {  	s1 =	sadd.s32 $0xB0, s15;
	s0 =	sor.u32 $0x400, s14  }
0x169: {  	[hbm4b:s1+s3] =	stream.linear.scatter [tilespmem:s0], [sflag:$0x1], $0x80, $0x38;
	[tilespmem:$0x8200] =	vst v63  }
0x16a: {  	s8 =	sadd.s32 $0x130, s15;
	s2 =	sor.u32 $0x800, s14  }
0x16b: {  	[hbm4b:s8+s3] =	stream.linear.scatter [tilespmem:s2], [sflag:$0x1], $0x80, $0x38;
	[tilespmem:$0x8200] =	vst v63  }
0x16c: {  	s19 =	sadd.s32 $0x1B0, s15;
	s18 =	sor.u32 $0xC00, s14  }
0x16d: {  	(v2sf) =	vpush v0, $0x4;
	[hbm4b:s19+s3] =	stream.linear.scatter [tilespmem:s18], [sflag:$0x1], $0x80, $0x38;
	[tilespmem:$0x8200] =	vst v63  }
0x16e: {  	s21 =	sadd.s32 $0x230, s15;
	s20 =	sor.u32 $0x1000, s14  }
0x16f: {  	[hbm4b:s21+s3] =	stream.linear.scatter [tilespmem:s20], [sflag:$0x1], $0x80, $0x38;
	[tilespmem:$0x8200] =	vst v63  }
0x170: {  	s23 =	sadd.s32 $0x2B0, s15;
	s22 =	sor.u32 $0x1400, s14  }
0x171: {  	[hbm4b:s23+s3] =	stream.linear.scatter [tilespmem:s22], [sflag:$0x1], $0x80, $0x38;
	[tilespmem:$0x8200] =	vst v63  }
0x172: {  	s25 =	sadd.s32 $0x330, s15;
	s24 =	sor.u32 $0x1800, s14  }
0x173: {  	[hbm4b:s25+s3] =	stream.linear.scatter [tilespmem:s24], [sflag:$0x1], $0x80, $0x38;
	[tilespmem:$0x8200] =	vst v63  }
0x174: {  	s28 =	sadd.s32 $0x3B0, s15;
	s26 =	sor.u32 $0x1C00, s14  }
0x175: {  	[hbm4b:s28+s3] =	stream.linear.scatter [tilespmem:s26], [sflag:$0x1], $0x80, $0x38;
	[tilespmem:$0x8200] =	vst v63  }
0x176: {  	s30 =	sadd.s32 $0x430, s15;
	s29 =	sor.u32 $0x2000, s14  }
0x177: {  	[hbm4b:s30+s3] =	stream.linear.scatter [tilespmem:s29], [sflag:$0x1], $0x80, $0x38;
	[tilespmem:$0x8200] =	vst v63  }
0x178: {  	s31 =	sor.u32 $0x2400, s14;
	s0 =	sadd.s32 $0x4B0, s15  }
0x179: {  	[hbm4b:s0+s3] =	stream.linear.scatter [tilespmem:s31], [sflag:$0x1], $0x80, $0x38;
	[tilespmem:$0x8200] =	vst v63  }
0x17a: {  	s1 =	sor.u32 $0x2800, s14;
	s2 =	sadd.s32 $0x530, s15  }
0x17b: {  	[hbm4b:s2+s3] =	stream.linear.scatter [tilespmem:s1], [sflag:$0x1], $0x80, $0x38;
	[tilespmem:$0x8200] =	vst v63  }
0x17c: {  	s8 =	spop (v2sf);
	s20 =	sor.u32 $0x2C00, s14;
	s21 =	sadd.s32 $0x5B0, s15  }
0x17d: {  	[hbm4b:s21+s3] =	stream.linear.scatter [tilespmem:s20], [sflag:$0x1], $0x80, $0x38;
	[tilespmem:$0x8200] =	vst v63  }
0x17e: {  	s16 =	sshll.u32 s8, $0x7;
	s23 =	sor.u32 $0x3000, s14;
	s24 =	sadd.s32 $0x630, s15  }
0x17f: {  	[hbm4b:s24+s3] =	stream.linear.scatter [tilespmem:s23], [sflag:$0x1], $0x80, $0x38;
	[tilespmem:$0x8200] =	vst v63  }
0x180: {  	s16 =	sand.u32 $0x380, s16;
	s25 =	sor.u32 $0x3400, s14;
	s26 =	sadd.s32 $0x6B0, s15  }
0x181: {  	[hbm4b:s26+s3] =	stream.linear.scatter [tilespmem:s25], [sflag:$0x1], $0x80, $0x38;
	[tilespmem:$0x8200] =	vst v63  }
0x182: {  	s22 =	sshll.u32 s8, $0xB;
	s28 =	sor.u32 $0x3800, s14;
	s29 =	sadd.s32 $0x730, s15  }
0x183: {  	[hbm4b:s29+s3] =	stream.linear.scatter [tilespmem:s28], [sflag:$0x1], $0x80, $0x38;
	[tilespmem:$0x8200] =	vst v63  }
0x184: {  	s17 =	sand.u32 $0xFFFFC000, s22;
	s14 =	sor.u32 $0x3C00, s14;
	s30 =	sadd.s32 $0x7B0, s15  }
0x185: {  	[hbm4b:s30+s3] =	stream.linear.scatter [tilespmem:s14], [sflag:$0x1], $0x80, $0x38;
	[tilespmem:$0x8200] =	vst v63  }
0x186: {  	s31 =	sadd.s32 $0x40, s15;
	s14 =	sor.u32 s16, s17  }
0x187: {  	[hbm4b:s31+s3] =	stream.linear.scatter [tilespmem:s14], [sflag:$0x1], $0x80, $0x38;
	[tilespmem:$0x8200] =	vst v63  }
0x188: {  	s1 =	sadd.s32 $0xC0, s15;
	s0 =	sor.u32 $0x400, s14  }
0x189: {  	[hbm4b:s1+s3] =	stream.linear.scatter [tilespmem:s0], [sflag:$0x1], $0x80, $0x38;
	[tilespmem:$0x8200] =	vst v63  }
0x18a: {  	s8 =	sadd.s32 $0x140, s15;
	s2 =	sor.u32 $0x800, s14  }
0x18b: {  	[hbm4b:s8+s3] =	stream.linear.scatter [tilespmem:s2], [sflag:$0x1], $0x80, $0x38;
	[tilespmem:$0x8200] =	vst v63  }
0x18c: {  	s19 =	sadd.s32 $0x1C0, s15;
	s18 =	sor.u32 $0xC00, s14  }
0x18d: {  	(v2sf) =	vpush v0, $0x5;
	[hbm4b:s19+s3] =	stream.linear.scatter [tilespmem:s18], [sflag:$0x1], $0x80, $0x38;
	[tilespmem:$0x8200] =	vst v63  }
0x18e: {  	s21 =	sadd.s32 $0x240, s15;
	s20 =	sor.u32 $0x1000, s14  }
0x18f: {  	[hbm4b:s21+s3] =	stream.linear.scatter [tilespmem:s20], [sflag:$0x1], $0x80, $0x38;
	[tilespmem:$0x8200] =	vst v63  }
0x190: {  	s23 =	sadd.s32 $0x2C0, s15;
	s22 =	sor.u32 $0x1400, s14  }
0x191: {  	[hbm4b:s23+s3] =	stream.linear.scatter [tilespmem:s22], [sflag:$0x1], $0x80, $0x38;
	[tilespmem:$0x8200] =	vst v63  }
0x192: {  	s25 =	sadd.s32 $0x340, s15;
	s24 =	sor.u32 $0x1800, s14  }
0x193: {  	[hbm4b:s25+s3] =	stream.linear.scatter [tilespmem:s24], [sflag:$0x1], $0x80, $0x38;
	[tilespmem:$0x8200] =	vst v63  }
0x194: {  	s28 =	sadd.s32 $0x3C0, s15;
	s26 =	sor.u32 $0x1C00, s14  }
0x195: {  	[hbm4b:s28+s3] =	stream.linear.scatter [tilespmem:s26], [sflag:$0x1], $0x80, $0x38;
	[tilespmem:$0x8200] =	vst v63  }
0x196: {  	s30 =	sadd.s32 $0x440, s15;
	s29 =	sor.u32 $0x2000, s14  }
0x197: {  	[hbm4b:s30+s3] =	stream.linear.scatter [tilespmem:s29], [sflag:$0x1], $0x80, $0x38;
	[tilespmem:$0x8200] =	vst v63  }
0x198: {  	s31 =	sor.u32 $0x2400, s14;
	s0 =	sadd.s32 $0x4C0, s15  }
0x199: {  	[hbm4b:s0+s3] =	stream.linear.scatter [tilespmem:s31], [sflag:$0x1], $0x80, $0x38;
	[tilespmem:$0x8200] =	vst v63  }
0x19a: {  	s1 =	sor.u32 $0x2800, s14;
	s2 =	sadd.s32 $0x540, s15  }
0x19b: {  	[hbm4b:s2+s3] =	stream.linear.scatter [tilespmem:s1], [sflag:$0x1], $0x80, $0x38;
	[tilespmem:$0x8200] =	vst v63  }
0x19c: {  	s8 =	spop (v2sf);
	s20 =	sor.u32 $0x2C00, s14;
	s21 =	sadd.s32 $0x5C0, s15  }
0x19d: {  	[hbm4b:s21+s3] =	stream.linear.scatter [tilespmem:s20], [sflag:$0x1], $0x80, $0x38;
	[tilespmem:$0x8200] =	vst v63  }
0x19e: {  	s16 =	sshll.u32 s8, $0x7;
	s23 =	sor.u32 $0x3000, s14;
	s24 =	sadd.s32 $0x640, s15  }
0x19f: {  	[hbm4b:s24+s3] =	stream.linear.scatter [tilespmem:s23], [sflag:$0x1], $0x80, $0x38;
	[tilespmem:$0x8200] =	vst v63  }
0x1a0: {  	s16 =	sand.u32 $0x380, s16;
	s25 =	sor.u32 $0x3400, s14;
	s26 =	sadd.s32 $0x6C0, s15  }
0x1a1: {  	[hbm4b:s26+s3] =	stream.linear.scatter [tilespmem:s25], [sflag:$0x1], $0x80, $0x38;
	[tilespmem:$0x8200] =	vst v63  }
0x1a2: {  	s22 =	sshll.u32 s8, $0xB;
	s28 =	sor.u32 $0x3800, s14;
	s29 =	sadd.s32 $0x740, s15  }
0x1a3: {  	[hbm4b:s29+s3] =	stream.linear.scatter [tilespmem:s28], [sflag:$0x1], $0x80, $0x38;
	[tilespmem:$0x8200] =	vst v63  }
0x1a4: {  	s17 =	sand.u32 $0xFFFFC000, s22;
	s14 =	sor.u32 $0x3C00, s14;
	s30 =	sadd.s32 $0x7C0, s15  }
0x1a5: {  	[hbm4b:s30+s3] =	stream.linear.scatter [tilespmem:s14], [sflag:$0x1], $0x80, $0x38;
	[tilespmem:$0x8200] =	vst v63  }
0x1a6: {  	s31 =	sadd.s32 $0x50, s15;
	s14 =	sor.u32 s16, s17  }
0x1a7: {  	[hbm4b:s31+s3] =	stream.linear.scatter [tilespmem:s14], [sflag:$0x1], $0x80, $0x38;
	[tilespmem:$0x8200] =	vst v63  }
0x1a8: {  	s1 =	sadd.s32 $0xD0, s15;
	s0 =	sor.u32 $0x400, s14  }
0x1a9: {  	[hbm4b:s1+s3] =	stream.linear.scatter [tilespmem:s0], [sflag:$0x1], $0x80, $0x38;
	[tilespmem:$0x8200] =	vst v63  }
0x1aa: {  	s8 =	sadd.s32 $0x150, s15;
	s2 =	sor.u32 $0x800, s14  }
0x1ab: {  	[hbm4b:s8+s3] =	stream.linear.scatter [tilespmem:s2], [sflag:$0x1], $0x80, $0x38;
	[tilespmem:$0x8200] =	vst v63  }
0x1ac: {  	s19 =	sadd.s32 $0x1D0, s15;
	s18 =	sor.u32 $0xC00, s14  }
0x1ad: {  	(v2sf) =	vpush v0, $0x6;
	[hbm4b:s19+s3] =	stream.linear.scatter [tilespmem:s18], [sflag:$0x1], $0x80, $0x38;
	[tilespmem:$0x8200] =	vst v63  }
0x1ae: {  	s21 =	sadd.s32 $0x250, s15;
	s20 =	sor.u32 $0x1000, s14  }
0x1af: {  	[hbm4b:s21+s3] =	stream.linear.scatter [tilespmem:s20], [sflag:$0x1], $0x80, $0x38;
	[tilespmem:$0x8200] =	vst v63  }
0x1b0: {  	s23 =	sadd.s32 $0x2D0, s15;
	s22 =	sor.u32 $0x1400, s14  }
0x1b1: {  	[hbm4b:s23+s3] =	stream.linear.scatter [tilespmem:s22], [sflag:$0x1], $0x80, $0x38;
	[tilespmem:$0x8200] =	vst v63  }
0x1b2: {  	s25 =	sadd.s32 $0x350, s15;
	s24 =	sor.u32 $0x1800, s14  }
0x1b3: {  	[hbm4b:s25+s3] =	stream.linear.scatter [tilespmem:s24], [sflag:$0x1], $0x80, $0x38;
	[tilespmem:$0x8200] =	vst v63  }
0x1b4: {  	s28 =	sadd.s32 $0x3D0, s15;
	s26 =	sor.u32 $0x1C00, s14  }
0x1b5: {  	[hbm4b:s28+s3] =	stream.linear.scatter [tilespmem:s26], [sflag:$0x1], $0x80, $0x38;
	[tilespmem:$0x8200] =	vst v63  }
0x1b6: {  	s30 =	sadd.s32 $0x450, s15;
	s29 =	sor.u32 $0x2000, s14  }
0x1b7: {  	[hbm4b:s30+s3] =	stream.linear.scatter [tilespmem:s29], [sflag:$0x1], $0x80, $0x38;
	[tilespmem:$0x8200] =	vst v63  }
0x1b8: {  	s31 =	sor.u32 $0x2400, s14;
	s0 =	sadd.s32 $0x4D0, s15  }
0x1b9: {  	[hbm4b:s0+s3] =	stream.linear.scatter [tilespmem:s31], [sflag:$0x1], $0x80, $0x38;
	[tilespmem:$0x8200] =	vst v63  }
0x1ba: {  	s1 =	sor.u32 $0x2800, s14;
	s2 =	sadd.s32 $0x550, s15  }
0x1bb: {  	[hbm4b:s2+s3] =	stream.linear.scatter [tilespmem:s1], [sflag:$0x1], $0x80, $0x38;
	[tilespmem:$0x8200] =	vst v63  }
0x1bc: {  	s8 =	spop (v2sf);
	s20 =	sor.u32 $0x2C00, s14;
	s21 =	sadd.s32 $0x5D0, s15  }
0x1bd: {  	[hbm4b:s21+s3] =	stream.linear.scatter [tilespmem:s20], [sflag:$0x1], $0x80, $0x38;
	[tilespmem:$0x8200] =	vst v63  }
0x1be: {  	s16 =	sshll.u32 s8, $0x7;
	s23 =	sor.u32 $0x3000, s14;
	s24 =	sadd.s32 $0x650, s15  }
0x1bf: {  	[hbm4b:s24+s3] =	stream.linear.scatter [tilespmem:s23], [sflag:$0x1], $0x80, $0x38;
	[tilespmem:$0x8200] =	vst v63  }
0x1c0: {  	s16 =	sand.u32 $0x380, s16;
	s25 =	sor.u32 $0x3400, s14;
	s26 =	sadd.s32 $0x6D0, s15  }
0x1c1: {  	[hbm4b:s26+s3] =	stream.linear.scatter [tilespmem:s25], [sflag:$0x1], $0x80, $0x38;
	[tilespmem:$0x8200] =	vst v63  }
0x1c2: {  	s22 =	sshll.u32 s8, $0xB;
	s28 =	sor.u32 $0x3800, s14;
	s29 =	sadd.s32 $0x750, s15  }
0x1c3: {  	[hbm4b:s29+s3] =	stream.linear.scatter [tilespmem:s28], [sflag:$0x1], $0x80, $0x38;
	[tilespmem:$0x8200] =	vst v63  }
0x1c4: {  	s17 =	sand.u32 $0xFFFFC000, s22;
	s14 =	sor.u32 $0x3C00, s14;
	s30 =	sadd.s32 $0x7D0, s15  }
0x1c5: {  	[hbm4b:s30+s3] =	stream.linear.scatter [tilespmem:s14], [sflag:$0x1], $0x80, $0x38;
	[tilespmem:$0x8200] =	vst v63  }
0x1c6: {  	s31 =	sadd.s32 $0x60, s15;
	s14 =	sor.u32 s16, s17  }
0x1c7: {  	[hbm4b:s31+s3] =	stream.linear.scatter [tilespmem:s14], [sflag:$0x1], $0x80, $0x38;
	[tilespmem:$0x8200] =	vst v63  }
0x1c8: {  	s1 =	sadd.s32 $0xE0, s15;
	s0 =	sor.u32 $0x400, s14  }
0x1c9: {  	[hbm4b:s1+s3] =	stream.linear.scatter [tilespmem:s0], [sflag:$0x1], $0x80, $0x38;
	[tilespmem:$0x8200] =	vst v63  }
0x1ca: {  	s8 =	sadd.s32 $0x160, s15;
	s2 =	sor.u32 $0x800, s14  }
0x1cb: {  	[hbm4b:s8+s3] =	stream.linear.scatter [tilespmem:s2], [sflag:$0x1], $0x80, $0x38;
	[tilespmem:$0x8200] =	vst v63  }
0x1cc: {  	s19 =	sadd.s32 $0x1E0, s15;
	s18 =	sor.u32 $0xC00, s14  }
0x1cd: {  	(v2sf) =	vpush v0, $0x7;
	[hbm4b:s19+s3] =	stream.linear.scatter [tilespmem:s18], [sflag:$0x1], $0x80, $0x38;
	[tilespmem:$0x8200] =	vst v63  }
0x1ce: {  	s21 =	sadd.s32 $0x260, s15;
	s20 =	sor.u32 $0x1000, s14  }
0x1cf: {  	[hbm4b:s21+s3] =	stream.linear.scatter [tilespmem:s20], [sflag:$0x1], $0x80, $0x38;
	[tilespmem:$0x8200] =	vst v63  }
0x1d0: {  	s23 =	sadd.s32 $0x2E0, s15;
	s22 =	sor.u32 $0x1400, s14  }
0x1d1: {  	[hbm4b:s23+s3] =	stream.linear.scatter [tilespmem:s22], [sflag:$0x1], $0x80, $0x38;
	[tilespmem:$0x8200] =	vst v63  }
0x1d2: {  	s25 =	sadd.s32 $0x360, s15;
	s24 =	sor.u32 $0x1800, s14  }
0x1d3: {  	[hbm4b:s25+s3] =	stream.linear.scatter [tilespmem:s24], [sflag:$0x1], $0x80, $0x38;
	[tilespmem:$0x8200] =	vst v63  }
0x1d4: {  	s28 =	sadd.s32 $0x3E0, s15;
	s26 =	sor.u32 $0x1C00, s14  }
0x1d5: {  	[hbm4b:s28+s3] =	stream.linear.scatter [tilespmem:s26], [sflag:$0x1], $0x80, $0x38;
	[tilespmem:$0x8200] =	vst v63  }
0x1d6: {  	s30 =	sadd.s32 $0x460, s15;
	s29 =	sor.u32 $0x2000, s14  }
0x1d7: {  	[hbm4b:s30+s3] =	stream.linear.scatter [tilespmem:s29], [sflag:$0x1], $0x80, $0x38;
	[tilespmem:$0x8200] =	vst v63  }
0x1d8: {  	s31 =	sor.u32 $0x2400, s14;
	s0 =	sadd.s32 $0x4E0, s15  }
0x1d9: {  	[hbm4b:s0+s3] =	stream.linear.scatter [tilespmem:s31], [sflag:$0x1], $0x80, $0x38;
	[tilespmem:$0x8200] =	vst v63  }
0x1da: {  	s1 =	sor.u32 $0x2800, s14;
	s2 =	sadd.s32 $0x560, s15  }
0x1db: {  	[hbm4b:s2+s3] =	stream.linear.scatter [tilespmem:s1], [sflag:$0x1], $0x80, $0x38;
	[tilespmem:$0x8200] =	vst v63  }
0x1dc: {  	s8 =	spop (v2sf);
	s20 =	sor.u32 $0x2C00, s14;
	s21 =	sadd.s32 $0x5E0, s15  }
0x1dd: {  	[hbm4b:s21+s3] =	stream.linear.scatter [tilespmem:s20], [sflag:$0x1], $0x80, $0x38;
	[tilespmem:$0x8200] =	vst v63  }
0x1de: {  	s16 =	sshll.u32 s8, $0x7;
	s23 =	sor.u32 $0x3000, s14;
	s24 =	sadd.s32 $0x660, s15  }
0x1df: {  	[hbm4b:s24+s3] =	stream.linear.scatter [tilespmem:s23], [sflag:$0x1], $0x80, $0x38;
	[tilespmem:$0x8200] =	vst v63  }
0x1e0: {  	s16 =	sand.u32 $0x380, s16;
	s25 =	sor.u32 $0x3400, s14;
	s26 =	sadd.s32 $0x6E0, s15  }
0x1e1: {  	[hbm4b:s26+s3] =	stream.linear.scatter [tilespmem:s25], [sflag:$0x1], $0x80, $0x38;
	[tilespmem:$0x8200] =	vst v63  }
0x1e2: {  	s22 =	sshll.u32 s8, $0xB;
	s28 =	sor.u32 $0x3800, s14;
	s29 =	sadd.s32 $0x760, s15  }
0x1e3: {  	[hbm4b:s29+s3] =	stream.linear.scatter [tilespmem:s28], [sflag:$0x1], $0x80, $0x38;
	[tilespmem:$0x8200] =	vst v63  }
0x1e4: {  	s17 =	sand.u32 $0xFFFFC000, s22;
	s14 =	sor.u32 $0x3C00, s14;
	s30 =	sadd.s32 $0x7E0, s15  }
0x1e5: {  	[hbm4b:s30+s3] =	stream.linear.scatter [tilespmem:s14], [sflag:$0x1], $0x80, $0x38;
	[tilespmem:$0x8200] =	vst v63  }
0x1e6: {  	s31 =	sadd.s32 $0x70, s15;
	s14 =	sor.u32 s16, s17  }
0x1e7: {  	[hbm4b:s31+s3] =	stream.linear.scatter [tilespmem:s14], [sflag:$0x1], $0x80, $0x38;
	[tilespmem:$0x8200] =	vst v63  }
0x1e8: {  	s1 =	sadd.s32 $0xF0, s15;
	s0 =	sor.u32 $0x400, s14  }
0x1e9: {  	[hbm4b:s1+s3] =	stream.linear.scatter [tilespmem:s0], [sflag:$0x1], $0x80, $0x38;
	[tilespmem:$0x8200] =	vst v63  }
0x1ea: {  	s8 =	sadd.s32 $0x170, s15;
	s2 =	sor.u32 $0x800, s14  }
0x1eb: {  	[hbm4b:s8+s3] =	stream.linear.scatter [tilespmem:s2], [sflag:$0x1], $0x80, $0x38;
	[tilespmem:$0x8200] =	vst v63  }
0x1ec: {  	s19 =	sadd.s32 $0x1F0, s15;
	s18 =	sor.u32 $0xC00, s14  }
0x1ed: {  	(v2sf) =	vpush v0, $0x8;
	[hbm4b:s19+s3] =	stream.linear.scatter [tilespmem:s18], [sflag:$0x1], $0x80, $0x38;
	[tilespmem:$0x8200] =	vst v63  }
0x1ee: {  	s21 =	sadd.s32 $0x270, s15;
	s20 =	sor.u32 $0x1000, s14  }
0x1ef: {  	[hbm4b:s21+s3] =	stream.linear.scatter [tilespmem:s20], [sflag:$0x1], $0x80, $0x38;
	[tilespmem:$0x8200] =	vst v63  }
0x1f0: {  	s23 =	sadd.s32 $0x2F0, s15;
	s22 =	sor.u32 $0x1400, s14  }
0x1f1: {  	[hbm4b:s23+s3] =	stream.linear.scatter [tilespmem:s22], [sflag:$0x1], $0x80, $0x38;
	[tilespmem:$0x8200] =	vst v63  }
0x1f2: {  	s25 =	sadd.s32 $0x370, s15;
	s24 =	sor.u32 $0x1800, s14  }
0x1f3: {  	[hbm4b:s25+s3] =	stream.linear.scatter [tilespmem:s24], [sflag:$0x1], $0x80, $0x38;
	[tilespmem:$0x8200] =	vst v63  }
0x1f4: {  	s28 =	sadd.s32 $0x3F0, s15;
	s26 =	sor.u32 $0x1C00, s14  }
0x1f5: {  	[hbm4b:s28+s3] =	stream.linear.scatter [tilespmem:s26], [sflag:$0x1], $0x80, $0x38;
	[tilespmem:$0x8200] =	vst v63  }
0x1f6: {  	s30 =	sadd.s32 $0x470, s15;
	s29 =	sor.u32 $0x2000, s14  }
0x1f7: {  	[hbm4b:s30+s3] =	stream.linear.scatter [tilespmem:s29], [sflag:$0x1], $0x80, $0x38;
	[tilespmem:$0x8200] =	vst v63  }
0x1f8: {  	s31 =	sor.u32 $0x2400, s14;
	s0 =	sadd.s32 $0x4F0, s15  }
0x1f9: {  	[hbm4b:s0+s3] =	stream.linear.scatter [tilespmem:s31], [sflag:$0x1], $0x80, $0x38;
	[tilespmem:$0x8200] =	vst v63  }
0x1fa: {  	s1 =	sor.u32 $0x2800, s14;
	s2 =	sadd.s32 $0x570, s15  }
0x1fb: {  	[hbm4b:s2+s3] =	stream.linear.scatter [tilespmem:s1], [sflag:$0x1], $0x80, $0x38;
	[tilespmem:$0x8200] =	vst v63  }
0x1fc: {  	s8 =	spop (v2sf);
	s20 =	sor.u32 $0x2C00, s14;
	s21 =	sadd.s32 $0x5F0, s15  }
0x1fd: {  	[hbm4b:s21+s3] =	stream.linear.scatter [tilespmem:s20], [sflag:$0x1], $0x80, $0x38;
	[tilespmem:$0x8200] =	vst v63  }
0x1fe: {  	s16 =	sshll.u32 s8, $0x7;
	s23 =	sor.u32 $0x3000, s14;
	s24 =	sadd.s32 $0x670, s15  }
0x1ff: {  	[hbm4b:s24+s3] =	stream.linear.scatter [tilespmem:s23], [sflag:$0x1], $0x80, $0x38;
	[tilespmem:$0x8200] =	vst v63  }
0x200: {  	s16 =	sand.u32 $0x380, s16;
	s25 =	sor.u32 $0x3400, s14;
	s26 =	sadd.s32 $0x6F0, s15  }
0x201: {  	[hbm4b:s26+s3] =	stream.linear.scatter [tilespmem:s25], [sflag:$0x1], $0x80, $0x38;
	[tilespmem:$0x8200] =	vst v63  }
0x202: {  	s22 =	sshll.u32 s8, $0xB;
	s28 =	sor.u32 $0x3800, s14;
	s29 =	sadd.s32 $0x770, s15  }
0x203: {  	[hbm4b:s29+s3] =	stream.linear.scatter [tilespmem:s28], [sflag:$0x1], $0x80, $0x38;
	[tilespmem:$0x8200] =	vst v63  }
0x204: {  	s17 =	sand.u32 $0xFFFFC000, s22;
	s14 =	sor.u32 $0x3C00, s14;
	s30 =	sadd.s32 $0x7F0, s15  }
0x205: {  	[hbm4b:s30+s3] =	stream.linear.scatter [tilespmem:s14], [sflag:$0x1], $0x80, $0x38;
	[tilespmem:$0x8200] =	vst v63  }
0x206: {  	s31 =	sadd.s32 $0x800, s15;
	s14 =	sor.u32 s16, s17  }
0x207: {  	[hbm4b:s31+s3] =	stream.linear.scatter [tilespmem:s14], [sflag:$0x1], $0x80, $0x38;
	[tilespmem:$0x8200] =	vst v63  }
0x208: {  	s1 =	sadd.s32 $0x880, s15;
	s0 =	sor.u32 $0x400, s14  }
0x209: {  	[hbm4b:s1+s3] =	stream.linear.scatter [tilespmem:s0], [sflag:$0x1], $0x80, $0x38;
	[tilespmem:$0x8200] =	vst v63  }
0x20a: {  	s8 =	sadd.s32 $0x900, s15;
	s2 =	sor.u32 $0x800, s14  }
0x20b: {  	[hbm4b:s8+s3] =	stream.linear.scatter [tilespmem:s2], [sflag:$0x1], $0x80, $0x38;
	[tilespmem:$0x8200] =	vst v63  }
0x20c: {  	s19 =	sadd.s32 $0x980, s15;
	s18 =	sor.u32 $0xC00, s14  }
0x20d: {  	(v2sf) =	vpush v0, $0x9;
	[hbm4b:s19+s3] =	stream.linear.scatter [tilespmem:s18], [sflag:$0x1], $0x80, $0x38;
	[tilespmem:$0x8200] =	vst v63  }
0x20e: {  	s21 =	sadd.s32 $0xA00, s15;
	s20 =	sor.u32 $0x1000, s14  }
0x20f: {  	[hbm4b:s21+s3] =	stream.linear.scatter [tilespmem:s20], [sflag:$0x1], $0x80, $0x38;
	[tilespmem:$0x8200] =	vst v63  }
0x210: {  	s23 =	sadd.s32 $0xA80, s15;
	s22 =	sor.u32 $0x1400, s14  }
0x211: {  	[hbm4b:s23+s3] =	stream.linear.scatter [tilespmem:s22], [sflag:$0x1], $0x80, $0x38;
	[tilespmem:$0x8200] =	vst v63  }
0x212: {  	s25 =	sadd.s32 $0xB00, s15;
	s24 =	sor.u32 $0x1800, s14  }
0x213: {  	[hbm4b:s25+s3] =	stream.linear.scatter [tilespmem:s24], [sflag:$0x1], $0x80, $0x38;
	[tilespmem:$0x8200] =	vst v63  }
0x214: {  	s28 =	sadd.s32 $0xB80, s15;
	s26 =	sor.u32 $0x1C00, s14  }
0x215: {  	[hbm4b:s28+s3] =	stream.linear.scatter [tilespmem:s26], [sflag:$0x1], $0x80, $0x38;
	[tilespmem:$0x8200] =	vst v63  }
0x216: {  	s30 =	sadd.s32 $0xC00, s15;
	s29 =	sor.u32 $0x2000, s14  }
0x217: {  	[hbm4b:s30+s3] =	stream.linear.scatter [tilespmem:s29], [sflag:$0x1], $0x80, $0x38;
	[tilespmem:$0x8200] =	vst v63  }
0x218: {  	s31 =	sor.u32 $0x2400, s14;
	s0 =	sadd.s32 $0xC80, s15  }
0x219: {  	[hbm4b:s0+s3] =	stream.linear.scatter [tilespmem:s31], [sflag:$0x1], $0x80, $0x38;
	[tilespmem:$0x8200] =	vst v63  }
0x21a: {  	s1 =	sor.u32 $0x2800, s14;
	s2 =	sadd.s32 $0xD00, s15  }
0x21b: {  	[hbm4b:s2+s3] =	stream.linear.scatter [tilespmem:s1], [sflag:$0x1], $0x80, $0x38;
	[tilespmem:$0x8200] =	vst v63  }
0x21c: {  	s8 =	spop (v2sf);
	s20 =	sor.u32 $0x2C00, s14;
	s21 =	sadd.s32 $0xD80, s15  }
0x21d: {  	[hbm4b:s21+s3] =	stream.linear.scatter [tilespmem:s20], [sflag:$0x1], $0x80, $0x38;
	[tilespmem:$0x8200] =	vst v63  }
0x21e: {  	s16 =	sshll.u32 s8, $0x7;
	s23 =	sor.u32 $0x3000, s14;
	s24 =	sadd.s32 $0xE00, s15  }
0x21f: {  	[hbm4b:s24+s3] =	stream.linear.scatter [tilespmem:s23], [sflag:$0x1], $0x80, $0x38;
	[tilespmem:$0x8200] =	vst v63  }
0x220: {  	s16 =	sand.u32 $0x380, s16;
	s25 =	sor.u32 $0x3400, s14;
	s26 =	sadd.s32 $0xE80, s15  }
0x221: {  	[hbm4b:s26+s3] =	stream.linear.scatter [tilespmem:s25], [sflag:$0x1], $0x80, $0x38;
	[tilespmem:$0x8200] =	vst v63  }
0x222: {  	s22 =	sshll.u32 s8, $0xB;
	s28 =	sor.u32 $0x3800, s14;
	s29 =	sadd.s32 $0xF00, s15  }
0x223: {  	[hbm4b:s29+s3] =	stream.linear.scatter [tilespmem:s28], [sflag:$0x1], $0x80, $0x38;
	[tilespmem:$0x8200] =	vst v63  }
0x224: {  	s17 =	sand.u32 $0xFFFFC000, s22;
	s14 =	sor.u32 $0x3C00, s14;
	s30 =	sadd.s32 $0xF80, s15  }
0x225: {  	[hbm4b:s30+s3] =	stream.linear.scatter [tilespmem:s14], [sflag:$0x1], $0x80, $0x38;
	[tilespmem:$0x8200] =	vst v63  }
0x226: {  	s31 =	sadd.s32 $0x810, s15;
	s14 =	sor.u32 s16, s17  }
0x227: {  	[hbm4b:s31+s3] =	stream.linear.scatter [tilespmem:s14], [sflag:$0x1], $0x80, $0x38;
	[tilespmem:$0x8200] =	vst v63  }
0x228: {  	s1 =	sadd.s32 $0x890, s15;
	s0 =	sor.u32 $0x400, s14  }
0x229: {  	[hbm4b:s1+s3] =	stream.linear.scatter [tilespmem:s0], [sflag:$0x1], $0x80, $0x38;
	[tilespmem:$0x8200] =	vst v63  }
0x22a: {  	s8 =	sadd.s32 $0x910, s15;
	s2 =	sor.u32 $0x800, s14  }
0x22b: {  	[hbm4b:s8+s3] =	stream.linear.scatter [tilespmem:s2], [sflag:$0x1], $0x80, $0x38;
	[tilespmem:$0x8200] =	vst v63  }
0x22c: {  	s19 =	sadd.s32 $0x990, s15;
	s18 =	sor.u32 $0xC00, s14  }
0x22d: {  	(v2sf) =	vpush v0, $0xA;
	[hbm4b:s19+s3] =	stream.linear.scatter [tilespmem:s18], [sflag:$0x1], $0x80, $0x38;
	[tilespmem:$0x8200] =	vst v63  }
0x22e: {  	s21 =	sadd.s32 $0xA10, s15;
	s20 =	sor.u32 $0x1000, s14  }
0x22f: {  	[hbm4b:s21+s3] =	stream.linear.scatter [tilespmem:s20], [sflag:$0x1], $0x80, $0x38;
	[tilespmem:$0x8200] =	vst v63  }
0x230: {  	s23 =	sadd.s32 $0xA90, s15;
	s22 =	sor.u32 $0x1400, s14  }
0x231: {  	[hbm4b:s23+s3] =	stream.linear.scatter [tilespmem:s22], [sflag:$0x1], $0x80, $0x38;
	[tilespmem:$0x8200] =	vst v63  }
0x232: {  	s25 =	sadd.s32 $0xB10, s15;
	s24 =	sor.u32 $0x1800, s14  }
0x233: {  	[hbm4b:s25+s3] =	stream.linear.scatter [tilespmem:s24], [sflag:$0x1], $0x80, $0x38;
	[tilespmem:$0x8200] =	vst v63  }
0x234: {  	s28 =	sadd.s32 $0xB90, s15;
	s26 =	sor.u32 $0x1C00, s14  }
0x235: {  	[hbm4b:s28+s3] =	stream.linear.scatter [tilespmem:s26], [sflag:$0x1], $0x80, $0x38;
	[tilespmem:$0x8200] =	vst v63  }
0x236: {  	s30 =	sadd.s32 $0xC10, s15;
	s29 =	sor.u32 $0x2000, s14  }
0x237: {  	[hbm4b:s30+s3] =	stream.linear.scatter [tilespmem:s29], [sflag:$0x1], $0x80, $0x38;
	[tilespmem:$0x8200] =	vst v63  }
0x238: {  	s31 =	sor.u32 $0x2400, s14;
	s0 =	sadd.s32 $0xC90, s15  }
0x239: {  	[hbm4b:s0+s3] =	stream.linear.scatter [tilespmem:s31], [sflag:$0x1], $0x80, $0x38;
	[tilespmem:$0x8200] =	vst v63  }
0x23a: {  	s1 =	sor.u32 $0x2800, s14;
	s2 =	sadd.s32 $0xD10, s15  }
0x23b: {  	[hbm4b:s2+s3] =	stream.linear.scatter [tilespmem:s1], [sflag:$0x1], $0x80, $0x38;
	[tilespmem:$0x8200] =	vst v63  }
0x23c: {  	s8 =	spop (v2sf);
	s20 =	sor.u32 $0x2C00, s14;
	s21 =	sadd.s32 $0xD90, s15  }
0x23d: {  	[hbm4b:s21+s3] =	stream.linear.scatter [tilespmem:s20], [sflag:$0x1], $0x80, $0x38;
	[tilespmem:$0x8200] =	vst v63  }
0x23e: {  	s16 =	sshll.u32 s8, $0x7;
	s23 =	sor.u32 $0x3000, s14;
	s24 =	sadd.s32 $0xE10, s15  }
0x23f: {  	[hbm4b:s24+s3] =	stream.linear.scatter [tilespmem:s23], [sflag:$0x1], $0x80, $0x38;
	[tilespmem:$0x8200] =	vst v63  }
0x240: {  	s16 =	sand.u32 $0x380, s16;
	s25 =	sor.u32 $0x3400, s14;
	s26 =	sadd.s32 $0xE90, s15  }
0x241: {  	[hbm4b:s26+s3] =	stream.linear.scatter [tilespmem:s25], [sflag:$0x1], $0x80, $0x38;
	[tilespmem:$0x8200] =	vst v63  }
0x242: {  	s22 =	sshll.u32 s8, $0xB;
	s28 =	sor.u32 $0x3800, s14;
	s29 =	sadd.s32 $0xF10, s15  }
0x243: {  	[hbm4b:s29+s3] =	stream.linear.scatter [tilespmem:s28], [sflag:$0x1], $0x80, $0x38;
	[tilespmem:$0x8200] =	vst v63  }
0x244: {  	s17 =	sand.u32 $0xFFFFC000, s22;
	s14 =	sor.u32 $0x3C00, s14;
	s30 =	sadd.s32 $0xF90, s15  }
0x245: {  	[hbm4b:s30+s3] =	stream.linear.scatter [tilespmem:s14], [sflag:$0x1], $0x80, $0x38;
	[tilespmem:$0x8200] =	vst v63  }
0x246: {  	s31 =	sadd.s32 $0x820, s15;
	s14 =	sor.u32 s16, s17  }
0x247: {  	[hbm4b:s31+s3] =	stream.linear.scatter [tilespmem:s14], [sflag:$0x1], $0x80, $0x38;
	[tilespmem:$0x8200] =	vst v63  }
0x248: {  	s1 =	sadd.s32 $0x8A0, s15;
	s0 =	sor.u32 $0x400, s14  }
0x249: {  	[hbm4b:s1+s3] =	stream.linear.scatter [tilespmem:s0], [sflag:$0x1], $0x80, $0x38;
	[tilespmem:$0x8200] =	vst v63  }
0x24a: {  	s8 =	sadd.s32 $0x920, s15;
	s2 =	sor.u32 $0x800, s14  }
0x24b: {  	[hbm4b:s8+s3] =	stream.linear.scatter [tilespmem:s2], [sflag:$0x1], $0x80, $0x38;
	[tilespmem:$0x8200] =	vst v63  }
0x24c: {  	s19 =	sadd.s32 $0x9A0, s15;
	s18 =	sor.u32 $0xC00, s14  }
0x24d: {  	(v2sf) =	vpush v0, $0xB;
	[hbm4b:s19+s3] =	stream.linear.scatter [tilespmem:s18], [sflag:$0x1], $0x80, $0x38;
	[tilespmem:$0x8200] =	vst v63  }
0x24e: {  	s21 =	sadd.s32 $0xA20, s15;
	s20 =	sor.u32 $0x1000, s14  }
0x24f: {  	[hbm4b:s21+s3] =	stream.linear.scatter [tilespmem:s20], [sflag:$0x1], $0x80, $0x38;
	[tilespmem:$0x8200] =	vst v63  }
0x250: {  	s23 =	sadd.s32 $0xAA0, s15;
	s22 =	sor.u32 $0x1400, s14  }
0x251: {  	[hbm4b:s23+s3] =	stream.linear.scatter [tilespmem:s22], [sflag:$0x1], $0x80, $0x38;
	[tilespmem:$0x8200] =	vst v63  }
0x252: {  	s25 =	sadd.s32 $0xB20, s15;
	s24 =	sor.u32 $0x1800, s14  }
0x253: {  	[hbm4b:s25+s3] =	stream.linear.scatter [tilespmem:s24], [sflag:$0x1], $0x80, $0x38;
	[tilespmem:$0x8200] =	vst v63  }
0x254: {  	s28 =	sadd.s32 $0xBA0, s15;
	s26 =	sor.u32 $0x1C00, s14  }
0x255: {  	[hbm4b:s28+s3] =	stream.linear.scatter [tilespmem:s26], [sflag:$0x1], $0x80, $0x38;
	[tilespmem:$0x8200] =	vst v63  }
0x256: {  	s30 =	sadd.s32 $0xC20, s15;
	s29 =	sor.u32 $0x2000, s14  }
0x257: {  	[hbm4b:s30+s3] =	stream.linear.scatter [tilespmem:s29], [sflag:$0x1], $0x80, $0x38;
	[tilespmem:$0x8200] =	vst v63  }
0x258: {  	s31 =	sor.u32 $0x2400, s14;
	s0 =	sadd.s32 $0xCA0, s15  }
0x259: {  	[hbm4b:s0+s3] =	stream.linear.scatter [tilespmem:s31], [sflag:$0x1], $0x80, $0x38;
	[tilespmem:$0x8200] =	vst v63  }
0x25a: {  	s1 =	sor.u32 $0x2800, s14;
	s2 =	sadd.s32 $0xD20, s15  }
0x25b: {  	[hbm4b:s2+s3] =	stream.linear.scatter [tilespmem:s1], [sflag:$0x1], $0x80, $0x38;
	[tilespmem:$0x8200] =	vst v63  }
0x25c: {  	s8 =	spop (v2sf);
	s18 =	sor.u32 $0x2C00, s14;
	s19 =	sadd.s32 $0xDA0, s15  }
0x25d: {  	[hbm4b:s19+s3] =	stream.linear.scatter [tilespmem:s18], [sflag:$0x1], $0x80, $0x38;
	[tilespmem:$0x8200] =	vst v63  }
0x25e: {  	s16 =	sshll.u32 s8, $0x7;
	s21 =	sor.u32 $0x3000, s14;
	s22 =	sadd.s32 $0xE20, s15  }
0x25f: {  	[hbm4b:s22+s3] =	stream.linear.scatter [tilespmem:s21], [sflag:$0x1], $0x80, $0x38;
	[tilespmem:$0x8200] =	vst v63  }
0x260: {  	s16 =	sand.u32 $0x380, s16;
	s23 =	sor.u32 $0x3400, s14;
	s24 =	sadd.s32 $0xEA0, s15  }
0x261: {  	[hbm4b:s24+s3] =	stream.linear.scatter [tilespmem:s23], [sflag:$0x1], $0x80, $0x38;
	[tilespmem:$0x8200] =	vst v63  }
0x262: {  	s20 =	sshll.u32 s8, $0xB;
	s25 =	sor.u32 $0x3800, s14;
	s26 =	sadd.s32 $0xF20, s15  }
0x263: {  	[hbm4b:s26+s3] =	stream.linear.scatter [tilespmem:s25], [sflag:$0x1], $0x80, $0x38;
	[tilespmem:$0x8200] =	vst v63  }
0x264: {  	s17 =	sand.u32 $0xFFFFC000, s20;
	s14 =	sor.u32 $0x3C00, s14;
	s28 =	sadd.s32 $0xFA0, s15  }
0x265: {  	[hbm4b:s28+s3] =	stream.linear.scatter [tilespmem:s14], [sflag:$0x1], $0x80, $0x38;
	[tilespmem:$0x8200] =	vst v63  }
0x266: {  	s29 =	sadd.s32 $0x830, s15;
	s14 =	sor.u32 s16, s17  }
0x267: {  	[hbm4b:s29+s3] =	stream.linear.scatter [tilespmem:s14], [sflag:$0x1], $0x80, $0x38;
	[tilespmem:$0x8200] =	vst v63  }
0x268: {  	s31 =	sadd.s32 $0x8B0, s15;
	s30 =	sor.u32 $0x400, s14  }
0x269: {  	[hbm4b:s31+s3] =	stream.linear.scatter [tilespmem:s30], [sflag:$0x1], $0x80, $0x38;
	[tilespmem:$0x8200] =	vst v63  }
0x26a: {  	s1 =	sadd.s32 $0x930, s15;
	s0 =	sor.u32 $0x800, s14  }
0x26b: {  	[hbm4b:s1+s3] =	stream.linear.scatter [tilespmem:s0], [sflag:$0x1], $0x80, $0x38;
	[tilespmem:$0x8200] =	vst v63  }
0x26c: {  	s8 =	sadd.s32 $0x9B0, s15;
	s2 =	sor.u32 $0xC00, s14  }
0x26d: {  	(v2sf) =	vpush v0, $0xC;
	[hbm4b:s8+s3] =	stream.linear.scatter [tilespmem:s2], [sflag:$0x1], $0x80, $0x38;
	[tilespmem:$0x8200] =	vst v63  }
0x26e: {  	s18 =	sadd.s32 $0xA30, s15;
	s17 =	sor.u32 $0x1000, s14  }
0x26f: {  	[hbm4b:s18+s3] =	stream.linear.scatter [tilespmem:s17], [sflag:$0x1], $0x80, $0x38;
	[tilespmem:$0x8200] =	vst v63  }
0x270: {  	s20 =	sadd.s32 $0xAB0, s15;
	s19 =	sor.u32 $0x1400, s14  }
0x271: {  	[hbm4b:s20+s3] =	stream.linear.scatter [tilespmem:s19], [sflag:$0x1], $0x80, $0x38;
	[tilespmem:$0x8200] =	vst v63  }
0x272: {  	s22 =	sadd.s32 $0xB30, s15;
	s21 =	sor.u32 $0x1800, s14  }
0x273: {  	[hbm4b:s22+s3] =	stream.linear.scatter [tilespmem:s21], [sflag:$0x1], $0x80, $0x38;
	[tilespmem:$0x8200] =	vst v63  }
0x274: {  	s24 =	sadd.s32 $0xBB0, s15;
	s23 =	sor.u32 $0x1C00, s14  }
0x275: {  	[hbm4b:s24+s3] =	stream.linear.scatter [tilespmem:s23], [sflag:$0x1], $0x80, $0x38;
	[tilespmem:$0x8200] =	vst v63  }
0x276: {  	s26 =	sadd.s32 $0xC30, s15;
	s25 =	sor.u32 $0x2000, s14  }
0x277: {  	[hbm4b:s26+s3] =	stream.linear.scatter [tilespmem:s25], [sflag:$0x1], $0x80, $0x38;
	[tilespmem:$0x8200] =	vst v63  }
0x278: {  	s28 =	sor.u32 $0x2400, s14;
	s29 =	sadd.s32 $0xCB0, s15  }
0x279: {  	[hbm4b:s29+s3] =	stream.linear.scatter [tilespmem:s28], [sflag:$0x1], $0x80, $0x38;
	[tilespmem:$0x8200] =	vst v63  }
0x27a: {  	s30 =	sor.u32 $0x2800, s14;
	s31 =	sadd.s32 $0xD30, s15  }
0x27b: {  	[hbm4b:s31+s3] =	stream.linear.scatter [tilespmem:s30], [sflag:$0x1], $0x80, $0x38;
	[tilespmem:$0x8200] =	vst v63  }
0x27c: {  	s0 =	spop (v2sf);
	s1 =	sor.u32 $0x2C00, s14;
	s2 =	sadd.s32 $0xDB0, s15  }
0x27d: {  	[hbm4b:s2+s3] =	stream.linear.scatter [tilespmem:s1], [sflag:$0x1], $0x80, $0x38;
	[tilespmem:$0x8200] =	vst v63  }
0x27e: {  	s16 =	sshll.u32 s0, $0x7;
	s19 =	sor.u32 $0x3000, s14;
	s20 =	sadd.s32 $0xE30, s15  }
0x27f: {  	[hbm4b:s20+s3] =	stream.linear.scatter [tilespmem:s19], [sflag:$0x1], $0x80, $0x38;
	[tilespmem:$0x8200] =	vst v63  }
0x280: {  	s8 =	sshll.u32 s0, $0xB;
	s21 =	sor.u32 $0x3400, s14;
	s22 =	sadd.s32 $0xEB0, s15  }
0x281: {  	[hbm4b:s22+s3] =	stream.linear.scatter [tilespmem:s21], [sflag:$0x1], $0x80, $0x38;
	[tilespmem:$0x8200] =	vst v63  }
0x282: {  	s16 =	sand.u32 $0x380, s16;
	s23 =	sor.u32 $0x3800, s14;
	s24 =	sadd.s32 $0xF30, s15  }
0x283: {  	[hbm4b:s24+s3] =	stream.linear.scatter [tilespmem:s23], [sflag:$0x1], $0x80, $0x38;
	[tilespmem:$0x8200] =	vst v63  }
0x284: {  	s17 =	sand.u32 $0xFFFFC000, s8;
	s14 =	sor.u32 $0x3C00, s14;
	s25 =	sadd.s32 $0xFB0, s15  }
0x285: {  	[hbm4b:s25+s3] =	stream.linear.scatter [tilespmem:s14], [sflag:$0x1], $0x80, $0x38;
	[tilespmem:$0x8200] =	vst v63  }
0x286: {  	s26 =	sadd.s32 $0x840, s15;
	s14 =	sor.u32 s16, s17  }
0x287: {  	[hbm4b:s26+s3] =	stream.linear.scatter [tilespmem:s14], [sflag:$0x1], $0x80, $0x38;
	[tilespmem:$0x8200] =	vst v63  }
0x288: {  	s29 =	sadd.s32 $0x8C0, s15;
	s28 =	sor.u32 $0x400, s14  }
0x289: {  	[hbm4b:s29+s3] =	stream.linear.scatter [tilespmem:s28], [sflag:$0x1], $0x80, $0x38;
	[tilespmem:$0x8200] =	vst v63  }
0x28a: {  	s31 =	sadd.s32 $0x940, s15;
	s30 =	sor.u32 $0x800, s14  }
0x28b: {  	[hbm4b:s31+s3] =	stream.linear.scatter [tilespmem:s30], [sflag:$0x1], $0x80, $0x38;
	[tilespmem:$0x8200] =	vst v63  }
0x28c: {  	s1 =	sadd.s32 $0x9C0, s15;
	s0 =	sor.u32 $0xC00, s14  }
0x28d: {  	(v2sf) =	vpush v0, $0xD;
	[hbm4b:s1+s3] =	stream.linear.scatter [tilespmem:s0], [sflag:$0x1], $0x80, $0x38;
	[tilespmem:$0x8200] =	vst v63  }
0x28e: {  	s8 =	sadd.s32 $0xA40, s15;
	s2 =	sor.u32 $0x1000, s14  }
0x28f: {  	[hbm4b:s8+s3] =	stream.linear.scatter [tilespmem:s2], [sflag:$0x1], $0x80, $0x38;
	[tilespmem:$0x8200] =	vst v63  }
0x290: {  	s18 =	sadd.s32 $0xAC0, s15;
	s17 =	sor.u32 $0x1400, s14  }
0x291: {  	[hbm4b:s18+s3] =	stream.linear.scatter [tilespmem:s17], [sflag:$0x1], $0x80, $0x38;
	[tilespmem:$0x8200] =	vst v63  }
0x292: {  	s20 =	sadd.s32 $0xB40, s15;
	s19 =	sor.u32 $0x1800, s14  }
0x293: {  	[hbm4b:s20+s3] =	stream.linear.scatter [tilespmem:s19], [sflag:$0x1], $0x80, $0x38;
	[tilespmem:$0x8200] =	vst v63  }
0x294: {  	s22 =	sadd.s32 $0xBC0, s15;
	s21 =	sor.u32 $0x1C00, s14  }
0x295: {  	[hbm4b:s22+s3] =	stream.linear.scatter [tilespmem:s21], [sflag:$0x1], $0x80, $0x38;
	[tilespmem:$0x8200] =	vst v63  }
0x296: {  	s24 =	sadd.s32 $0xC40, s15;
	s23 =	sor.u32 $0x2000, s14  }
0x297: {  	[hbm4b:s24+s3] =	stream.linear.scatter [tilespmem:s23], [sflag:$0x1], $0x80, $0x38;
	[tilespmem:$0x8200] =	vst v63  }
0x298: {  	s25 =	sor.u32 $0x2400, s14;
	s26 =	sadd.s32 $0xCC0, s15  }
0x299: {  	[hbm4b:s26+s3] =	stream.linear.scatter [tilespmem:s25], [sflag:$0x1], $0x80, $0x38;
	[tilespmem:$0x8200] =	vst v63  }
0x29a: {  	s28 =	sor.u32 $0x2800, s14;
	s29 =	sadd.s32 $0xD40, s15  }
0x29b: {  	[hbm4b:s29+s3] =	stream.linear.scatter [tilespmem:s28], [sflag:$0x1], $0x80, $0x38;
	[tilespmem:$0x8200] =	vst v63  }
0x29c: {  	s30 =	spop (v2sf);
	s31 =	sor.u32 $0x2C00, s14;
	s0 =	sadd.s32 $0xDC0, s15  }
0x29d: {  	[hbm4b:s0+s3] =	stream.linear.scatter [tilespmem:s31], [sflag:$0x1], $0x80, $0x38;
	[tilespmem:$0x8200] =	vst v63  }
0x29e: {  	s16 =	sshll.u32 s30, $0x7;
	s2 =	sor.u32 $0x3000, s14;
	s8 =	sadd.s32 $0xE40, s15  }
0x29f: {  	[hbm4b:s8+s3] =	stream.linear.scatter [tilespmem:s2], [sflag:$0x1], $0x80, $0x38;
	[tilespmem:$0x8200] =	vst v63  }
0x2a0: {  	s1 =	sshll.u32 s30, $0xB;
	s19 =	sor.u32 $0x3400, s14;
	s20 =	sadd.s32 $0xEC0, s15  }
0x2a1: {  	[hbm4b:s20+s3] =	stream.linear.scatter [tilespmem:s19], [sflag:$0x1], $0x80, $0x38;
	[tilespmem:$0x8200] =	vst v63  }
0x2a2: {  	s16 =	sand.u32 $0x380, s16;
	s21 =	sor.u32 $0x3800, s14;
	s22 =	sadd.s32 $0xF40, s15  }
0x2a3: {  	[hbm4b:s22+s3] =	stream.linear.scatter [tilespmem:s21], [sflag:$0x1], $0x80, $0x38;
	[tilespmem:$0x8200] =	vst v63  }
0x2a4: {  	s17 =	sand.u32 $0xFFFFC000, s1;
	s14 =	sor.u32 $0x3C00, s14;
	s23 =	sadd.s32 $0xFC0, s15  }
0x2a5: {  	[hbm4b:s23+s3] =	stream.linear.scatter [tilespmem:s14], [sflag:$0x1], $0x80, $0x38;
	[tilespmem:$0x8200] =	vst v63  }
0x2a6: {  	s24 =	sadd.s32 $0x850, s15;
	s14 =	sor.u32 s16, s17  }
0x2a7: {  	[hbm4b:s24+s3] =	stream.linear.scatter [tilespmem:s14], [sflag:$0x1], $0x80, $0x38;
	[tilespmem:$0x8200] =	vst v63  }
0x2a8: {  	s26 =	sadd.s32 $0x8D0, s15;
	s25 =	sor.u32 $0x400, s14  }
0x2a9: {  	[hbm4b:s26+s3] =	stream.linear.scatter [tilespmem:s25], [sflag:$0x1], $0x80, $0x38;
	[tilespmem:$0x8200] =	vst v63  }
0x2aa: {  	s29 =	sadd.s32 $0x950, s15;
	s28 =	sor.u32 $0x800, s14  }
0x2ab: {  	[hbm4b:s29+s3] =	stream.linear.scatter [tilespmem:s28], [sflag:$0x1], $0x80, $0x38;
	[tilespmem:$0x8200] =	vst v63  }
0x2ac: {  	s31 =	sadd.s32 $0x9D0, s15;
	s30 =	sor.u32 $0xC00, s14  }
0x2ad: {  	(v2sf) =	vpush v0, $0xE;
	[hbm4b:s31+s3] =	stream.linear.scatter [tilespmem:s30], [sflag:$0x1], $0x80, $0x38;
	[tilespmem:$0x8200] =	vst v63  }
0x2ae: {  	s1 =	sadd.s32 $0xA50, s15;
	s0 =	sor.u32 $0x1000, s14  }
0x2af: {  	[hbm4b:s1+s3] =	stream.linear.scatter [tilespmem:s0], [sflag:$0x1], $0x80, $0x38;
	[tilespmem:$0x8200] =	vst v63  }
0x2b0: {  	s8 =	sadd.s32 $0xAD0, s15;
	s2 =	sor.u32 $0x1400, s14  }
0x2b1: {  	[hbm4b:s8+s3] =	stream.linear.scatter [tilespmem:s2], [sflag:$0x1], $0x80, $0x38;
	[tilespmem:$0x8200] =	vst v63  }
0x2b2: {  	s18 =	sadd.s32 $0xB50, s15;
	s17 =	sor.u32 $0x1800, s14  }
0x2b3: {  	[hbm4b:s18+s3] =	stream.linear.scatter [tilespmem:s17], [sflag:$0x1], $0x80, $0x38;
	[tilespmem:$0x8200] =	vst v63  }
0x2b4: {  	s20 =	sadd.s32 $0xBD0, s15;
	s19 =	sor.u32 $0x1C00, s14  }
0x2b5: {  	[hbm4b:s20+s3] =	stream.linear.scatter [tilespmem:s19], [sflag:$0x1], $0x80, $0x38;
	[tilespmem:$0x8200] =	vst v63  }
0x2b6: {  	s22 =	sadd.s32 $0xC50, s15;
	s21 =	sor.u32 $0x2000, s14  }
0x2b7: {  	[hbm4b:s22+s3] =	stream.linear.scatter [tilespmem:s21], [sflag:$0x1], $0x80, $0x38;
	[tilespmem:$0x8200] =	vst v63  }
0x2b8: {  	s23 =	sor.u32 $0x2400, s14;
	s24 =	sadd.s32 $0xCD0, s15  }
0x2b9: {  	[hbm4b:s24+s3] =	stream.linear.scatter [tilespmem:s23], [sflag:$0x1], $0x80, $0x38;
	[tilespmem:$0x8200] =	vst v63  }
0x2ba: {  	s25 =	sor.u32 $0x2800, s14;
	s26 =	sadd.s32 $0xD50, s15  }
0x2bb: {  	[hbm4b:s26+s3] =	stream.linear.scatter [tilespmem:s25], [sflag:$0x1], $0x80, $0x38;
	[tilespmem:$0x8200] =	vst v63  }
0x2bc: {  	s28 =	spop (v2sf);
	s29 =	sor.u32 $0x2C00, s14;
	s30 =	sadd.s32 $0xDD0, s15  }
0x2bd: {  	[hbm4b:s30+s3] =	stream.linear.scatter [tilespmem:s29], [sflag:$0x1], $0x80, $0x38;
	[tilespmem:$0x8200] =	vst v63  }
0x2be: {  	s16 =	sshll.u32 s28, $0x7;
	s0 =	sor.u32 $0x3000, s14;
	s1 =	sadd.s32 $0xE50, s15  }
0x2bf: {  	[hbm4b:s1+s3] =	stream.linear.scatter [tilespmem:s0], [sflag:$0x1], $0x80, $0x38;
	[tilespmem:$0x8200] =	vst v63  }
0x2c0: {  	s31 =	sshll.u32 s28, $0xB;
	s2 =	sor.u32 $0x3400, s14;
	s8 =	sadd.s32 $0xED0, s15  }
0x2c1: {  	[hbm4b:s8+s3] =	stream.linear.scatter [tilespmem:s2], [sflag:$0x1], $0x80, $0x38;
	[tilespmem:$0x8200] =	vst v63  }
0x2c2: {  	s16 =	sand.u32 $0x380, s16;
	s19 =	sor.u32 $0x3800, s14;
	s20 =	sadd.s32 $0xF50, s15  }
0x2c3: {  	[hbm4b:s20+s3] =	stream.linear.scatter [tilespmem:s19], [sflag:$0x1], $0x80, $0x38;
	[tilespmem:$0x8200] =	vst v63  }
0x2c4: {  	s17 =	sand.u32 $0xFFFFC000, s31;
	s14 =	sor.u32 $0x3C00, s14;
	s21 =	sadd.s32 $0xFD0, s15  }
0x2c5: {  	[hbm4b:s21+s3] =	stream.linear.scatter [tilespmem:s14], [sflag:$0x1], $0x80, $0x38;
	[tilespmem:$0x8200] =	vst v63  }
0x2c6: {  	s22 =	sadd.s32 $0x860, s15;
	s14 =	sor.u32 s16, s17  }
0x2c7: {  	[hbm4b:s22+s3] =	stream.linear.scatter [tilespmem:s14], [sflag:$0x1], $0x80, $0x38;
	[tilespmem:$0x8200] =	vst v63  }
0x2c8: {  	s24 =	sadd.s32 $0x8E0, s15;
	s23 =	sor.u32 $0x400, s14  }
0x2c9: {  	[hbm4b:s24+s3] =	stream.linear.scatter [tilespmem:s23], [sflag:$0x1], $0x80, $0x38;
	[tilespmem:$0x8200] =	vst v63  }
0x2ca: {  	s26 =	sadd.s32 $0x960, s15;
	s25 =	sor.u32 $0x800, s14  }
0x2cb: {  	[hbm4b:s26+s3] =	stream.linear.scatter [tilespmem:s25], [sflag:$0x1], $0x80, $0x38;
	[tilespmem:$0x8200] =	vst v63  }
0x2cc: {  	s29 =	sadd.s32 $0x9E0, s15;
	s28 =	sor.u32 $0xC00, s14  }
0x2cd: {  	(v2sf) =	vpush v0, $0xF;
	[hbm4b:s29+s3] =	stream.linear.scatter [tilespmem:s28], [sflag:$0x1], $0x80, $0x38;
	[tilespmem:$0x8200] =	vst v63  }
0x2ce: {  	s31 =	sadd.s32 $0xA60, s15;
	s30 =	sor.u32 $0x1000, s14  }
0x2cf: {  	[hbm4b:s31+s3] =	stream.linear.scatter [tilespmem:s30], [sflag:$0x1], $0x80, $0x38;
	[tilespmem:$0x8200] =	vst v63  }
0x2d0: {  	s1 =	sadd.s32 $0xAE0, s15;
	s0 =	sor.u32 $0x1400, s14  }
0x2d1: {  	[hbm4b:s1+s3] =	stream.linear.scatter [tilespmem:s0], [sflag:$0x1], $0x80, $0x38;
	[tilespmem:$0x8200] =	vst v63  }
0x2d2: {  	s8 =	sadd.s32 $0xB60, s15;
	s2 =	sor.u32 $0x1800, s14  }
0x2d3: {  	[hbm4b:s8+s3] =	stream.linear.scatter [tilespmem:s2], [sflag:$0x1], $0x80, $0x38;
	[tilespmem:$0x8200] =	vst v63  }
0x2d4: {  	s18 =	sadd.s32 $0xBE0, s15;
	s17 =	sor.u32 $0x1C00, s14  }
0x2d5: {  	[hbm4b:s18+s3] =	stream.linear.scatter [tilespmem:s17], [sflag:$0x1], $0x80, $0x38;
	[tilespmem:$0x8200] =	vst v63  }
0x2d6: {  	s20 =	sadd.s32 $0xC60, s15;
	s19 =	sor.u32 $0x2000, s14  }
0x2d7: {  	[hbm4b:s20+s3] =	stream.linear.scatter [tilespmem:s19], [sflag:$0x1], $0x80, $0x38;
	[tilespmem:$0x8200] =	vst v63  }
0x2d8: {  	s21 =	sor.u32 $0x2400, s14;
	s22 =	sadd.s32 $0xCE0, s15  }
0x2d9: {  	[hbm4b:s22+s3] =	stream.linear.scatter [tilespmem:s21], [sflag:$0x1], $0x80, $0x38;
	[tilespmem:$0x8200] =	vst v63  }
0x2da: {  	s23 =	sor.u32 $0x2800, s14;
	s24 =	sadd.s32 $0xD60, s15  }
0x2db: {  	[hbm4b:s24+s3] =	stream.linear.scatter [tilespmem:s23], [sflag:$0x1], $0x80, $0x38;
	[tilespmem:$0x8200] =	vst v63  }
0x2dc: {  	s25 =	spop (v2sf);
	s26 =	sor.u32 $0x2C00, s14;
	s28 =	sadd.s32 $0xDE0, s15  }
0x2dd: {  	[hbm4b:s28+s3] =	stream.linear.scatter [tilespmem:s26], [sflag:$0x1], $0x80, $0x38;
	[tilespmem:$0x8200] =	vst v63  }
0x2de: {  	s16 =	sshll.u32 s25, $0x7;
	s30 =	sor.u32 $0x3000, s14;
	s31 =	sadd.s32 $0xE60, s15  }
0x2df: {  	[hbm4b:s31+s3] =	stream.linear.scatter [tilespmem:s30], [sflag:$0x1], $0x80, $0x38;
	[tilespmem:$0x8200] =	vst v63  }
0x2e0: {  	s29 =	sshll.u32 s25, $0xB;
	s0 =	sor.u32 $0x3400, s14;
	s1 =	sadd.s32 $0xEE0, s15  }
0x2e1: {  	[hbm4b:s1+s3] =	stream.linear.scatter [tilespmem:s0], [sflag:$0x1], $0x80, $0x38;
	[tilespmem:$0x8200] =	vst v63  }
0x2e2: {  	s16 =	sand.u32 $0x380, s16;
	s2 =	sor.u32 $0x3800, s14;
	s8 =	sadd.s32 $0xF60, s15  }
0x2e3: {  	[hbm4b:s8+s3] =	stream.linear.scatter [tilespmem:s2], [sflag:$0x1], $0x80, $0x38;
	[tilespmem:$0x8200] =	vst v63  }
0x2e4: {  	s14 =	sor.u32 $0x3C00, s14;
	s17 =	sand.u32 $0xFFFFC000, s29;
	s19 =	sadd.s32 $0xFE0, s15  }
0x2e5: {  	[hbm4b:s19+s3] =	stream.linear.scatter [tilespmem:s14], [sflag:$0x1], $0x80, $0x38;
	[tilespmem:$0x8200] =	vst v63  }
0x2e6: {  	s16 =	sor.u32 s16, s17;
	s20 =	sadd.s32 $0x870, s15  }
0x2e7: {  	[hbm4b:s20+s3] =	stream.linear.scatter [tilespmem:s16], [sflag:$0x1], $0x80, $0x38;
	[tilespmem:$0x8200] =	vst v63  }
0x2e8: {  	s21 =	sor.u32 $0x400, s16;
	s22 =	sadd.s32 $0x8F0, s15  }
0x2e9: {  	[hbm4b:s22+s3] =	stream.linear.scatter [tilespmem:s21], [sflag:$0x1], $0x80, $0x38;
	[tilespmem:$0x8200] =	vst v63  }
0x2ea: {  	s23 =	sor.u32 $0x800, s16;
	s24 =	sadd.s32 $0x970, s15  }
0x2eb: {  	[hbm4b:s24+s3] =	stream.linear.scatter [tilespmem:s23], [sflag:$0x1], $0x80, $0x38;
	[tilespmem:$0x8200] =	vst v63  }
0x2ec: {  	s25 =	sor.u32 $0xC00, s16;
	s26 =	sadd.s32 $0x9F0, s15  }
0x2ed: {  	[hbm4b:s26+s3] =	stream.linear.scatter [tilespmem:s25], [sflag:$0x1], $0x80, $0x38;
	[tilespmem:$0x8200] =	vst v63  }
0x2ee: {  	s29 =	sadd.s32 $0xA70, s15;
	s28 =	sor.u32 $0x1000, s16  }
0x2ef: {  	[hbm4b:s29+s3] =	stream.linear.scatter [tilespmem:s28], [sflag:$0x1], $0x80, $0x38;
	[tilespmem:$0x8200] =	vst v63  }
0x2f0: {  	s30 =	sor.u32 $0x1400, s16;
	s31 =	sadd.s32 $0xAF0, s15  }
0x2f1: {  	[hbm4b:s31+s3] =	stream.linear.scatter [tilespmem:s30], [sflag:$0x1], $0x80, $0x38;
	[tilespmem:$0x8200] =	vst v63  }
0x2f2: {  	s0 =	sor.u32 $0x1800, s16;
	s1 =	sadd.s32 $0xB70, s15  }
0x2f3: {  	[hbm4b:s1+s3] =	stream.linear.scatter [tilespmem:s0], [sflag:$0x1], $0x80, $0x38;
	[tilespmem:$0x8200] =	vst v63  }
0x2f4: {  	s2 =	sor.u32 $0x1C00, s16;
	s8 =	sadd.s32 $0xBF0, s15  }
0x2f5: {  	[hbm4b:s8+s3] =	stream.linear.scatter [tilespmem:s2], [sflag:$0x1], $0x80, $0x38;
	[tilespmem:$0x8200] =	vst v63  }
0x2f6: {  	s18 =	sadd.s32 $0xC70, s15;
	s17 =	sor.u32 $0x2000, s16  }
0x2f7: {  	[hbm4b:s18+s3] =	stream.linear.scatter [tilespmem:s17], [sflag:$0x1], $0x80, $0x38;
	[tilespmem:$0x8200] =	vst v63  }
0x2f8: {  	s19 =	sor.u32 $0x2400, s16;
	s20 =	sadd.s32 $0xCF0, s15  }
0x2f9: {  	[hbm4b:s20+s3] =	stream.linear.scatter [tilespmem:s19], [sflag:$0x1], $0x80, $0x38;
	[tilespmem:$0x8200] =	vst v63  }
0x2fa: {  	s21 =	sor.u32 $0x2800, s16;
	s22 =	sadd.s32 $0xD70, s15  }
0x2fb: {  	[hbm4b:s22+s3] =	stream.linear.scatter [tilespmem:s21], [sflag:$0x1], $0x80, $0x38;
	[tilespmem:$0x8200] =	vst v63  }
0x2fc: {  	s14 =	simm.s32 $0x1000;
	s23 =	sor.u32 $0x2C00, s16;
	s24 =	sadd.s32 $0xDF0, s15  }
0x2fd: {  	[hbm4b:s24+s3] =	stream.linear.scatter [tilespmem:s23], [sflag:$0x1], $0x80, $0x38;
	[tilespmem:$0x8200] =	vst v63  }
0x2fe: {  	s25 =	sor.u32 $0x3000, s16;
	s26 =	sadd.s32 $0xE70, s15;
	s28 =	sor.u32 $0x3400, s16  }
0x2ff: {  	[hbm4b:s26+s3] =	stream.linear.scatter [tilespmem:s25], [sflag:$0x1], $0x80, $0x38;
	[tilespmem:$0x8200] =	vst v63  }
0x300: {  	s29 =	sadd.s32 $0xEF0, s15;
	s30 =	sor.u32 $0x3800, s16;
	s31 =	sadd.s32 $0xF70, s15  }
0x301: {  	[hbm4b:s29+s3] =	stream.linear.scatter [tilespmem:s28], [sflag:$0x1], $0x80, $0x38;
	[tilespmem:$0x8200] =	vst v63  }
0x302: {  	s17 =	sor.u32 $0x3C00, s16;
	s16 =	sadd.s32 $0xFF0, s15;
	s15 =	simm.s32 $0x8010  }
0x303: {  	[hbm4b:s31+s3] =	stream.linear.scatter [tilespmem:s30], [sflag:$0x1], $0x80, $0x38;
	[tilespmem:$0x8200] =	vst v63  }
.LBB2_22:
0x304: {  	[hbm4b:s16+s3] =	stream.linear.scatter [tilespmem:s17], [sflag:$0x1], $0x80, $0x38;
	[tilespmem:$0x8200] =	vst v63  }
0x305: {  	v0 =	vld [tilespmem:s15+$0x0];
	_ =	sdelay $0x4  }
0x306: {  	(v2sf) =	vpush v0, $0x0;
	_ =	sdelay $0x6  }
0x307: {  	(v2sf) =	vpush v0, $0x1;
	_ =	sdelay $0x3  }
0x308: {  	(v2sf) =	vpush v0, $0x2;
	_ =	sdelay $0x3  }
0x309: {  	s29 =	smov.u32 s14;
	s30 =	spop (v2sf)  }
0x30a: {  	s18 =	rddreg [dreg:$0x4];
	s19 =	sshll.u32 s30, $0xB;
	s17 =	sshll.u32 s30, $0x7  }
0x30b: {  	s16 =	sadd.s32 s29, s18;
	s19 =	sand.u32 $0xFFFFC000, s19;
	s17 =	sand.u32 $0x380, s17  }
0x30c: {  	s0 =	sadd.s32 $0x80, s16;
	s2 =	sadd.s32 $0x100, s16;
	s17 =	sor.u32 s17, s19  }
0x30d: {  	[hbm4b:s16+s3] =	stream.linear.scatter [tilespmem:s17], [sflag:$0x1], $0x80, $0x38;
	[tilespmem:$0x8200] =	vst v63  }
0x30e: {  	s22 =	sadd.s32 $0x180, s16;
	s23 =	sadd.s32 $0x200, s16;
	s19 =	sor.u32 $0x400, s17  }
0x30f: {  	[hbm4b:s0+s3] =	stream.linear.scatter [tilespmem:s19], [sflag:$0x1], $0x80, $0x38;
	[tilespmem:$0x8200] =	vst v63  }
0x310: {  	s26 =	sadd.s32 $0x280, s16;
	s20 =	spop (v2sf);
	s1 =	sor.u32 $0x800, s17  }
0x311: {  	[hbm4b:s2+s3] =	stream.linear.scatter [tilespmem:s1], [sflag:$0x1], $0x80, $0x38;
	[tilespmem:$0x8200] =	vst v63  }
0x312: {  	s30 =	sadd.s32 $0x300, s16;
	s21 =	sshll.u32 s20, $0xB;
	s8 =	sor.u32 $0xC00, s17  }
0x313: {  	(v2sf) =	vpush v0, $0x3;
	[hbm4b:s22+s3] =	stream.linear.scatter [tilespmem:s8], [sflag:$0x1], $0x80, $0x38;
	[tilespmem:$0x8200] =	vst v63  }
0x314: {  	s31 =	sshll.u32 s20, $0x7;
	s24 =	spop (v2sf);
	s22 =	sor.u32 $0x1000, s17  }
0x315: {  	[hbm4b:s23+s3] =	stream.linear.scatter [tilespmem:s22], [sflag:$0x1], $0x80, $0x38;
	[tilespmem:$0x8200] =	vst v63  }
0x316: {  	s21 =	sand.u32 $0xFFFFC000, s21;
	s18 =	sand.u32 $0x380, s31;
	s25 =	sor.u32 $0x1400, s17  }
0x317: {  	[hbm4b:s26+s3] =	stream.linear.scatter [tilespmem:s25], [sflag:$0x1], $0x80, $0x38;
	[tilespmem:$0x8200] =	vst v63  }
0x318: {  	s28 =	sshll.u32 s24, $0xB;
	s20 =	sor.u32 s18, s21;
	s29 =	sor.u32 $0x1800, s17  }
0x319: {  	[hbm4b:s30+s3] =	stream.linear.scatter [tilespmem:s29], [sflag:$0x1], $0x80, $0x38;
	[tilespmem:$0x8200] =	vst v63  }
0x31a: {  	s21 =	sshll.u32 s24, $0x7;
	s31 =	sor.u32 $0x1C00, s17;
	s0 =	sadd.s32 $0x380, s16  }
0x31b: {  	[hbm4b:s0+s3] =	stream.linear.scatter [tilespmem:s31], [sflag:$0x1], $0x80, $0x38;
	[tilespmem:$0x8200] =	vst v63  }
0x31c: {  	s21 =	sand.u32 $0x380, s21;
	s1 =	sor.u32 $0x2000, s17;
	s2 =	sadd.s32 $0x400, s16  }
0x31d: {  	[hbm4b:s2+s3] =	stream.linear.scatter [tilespmem:s1], [sflag:$0x1], $0x80, $0x38;
	[tilespmem:$0x8200] =	vst v63  }
0x31e: {  	s8 =	sor.u32 $0x2400, s17;
	s22 =	sand.u32 $0xFFFFC000, s28;
	s23 =	sadd.s32 $0x480, s16  }
0x31f: {  	(v2sf) =	vpush v0, $0x4;
	[hbm4b:s23+s3] =	stream.linear.scatter [tilespmem:s8], [sflag:$0x1], $0x80, $0x38;
	[tilespmem:$0x8200] =	vst v63  }
0x320: {  	s19 =	sor.u32 s21, s22;
	s22 =	sor.u32 $0x2800, s17;
	s23 =	sadd.s32 $0x500, s16  }
0x321: {  	[hbm4b:s23+s3] =	stream.linear.scatter [tilespmem:s22], [sflag:$0x1], $0x80, $0x38;
	[tilespmem:$0x8200] =	vst v63  }
0x322: {  	s25 =	sor.u32 $0x2C00, s17;
	s26 =	sadd.s32 $0x580, s16;
	s24 =	spop (v2sf)  }
0x323: {  	[hbm4b:s26+s3] =	stream.linear.scatter [tilespmem:s25], [sflag:$0x1], $0x80, $0x38;
	[tilespmem:$0x8200] =	vst v63  }
0x324: {  	s29 =	sor.u32 $0x3000, s17;
	s30 =	sadd.s32 $0x600, s16;
	s28 =	sshll.u32 s24, $0xB  }
0x325: {  	[hbm4b:s30+s3] =	stream.linear.scatter [tilespmem:s29], [sflag:$0x1], $0x80, $0x38;
	[tilespmem:$0x8200] =	vst v63  }
0x326: {  	s31 =	sor.u32 $0x3400, s17;
	s0 =	sadd.s32 $0x680, s16;
	s1 =	sor.u32 $0x3800, s17  }
0x327: {  	[hbm4b:s0+s3] =	stream.linear.scatter [tilespmem:s31], [sflag:$0x1], $0x80, $0x38;
	[tilespmem:$0x8200] =	vst v63  }
0x328: {  	s2 =	sadd.s32 $0x700, s16;
	s17 =	sor.u32 $0x3C00, s17;
	s22 =	sshll.u32 s24, $0x7  }
0x329: {  	[hbm4b:s2+s3] =	stream.linear.scatter [tilespmem:s1], [sflag:$0x1], $0x80, $0x38;
	[tilespmem:$0x8200] =	vst v63  }
0x32a: {  	s8 =	sadd.s32 $0x780, s16;
	s23 =	sand.u32 $0xFFFFC000, s28;
	s22 =	sand.u32 $0x380, s22  }
0x32b: {  	(v2sf) =	vpush v0, $0x5;
	[hbm4b:s8+s3] =	stream.linear.scatter [tilespmem:s17], [sflag:$0x1], $0x80, $0x38;
	[tilespmem:$0x8200] =	vst v63  }
0x32c: {  	s18 =	sor.u32 s22, s23;
	s23 =	sadd.s32 $0x10, s16  }
0x32d: {  	[hbm4b:s23+s3] =	stream.linear.scatter [tilespmem:s20], [sflag:$0x1], $0x80, $0x38;
	[tilespmem:$0x8200] =	vst v63  }
0x32e: {  	s24 =	spop (v2sf);
	s25 =	sor.u32 $0x400, s20;
	s26 =	sadd.s32 $0x90, s16  }
0x32f: {  	[hbm4b:s26+s3] =	stream.linear.scatter [tilespmem:s25], [sflag:$0x1], $0x80, $0x38;
	[tilespmem:$0x8200] =	vst v63  }
0x330: {  	s28 =	sshll.u32 s24, $0xB;
	s29 =	sor.u32 $0x800, s20;
	s30 =	sadd.s32 $0x110, s16  }
0x331: {  	[hbm4b:s30+s3] =	stream.linear.scatter [tilespmem:s29], [sflag:$0x1], $0x80, $0x38;
	[tilespmem:$0x8200] =	vst v63  }
0x332: {  	s21 =	sshll.u32 s24, $0x7;
	s31 =	sor.u32 $0xC00, s20;
	s0 =	sadd.s32 $0x190, s16  }
0x333: {  	[hbm4b:s0+s3] =	stream.linear.scatter [tilespmem:s31], [sflag:$0x1], $0x80, $0x38;
	[tilespmem:$0x8200] =	vst v63  }
0x334: {  	s24 =	sadd.s32 $0x290, s16;
	s1 =	sor.u32 $0x1000, s20;
	s2 =	sadd.s32 $0x210, s16  }
0x335: {  	[hbm4b:s2+s3] =	stream.linear.scatter [tilespmem:s1], [sflag:$0x1], $0x80, $0x38;
	[tilespmem:$0x8200] =	vst v63  }
0x336: {  	s21 =	sand.u32 $0x380, s21;
	s22 =	sor.u32 $0x2800, s20;
	s8 =	sor.u32 $0x1400, s20  }
0x337: {  	[hbm4b:s24+s3] =	stream.linear.scatter [tilespmem:s8], [sflag:$0x1], $0x80, $0x38;
	[tilespmem:$0x8200] =	vst v63  }
0x338: {  	s23 =	sand.u32 $0xFFFFC000, s28;
	s25 =	sor.u32 $0x1800, s20;
	s26 =	sadd.s32 $0x310, s16  }
0x339: {  	(v2sf) =	vpush v0, $0x6;
	[hbm4b:s26+s3] =	stream.linear.scatter [tilespmem:s25], [sflag:$0x1], $0x80, $0x38;
	[tilespmem:$0x8200] =	vst v63  }
0x33a: {  	s28 =	spop (v2sf);
	s29 =	sor.u32 $0x1C00, s20;
	s30 =	sadd.s32 $0x390, s16  }
0x33b: {  	[hbm4b:s30+s3] =	stream.linear.scatter [tilespmem:s29], [sflag:$0x1], $0x80, $0x38;
	[tilespmem:$0x8200] =	vst v63  }
0x33c: {  	s17 =	sor.u32 s21, s23;
	s0 =	sor.u32 $0x2000, s20;
	s1 =	sadd.s32 $0x410, s16  }
0x33d: {  	[hbm4b:s1+s3] =	stream.linear.scatter [tilespmem:s0], [sflag:$0x1], $0x80, $0x38;
	[tilespmem:$0x8200] =	vst v63  }
0x33e: {  	s23 =	sshll.u32 s28, $0x7;
	s2 =	sor.u32 $0x2400, s20;
	s8 =	sadd.s32 $0x490, s16  }
0x33f: {  	(v2sf) =	vpush v0, $0x7;
	[hbm4b:s8+s3] =	stream.linear.scatter [tilespmem:s2], [sflag:$0x1], $0x80, $0x38;
	[tilespmem:$0x8200] =	vst v63  }
0x340: {  	s23 =	sand.u32 $0x380, s23;
	s31 =	sshll.u32 s28, $0xB;
	s25 =	sadd.s32 $0x510, s16  }
0x341: {  	[hbm4b:s25+s3] =	stream.linear.scatter [tilespmem:s22], [sflag:$0x1], $0x80, $0x38;
	[tilespmem:$0x8200] =	vst v63  }
0x342: {  	s28 =	sadd.s32 $0x590, s16;
	s24 =	sand.u32 $0xFFFFC000, s31;
	s26 =	sor.u32 $0x2C00, s20  }
0x343: {  	[hbm4b:s28+s3] =	stream.linear.scatter [tilespmem:s26], [sflag:$0x1], $0x80, $0x38;
	[tilespmem:$0x8200] =	vst v63  }
0x344: {  	s31 =	sor.u32 s23, s24;
	s29 =	sor.u32 $0x3000, s20;
	s30 =	sadd.s32 $0x610, s16  }
0x345: {  	[hbm4b:s30+s3] =	stream.linear.scatter [tilespmem:s29], [sflag:$0x1], $0x80, $0x38;
	[tilespmem:$0x8200] =	vst v63  }
0x346: {  	s24 =	sor.u32 $0x800, s19;
	s1 =	sor.u32 $0x3400, s20;
	s2 =	sadd.s32 $0x690, s16  }
0x347: {  	[hbm4b:s2+s3] =	stream.linear.scatter [tilespmem:s1], [sflag:$0x1], $0x80, $0x38;
	[tilespmem:$0x8200] =	vst v63  }
0x348: {  	s0 =	spop (v2sf);
	s25 =	sor.u32 $0x3800, s20;
	s26 =	sadd.s32 $0x710, s16  }
0x349: {  	[hbm4b:s26+s3] =	stream.linear.scatter [tilespmem:s25], [sflag:$0x1], $0x80, $0x38;
	[tilespmem:$0x8200] =	vst v63  }
0x34a: {  	s8 =	sshll.u32 s0, $0xB;
	s20 =	sor.u32 $0x3C00, s20;
	s28 =	sadd.s32 $0x790, s16  }
0x34b: {  	[hbm4b:s28+s3] =	stream.linear.scatter [tilespmem:s20], [sflag:$0x1], $0x80, $0x38;
	[tilespmem:$0x8200] =	vst v63  }
0x34c: {  	s23 =	sshll.u32 s0, $0x7;
	s29 =	sand.u32 $0xFFFFC000, s8;
	s30 =	sadd.s32 $0x20, s16  }
0x34d: {  	(v2sf) =	vpush v0, $0x8;
	[hbm4b:s30+s3] =	stream.linear.scatter [tilespmem:s19], [sflag:$0x1], $0x80, $0x38;
	[tilespmem:$0x8200] =	vst v63  }
0x34e: {  	s8 =	sadd.s32 $0xA0, s16;
	s1 =	spop (v2sf);
	s2 =	sor.u32 $0x400, s19  }
0x34f: {  	[hbm4b:s8+s3] =	stream.linear.scatter [tilespmem:s2], [sflag:$0x1], $0x80, $0x38;
	[tilespmem:$0x8200] =	vst v63  }
0x350: {  	s0 =	sand.u32 $0x380, s23;
	s23 =	sshll.u32 s1, $0x7;
	s25 =	sadd.s32 $0x120, s16  }
0x351: {  	[hbm4b:s25+s3] =	stream.linear.scatter [tilespmem:s24], [sflag:$0x1], $0x80, $0x38;
	[tilespmem:$0x8200] =	vst v63  }
0x352: {  	s28 =	sor.u32 $0xC00, s19;
	s30 =	sor.u32 s0, s29;
	s29 =	sadd.s32 $0x1A0, s16  }
0x353: {  	[hbm4b:s29+s3] =	stream.linear.scatter [tilespmem:s28], [sflag:$0x1], $0x80, $0x38;
	[tilespmem:$0x8200] =	vst v63  }
0x354: {  	s26 =	sshll.u32 s1, $0xB;
	s1 =	sadd.s32 $0x220, s16;
	s0 =	sor.u32 $0x1000, s19  }
0x355: {  	[hbm4b:s1+s3] =	stream.linear.scatter [tilespmem:s0], [sflag:$0x1], $0x80, $0x38;
	[tilespmem:$0x8200] =	vst v63  }
0x356: {  	s2 =	sor.u32 $0x1400, s19;
	s8 =	sadd.s32 $0x2A0, s16  }
0x357: {  	[hbm4b:s8+s3] =	stream.linear.scatter [tilespmem:s2], [sflag:$0x1], $0x80, $0x38;
	[tilespmem:$0x8200] =	vst v63  }
0x358: {  	s23 =	sand.u32 $0x380, s23;
	s24 =	sor.u32 $0x1800, s19;
	s25 =	sadd.s32 $0x320, s16  }
0x359: {  	[hbm4b:s25+s3] =	stream.linear.scatter [tilespmem:s24], [sflag:$0x1], $0x80, $0x38;
	[tilespmem:$0x8200] =	vst v63  }
0x35a: {  	s22 =	sand.u32 $0xFFFFC000, s26;
	s26 =	sor.u32 $0x1C00, s19;
	s28 =	sadd.s32 $0x3A0, s16  }
0x35b: {  	(v2sf) =	vpush v0, $0x9;
	[hbm4b:s28+s3] =	stream.linear.scatter [tilespmem:s26], [sflag:$0x1], $0x80, $0x38;
	[tilespmem:$0x8200] =	vst v63  }
0x35c: {  	s0 =	spop (v2sf);
	s1 =	sor.u32 $0x2000, s19;
	s2 =	sadd.s32 $0x420, s16  }
0x35d: {  	(v2sf) =	vpush v0, $0xA;
	[hbm4b:s2+s3] =	stream.linear.scatter [tilespmem:s1], [sflag:$0x1], $0x80, $0x38;
	[tilespmem:$0x8200] =	vst v63  }
0x35e: {  	s29 =	sor.u32 s23, s22;
	s24 =	sor.u32 $0x2400, s19;
	s25 =	sadd.s32 $0x4A0, s16  }
0x35f: {  	[hbm4b:s25+s3] =	stream.linear.scatter [tilespmem:s24], [sflag:$0x1], $0x80, $0x38;
	[tilespmem:$0x8200] =	vst v63  }
0x360: {  	s22 =	sshll.u32 s0, $0x7;
	s26 =	sor.u32 $0x2800, s19;
	s28 =	sadd.s32 $0x520, s16  }
0x361: {  	[hbm4b:s28+s3] =	stream.linear.scatter [tilespmem:s26], [sflag:$0x1], $0x80, $0x38;
	[tilespmem:$0x8200] =	vst v63  }
0x362: {  	s8 =	sshll.u32 s0, $0xB;
	s0 =	sor.u32 $0x2C00, s19;
	s1 =	sadd.s32 $0x5A0, s16  }
0x363: {  	[hbm4b:s1+s3] =	stream.linear.scatter [tilespmem:s0], [sflag:$0x1], $0x80, $0x38;
	[tilespmem:$0x8200] =	vst v63  }
0x364: {  	s23 =	sand.u32 $0xFFFFC000, s8;
	s8 =	sadd.s32 $0x620, s16;
	s2 =	sor.u32 $0x3000, s19  }
0x365: {  	[hbm4b:s8+s3] =	stream.linear.scatter [tilespmem:s2], [sflag:$0x1], $0x80, $0x38;
	[tilespmem:$0x8200] =	vst v63  }
0x366: {  	s24 =	sor.u32 $0x3400, s19;
	s26 =	sadd.s32 $0x6A0, s16  }
0x367: {  	(v2sf) =	vpush v0, $0xB;
	[hbm4b:s26+s3] =	stream.linear.scatter [tilespmem:s24], [sflag:$0x1], $0x80, $0x38;
	[tilespmem:$0x8200] =	vst v63  }
0x368: {  	s22 =	sand.u32 $0x380, s22;
	s0 =	sor.u32 $0x3800, s19;
	s1 =	sadd.s32 $0x720, s16  }
0x369: {  	[hbm4b:s1+s3] =	stream.linear.scatter [tilespmem:s0], [sflag:$0x1], $0x80, $0x38;
	[tilespmem:$0x8200] =	vst v63  }
0x36a: {  	s28 =	spop (v2sf);
	s19 =	sor.u32 $0x3C00, s19;
	s8 =	sadd.s32 $0x7A0, s16  }
0x36b: {  	[hbm4b:s8+s3] =	stream.linear.scatter [tilespmem:s19], [sflag:$0x1], $0x80, $0x38;
	[tilespmem:$0x8200] =	vst v63  }
0x36c: {  	s21 =	sadd.s32 $0x30, s16;
	s25 =	sor.u32 s22, s23;
	s23 =	spop (v2sf)  }
0x36d: {  	[hbm4b:s21+s3] =	stream.linear.scatter [tilespmem:s18], [sflag:$0x1], $0x80, $0x38;
	[tilespmem:$0x8200] =	vst v63  }
0x36e: {  	s2 =	sshll.u32 s28, $0xB;
	s24 =	sor.u32 $0x400, s18;
	s0 =	sadd.s32 $0xB0, s16  }
0x36f: {  	[hbm4b:s0+s3] =	stream.linear.scatter [tilespmem:s24], [sflag:$0x1], $0x80, $0x38;
	[tilespmem:$0x8200] =	vst v63  }
0x370: {  	s26 =	sand.u32 $0xFFFFC000, s2;
	s2 =	sor.u32 $0x800, s18;
	s8 =	sadd.s32 $0x130, s16  }
0x371: {  	[hbm4b:s8+s3] =	stream.linear.scatter [tilespmem:s2], [sflag:$0x1], $0x80, $0x38;
	[tilespmem:$0x8200] =	vst v63  }
0x372: {  	s20 =	sor.u32 $0xC00, s18;
	s1 =	sshll.u32 s23, $0xB;
	s21 =	sadd.s32 $0x1B0, s16  }
0x373: {  	(v2sf) =	vpush v0, $0xC;
	[hbm4b:s21+s3] =	stream.linear.scatter [tilespmem:s20], [sflag:$0x1], $0x80, $0x38;
	[tilespmem:$0x8200] =	vst v63  }
0x374: {  	s24 =	sand.u32 $0xFFFFC000, s1;
	s0 =	sor.u32 $0x1000, s18;
	s1 =	sadd.s32 $0x230, s16  }
0x375: {  	[hbm4b:s1+s3] =	stream.linear.scatter [tilespmem:s0], [sflag:$0x1], $0x80, $0x38;
	[tilespmem:$0x8200] =	vst v63  }
0x376: {  	s2 =	sor.u32 $0x1400, s18;
	s8 =	sadd.s32 $0x2B0, s16;
	s21 =	spop (v2sf)  }
0x377: {  	[hbm4b:s8+s3] =	stream.linear.scatter [tilespmem:s2], [sflag:$0x1], $0x80, $0x38;
	[tilespmem:$0x8200] =	vst v63  }
0x378: {  	s22 =	sshll.u32 s21, $0xB;
	s0 =	sor.u32 $0x1800, s18;
	s1 =	sadd.s32 $0x330, s16  }
0x379: {  	[hbm4b:s1+s3] =	stream.linear.scatter [tilespmem:s0], [sflag:$0x1], $0x80, $0x38;
	[tilespmem:$0x8200] =	vst v63  }
0x37a: {  	s21 =	sshll.u32 s21, $0x7;
	s2 =	sor.u32 $0x1C00, s18;
	s8 =	sadd.s32 $0x3B0, s16  }
0x37b: {  	[hbm4b:s8+s3] =	stream.linear.scatter [tilespmem:s2], [sflag:$0x1], $0x80, $0x38;
	[tilespmem:$0x8200] =	vst v63  }
0x37c: {  	s22 =	sand.u32 $0xFFFFC000, s22;
	s0 =	sor.u32 $0x2000, s18;
	s1 =	sadd.s32 $0x430, s16  }
0x37d: {  	[hbm4b:s1+s3] =	stream.linear.scatter [tilespmem:s0], [sflag:$0x1], $0x80, $0x38;
	[tilespmem:$0x8200] =	vst v63  }
0x37e: {  	s21 =	sand.u32 $0x380, s21;
	s2 =	sor.u32 $0x2400, s18;
	s8 =	sadd.s32 $0x4B0, s16  }
0x37f: {  	(v2sf) =	vpush v0, $0xD;
	[hbm4b:s8+s3] =	stream.linear.scatter [tilespmem:s2], [sflag:$0x1], $0x80, $0x38;
	[tilespmem:$0x8200] =	vst v63  }
0x380: {  	s20 =	sor.u32 $0x2800, s18;
	s22 =	sor.u32 s21, s22;
	s0 =	sadd.s32 $0x530, s16  }
0x381: {  	[hbm4b:s0+s3] =	stream.linear.scatter [tilespmem:s20], [sflag:$0x1], $0x80, $0x38;
	[tilespmem:$0x8200] =	vst v63  }
0x382: {  	s21 =	spop (v2sf);
	s1 =	sor.u32 $0x2C00, s18;
	s8 =	sadd.s32 $0x5B0, s16  }
0x383: {  	[hbm4b:s8+s3] =	stream.linear.scatter [tilespmem:s1], [sflag:$0x1], $0x80, $0x38;
	[tilespmem:$0x8200] =	vst v63  }
0x384: {  	s2 =	sshll.u32 s21, $0xB;
	s20 =	sor.u32 $0x3000, s18;
	s0 =	sadd.s32 $0x630, s16  }
0x385: {  	[hbm4b:s0+s3] =	stream.linear.scatter [tilespmem:s20], [sflag:$0x1], $0x80, $0x38;
	[tilespmem:$0x8200] =	vst v63  }
0x386: {  	s21 =	sshll.u32 s21, $0x7;
	s1 =	sor.u32 $0x3400, s18;
	s8 =	sadd.s32 $0x6B0, s16  }
0x387: {  	(v2sf) =	vpush v0, $0xE;
	[hbm4b:s8+s3] =	stream.linear.scatter [tilespmem:s1], [sflag:$0x1], $0x80, $0x38;
	[tilespmem:$0x8200] =	vst v63  }
0x388: {  	s2 =	sand.u32 $0xFFFFC000, s2;
	s0 =	sor.u32 $0x3800, s18;
	s1 =	sadd.s32 $0x730, s16  }
0x389: {  	[hbm4b:s1+s3] =	stream.linear.scatter [tilespmem:s0], [sflag:$0x1], $0x80, $0x38;
	[tilespmem:$0x8200] =	vst v63  }
0x38a: {  	s21 =	sand.u32 $0x380, s21;
	s18 =	sor.u32 $0x3C00, s18;
	s8 =	sadd.s32 $0x7B0, s16  }
0x38b: {  	[hbm4b:s8+s3] =	stream.linear.scatter [tilespmem:s18], [sflag:$0x1], $0x80, $0x38;
	[tilespmem:$0x8200] =	vst v63  }
0x38c: {  	s19 =	sor.u32 s21, s2;
	s21 =	sadd.s32 $0x40, s16  }
0x38d: {  	[hbm4b:s21+s3] =	stream.linear.scatter [tilespmem:s17], [sflag:$0x1], $0x80, $0x38;
	[tilespmem:$0x8200] =	vst v63  }
0x38e: {  	s0 =	sor.u32 $0x400, s17;
	s1 =	sadd.s32 $0xC0, s16;
	s18 =	spop (v2sf)  }
0x38f: {  	[hbm4b:s1+s3] =	stream.linear.scatter [tilespmem:s0], [sflag:$0x1], $0x80, $0x38;
	[tilespmem:$0x8200] =	vst v63  }
0x390: {  	s8 =	sshll.u32 s18, $0xB;
	s1 =	sor.u32 $0x800, s17;
	s0 =	sadd.s32 $0x140, s16  }
0x391: {  	[hbm4b:s0+s3] =	stream.linear.scatter [tilespmem:s1], [sflag:$0x1], $0x80, $0x38;
	[tilespmem:$0x8200] =	vst v63  }
0x392: {  	s20 =	sand.u32 $0xFFFFC000, s8;
	s8 =	sor.u32 $0xC00, s17;
	s1 =	sadd.s32 $0x1C0, s16  }
0x393: {  	[hbm4b:s1+s3] =	stream.linear.scatter [tilespmem:s8], [sflag:$0x1], $0x80, $0x38;
	[tilespmem:$0x8200] =	vst v63  }
0x394: {  	s2 =	sor.u32 $0x1400, s17;
	s8 =	sor.u32 $0x1000, s17;
	s1 =	sadd.s32 $0x240, s16  }
0x395: {  	[hbm4b:s1+s3] =	stream.linear.scatter [tilespmem:s8], [sflag:$0x1], $0x80, $0x38;
	[tilespmem:$0x8200] =	vst v63  }
0x396: {  	s21 =	sshll.u32 s18, $0x7;
	s18 =	spop (v2sf);
	s8 =	sadd.s32 $0x2C0, s16  }
0x397: {  	(v2sf) =	vpush v0, $0xF;
	[hbm4b:s8+s3] =	stream.linear.scatter [tilespmem:s2], [sflag:$0x1], $0x80, $0x38;
	[tilespmem:$0x8200] =	vst v63  }
0x398: {  	s1 =	sshll.u32 s18, $0xB;
	s2 =	sor.u32 $0x1800, s17;
	s8 =	sadd.s32 $0x340, s16  }
0x399: {  	[hbm4b:s8+s3] =	stream.linear.scatter [tilespmem:s2], [sflag:$0x1], $0x80, $0x38;
	[tilespmem:$0x8200] =	vst v63  }
0x39a: {  	s18 =	sshll.u32 s18, $0x7;
	s2 =	sor.u32 $0x1C00, s17;
	s8 =	sadd.s32 $0x3C0, s16  }
0x39b: {  	[hbm4b:s8+s3] =	stream.linear.scatter [tilespmem:s2], [sflag:$0x1], $0x80, $0x38;
	[tilespmem:$0x8200] =	vst v63  }
0x39c: {  	s1 =	sand.u32 $0xFFFFC000, s1;
	s2 =	sor.u32 $0x2000, s17;
	s8 =	sadd.s32 $0x440, s16  }
0x39d: {  	[hbm4b:s8+s3] =	stream.linear.scatter [tilespmem:s2], [sflag:$0x1], $0x80, $0x38;
	[tilespmem:$0x8200] =	vst v63  }
0x39e: {  	s18 =	sand.u32 $0x380, s18;
	s2 =	sor.u32 $0x2400, s17;
	s8 =	sadd.s32 $0x4C0, s16  }
0x39f: {  	[hbm4b:s8+s3] =	stream.linear.scatter [tilespmem:s2], [sflag:$0x1], $0x80, $0x38;
	[tilespmem:$0x8200] =	vst v63  }
0x3a0: {  	s18 =	sor.u32 s18, s1;
	s1 =	sor.u32 $0x2800, s17;
	s8 =	sadd.s32 $0x540, s16  }
0x3a1: {  	[hbm4b:s8+s3] =	stream.linear.scatter [tilespmem:s1], [sflag:$0x1], $0x80, $0x38;
	[tilespmem:$0x8200] =	vst v63  }
0x3a2: {  	s0 =	sor.u32 $0x2C00, s17;
	s1 =	sadd.s32 $0x5C0, s16  }
0x3a3: {  	[hbm4b:s1+s3] =	stream.linear.scatter [tilespmem:s0], [sflag:$0x1], $0x80, $0x38;
	[tilespmem:$0x8200] =	vst v63  }
0x3a4: {  	s0 =	sor.u32 $0x3000, s17;
	s1 =	sadd.s32 $0x640, s16  }
0x3a5: {  	[hbm4b:s1+s3] =	stream.linear.scatter [tilespmem:s0], [sflag:$0x1], $0x80, $0x38;
	[tilespmem:$0x8200] =	vst v63  }
0x3a6: {  	s2 =	spop (v2sf);
	s0 =	sor.u32 $0x3400, s17;
	s1 =	sadd.s32 $0x6C0, s16  }
0x3a7: {  	[hbm4b:s1+s3] =	stream.linear.scatter [tilespmem:s0], [sflag:$0x1], $0x80, $0x38;
	[tilespmem:$0x8200] =	vst v63  }
0x3a8: {  	s8 =	sshll.u32 s2, $0xB;
	s0 =	sor.u32 $0x3800, s17;
	s1 =	sadd.s32 $0x740, s16  }
0x3a9: {  	[hbm4b:s1+s3] =	stream.linear.scatter [tilespmem:s0], [sflag:$0x1], $0x80, $0x38;
	[tilespmem:$0x8200] =	vst v63  }
0x3aa: {  	s2 =	sshll.u32 s2, $0x7;
	s0 =	sor.u32 $0x3C00, s17;
	s1 =	sadd.s32 $0x7C0, s16  }
0x3ab: {  	[hbm4b:s1+s3] =	stream.linear.scatter [tilespmem:s0], [sflag:$0x1], $0x80, $0x38;
	[tilespmem:$0x8200] =	vst v63  }
0x3ac: {  	s8 =	sand.u32 $0xFFFFC000, s8;
	s2 =	sand.u32 $0x380, s2;
	s1 =	sadd.s32 $0x50, s16  }
0x3ad: {  	[hbm4b:s1+s3] =	stream.linear.scatter [tilespmem:s31], [sflag:$0x1], $0x80, $0x38;
	[tilespmem:$0x8200] =	vst v63  }
0x3ae: {  	s17 =	sor.u32 s2, s8;
	s2 =	sor.u32 $0x400, s31;
	s8 =	sadd.s32 $0xD0, s16  }
0x3af: {  	[hbm4b:s8+s3] =	stream.linear.scatter [tilespmem:s2], [sflag:$0x1], $0x80, $0x38;
	[tilespmem:$0x8200] =	vst v63  }
0x3b0: {  	s2 =	sor.u32 $0x800, s31;
	s8 =	sadd.s32 $0x150, s16  }
0x3b1: {  	[hbm4b:s8+s3] =	stream.linear.scatter [tilespmem:s2], [sflag:$0x1], $0x80, $0x38;
	[tilespmem:$0x8200] =	vst v63  }
0x3b2: {  	s2 =	sor.u32 $0xC00, s31;
	s8 =	sadd.s32 $0x1D0, s16  }
0x3b3: {  	[hbm4b:s8+s3] =	stream.linear.scatter [tilespmem:s2], [sflag:$0x1], $0x80, $0x38;
	[tilespmem:$0x8200] =	vst v63  }
0x3b4: {  	s2 =	sor.u32 $0x1000, s31;
	s8 =	sadd.s32 $0x250, s16  }
0x3b5: {  	[hbm4b:s8+s3] =	stream.linear.scatter [tilespmem:s2], [sflag:$0x1], $0x80, $0x38;
	[tilespmem:$0x8200] =	vst v63  }
0x3b6: {  	s2 =	sor.u32 $0x1400, s31;
	s8 =	sadd.s32 $0x2D0, s16  }
0x3b7: {  	[hbm4b:s8+s3] =	stream.linear.scatter [tilespmem:s2], [sflag:$0x1], $0x80, $0x38;
	[tilespmem:$0x8200] =	vst v63  }
0x3b8: {  	s2 =	sor.u32 $0x1800, s31;
	s8 =	sadd.s32 $0x350, s16  }
0x3b9: {  	[hbm4b:s8+s3] =	stream.linear.scatter [tilespmem:s2], [sflag:$0x1], $0x80, $0x38;
	[tilespmem:$0x8200] =	vst v63  }
0x3ba: {  	s2 =	sor.u32 $0x1C00, s31;
	s8 =	sadd.s32 $0x3D0, s16  }
0x3bb: {  	[hbm4b:s8+s3] =	stream.linear.scatter [tilespmem:s2], [sflag:$0x1], $0x80, $0x38;
	[tilespmem:$0x8200] =	vst v63  }
0x3bc: {  	s2 =	sor.u32 $0x2000, s31;
	s8 =	sadd.s32 $0x450, s16  }
0x3bd: {  	[hbm4b:s8+s3] =	stream.linear.scatter [tilespmem:s2], [sflag:$0x1], $0x80, $0x38;
	[tilespmem:$0x8200] =	vst v63  }
0x3be: {  	s2 =	sor.u32 $0x2400, s31;
	s8 =	sadd.s32 $0x4D0, s16  }
0x3bf: {  	[hbm4b:s8+s3] =	stream.linear.scatter [tilespmem:s2], [sflag:$0x1], $0x80, $0x38;
	[tilespmem:$0x8200] =	vst v63  }
0x3c0: {  	s2 =	sor.u32 $0x2800, s31;
	s8 =	sadd.s32 $0x550, s16  }
0x3c1: {  	[hbm4b:s8+s3] =	stream.linear.scatter [tilespmem:s2], [sflag:$0x1], $0x80, $0x38;
	[tilespmem:$0x8200] =	vst v63  }
0x3c2: {  	s2 =	sor.u32 $0x2C00, s31;
	s8 =	sadd.s32 $0x5D0, s16  }
0x3c3: {  	[hbm4b:s8+s3] =	stream.linear.scatter [tilespmem:s2], [sflag:$0x1], $0x80, $0x38;
	[tilespmem:$0x8200] =	vst v63  }
0x3c4: {  	s2 =	sor.u32 $0x3000, s31;
	s8 =	sadd.s32 $0x650, s16  }
0x3c5: {  	[hbm4b:s8+s3] =	stream.linear.scatter [tilespmem:s2], [sflag:$0x1], $0x80, $0x38;
	[tilespmem:$0x8200] =	vst v63  }
0x3c6: {  	s2 =	sor.u32 $0x3400, s31;
	s8 =	sadd.s32 $0x6D0, s16  }
0x3c7: {  	[hbm4b:s8+s3] =	stream.linear.scatter [tilespmem:s2], [sflag:$0x1], $0x80, $0x38;
	[tilespmem:$0x8200] =	vst v63  }
0x3c8: {  	s1 =	sor.u32 $0x3800, s31;
	s2 =	sadd.s32 $0x750, s16  }
0x3c9: {  	[hbm4b:s2+s3] =	stream.linear.scatter [tilespmem:s1], [sflag:$0x1], $0x80, $0x38;
	[tilespmem:$0x8200] =	vst v63  }
0x3ca: {  	s8 =	sor.u32 $0x3C00, s31;
	s31 =	sadd.s32 $0x7D0, s16  }
0x3cb: {  	[hbm4b:s31+s3] =	stream.linear.scatter [tilespmem:s8], [sflag:$0x1], $0x80, $0x38;
	[tilespmem:$0x8200] =	vst v63  }
0x3cc: {  	s2 =	sadd.s32 $0x60, s16  }
0x3cd: {  	[hbm4b:s2+s3] =	stream.linear.scatter [tilespmem:s30], [sflag:$0x1], $0x80, $0x38;
	[tilespmem:$0x8200] =	vst v63  }
0x3ce: {  	s8 =	sor.u32 $0x400, s30;
	s31 =	sadd.s32 $0xE0, s16  }
0x3cf: {  	[hbm4b:s31+s3] =	stream.linear.scatter [tilespmem:s8], [sflag:$0x1], $0x80, $0x38;
	[tilespmem:$0x8200] =	vst v63  }
0x3d0: {  	s1 =	sor.u32 $0x800, s30;
	s2 =	sadd.s32 $0x160, s16  }
0x3d1: {  	[hbm4b:s2+s3] =	stream.linear.scatter [tilespmem:s1], [sflag:$0x1], $0x80, $0x38;
	[tilespmem:$0x8200] =	vst v63  }
0x3d2: {  	s8 =	sor.u32 $0xC00, s30;
	s31 =	sadd.s32 $0x1E0, s16  }
0x3d3: {  	[hbm4b:s31+s3] =	stream.linear.scatter [tilespmem:s8], [sflag:$0x1], $0x80, $0x38;
	[tilespmem:$0x8200] =	vst v63  }
0x3d4: {  	s1 =	sor.u32 $0x1000, s30;
	s2 =	sadd.s32 $0x260, s16  }
0x3d5: {  	[hbm4b:s2+s3] =	stream.linear.scatter [tilespmem:s1], [sflag:$0x1], $0x80, $0x38;
	[tilespmem:$0x8200] =	vst v63  }
0x3d6: {  	s8 =	sor.u32 $0x1400, s30;
	s31 =	sadd.s32 $0x2E0, s16  }
0x3d7: {  	[hbm4b:s31+s3] =	stream.linear.scatter [tilespmem:s8], [sflag:$0x1], $0x80, $0x38;
	[tilespmem:$0x8200] =	vst v63  }
0x3d8: {  	s1 =	sor.u32 $0x1800, s30;
	s2 =	sadd.s32 $0x360, s16  }
0x3d9: {  	[hbm4b:s2+s3] =	stream.linear.scatter [tilespmem:s1], [sflag:$0x1], $0x80, $0x38;
	[tilespmem:$0x8200] =	vst v63  }
0x3da: {  	s8 =	sor.u32 $0x1C00, s30;
	s31 =	sadd.s32 $0x3E0, s16  }
0x3db: {  	[hbm4b:s31+s3] =	stream.linear.scatter [tilespmem:s8], [sflag:$0x1], $0x80, $0x38;
	[tilespmem:$0x8200] =	vst v63  }
0x3dc: {  	s1 =	sor.u32 $0x2000, s30;
	s2 =	sadd.s32 $0x460, s16  }
0x3dd: {  	[hbm4b:s2+s3] =	stream.linear.scatter [tilespmem:s1], [sflag:$0x1], $0x80, $0x38;
	[tilespmem:$0x8200] =	vst v63  }
0x3de: {  	s8 =	sor.u32 $0x2400, s30;
	s31 =	sadd.s32 $0x4E0, s16  }
0x3df: {  	[hbm4b:s31+s3] =	stream.linear.scatter [tilespmem:s8], [sflag:$0x1], $0x80, $0x38;
	[tilespmem:$0x8200] =	vst v63  }
0x3e0: {  	s1 =	sor.u32 $0x2800, s30;
	s2 =	sadd.s32 $0x560, s16  }
0x3e1: {  	[hbm4b:s2+s3] =	stream.linear.scatter [tilespmem:s1], [sflag:$0x1], $0x80, $0x38;
	[tilespmem:$0x8200] =	vst v63  }
0x3e2: {  	s8 =	sor.u32 $0x2C00, s30;
	s31 =	sadd.s32 $0x5E0, s16  }
0x3e3: {  	[hbm4b:s31+s3] =	stream.linear.scatter [tilespmem:s8], [sflag:$0x1], $0x80, $0x38;
	[tilespmem:$0x8200] =	vst v63  }
0x3e4: {  	s1 =	sor.u32 $0x3000, s30;
	s2 =	sadd.s32 $0x660, s16  }
0x3e5: {  	[hbm4b:s2+s3] =	stream.linear.scatter [tilespmem:s1], [sflag:$0x1], $0x80, $0x38;
	[tilespmem:$0x8200] =	vst v63  }
0x3e6: {  	s8 =	sor.u32 $0x3400, s30;
	s31 =	sadd.s32 $0x6E0, s16  }
0x3e7: {  	[hbm4b:s31+s3] =	stream.linear.scatter [tilespmem:s8], [sflag:$0x1], $0x80, $0x38;
	[tilespmem:$0x8200] =	vst v63  }
0x3e8: {  	s2 =	sor.u32 $0x3800, s30;
	s8 =	sadd.s32 $0x760, s16  }
0x3e9: {  	[hbm4b:s8+s3] =	stream.linear.scatter [tilespmem:s2], [sflag:$0x1], $0x80, $0x38;
	[tilespmem:$0x8200] =	vst v63  }
0x3ea: {  	s30 =	sor.u32 $0x3C00, s30;
	s31 =	sadd.s32 $0x7E0, s16  }
0x3eb: {  	[hbm4b:s31+s3] =	stream.linear.scatter [tilespmem:s30], [sflag:$0x1], $0x80, $0x38;
	[tilespmem:$0x8200] =	vst v63  }
0x3ec: {  	s1 =	sadd.s32 $0x70, s16  }
0x3ed: {  	[hbm4b:s1+s3] =	stream.linear.scatter [tilespmem:s29], [sflag:$0x1], $0x80, $0x38;
	[tilespmem:$0x8200] =	vst v63  }
0x3ee: {  	s2 =	sor.u32 $0x400, s29;
	s8 =	sadd.s32 $0xF0, s16  }
0x3ef: {  	[hbm4b:s8+s3] =	stream.linear.scatter [tilespmem:s2], [sflag:$0x1], $0x80, $0x38;
	[tilespmem:$0x8200] =	vst v63  }
0x3f0: {  	s30 =	sor.u32 $0x800, s29;
	s31 =	sadd.s32 $0x170, s16  }
0x3f1: {  	[hbm4b:s31+s3] =	stream.linear.scatter [tilespmem:s30], [sflag:$0x1], $0x80, $0x38;
	[tilespmem:$0x8200] =	vst v63  }
0x3f2: {  	s2 =	sor.u32 $0xC00, s29;
	s8 =	sadd.s32 $0x1F0, s16  }
0x3f3: {  	[hbm4b:s8+s3] =	stream.linear.scatter [tilespmem:s2], [sflag:$0x1], $0x80, $0x38;
	[tilespmem:$0x8200] =	vst v63  }
0x3f4: {  	s30 =	sor.u32 $0x1000, s29;
	s31 =	sadd.s32 $0x270, s16  }
0x3f5: {  	[hbm4b:s31+s3] =	stream.linear.scatter [tilespmem:s30], [sflag:$0x1], $0x80, $0x38;
	[tilespmem:$0x8200] =	vst v63  }
0x3f6: {  	s2 =	sor.u32 $0x1400, s29;
	s8 =	sadd.s32 $0x2F0, s16  }
0x3f7: {  	[hbm4b:s8+s3] =	stream.linear.scatter [tilespmem:s2], [sflag:$0x1], $0x80, $0x38;
	[tilespmem:$0x8200] =	vst v63  }
0x3f8: {  	s30 =	sor.u32 $0x1800, s29;
	s31 =	sadd.s32 $0x370, s16  }
0x3f9: {  	[hbm4b:s31+s3] =	stream.linear.scatter [tilespmem:s30], [sflag:$0x1], $0x80, $0x38;
	[tilespmem:$0x8200] =	vst v63  }
0x3fa: {  	s2 =	sor.u32 $0x1C00, s29;
	s8 =	sadd.s32 $0x3F0, s16  }
0x3fb: {  	[hbm4b:s8+s3] =	stream.linear.scatter [tilespmem:s2], [sflag:$0x1], $0x80, $0x38;
	[tilespmem:$0x8200] =	vst v63  }
0x3fc: {  	s30 =	sor.u32 $0x2000, s29;
	s31 =	sadd.s32 $0x470, s16  }
0x3fd: {  	[hbm4b:s31+s3] =	stream.linear.scatter [tilespmem:s30], [sflag:$0x1], $0x80, $0x38;
	[tilespmem:$0x8200] =	vst v63  }
0x3fe: {  	s2 =	sor.u32 $0x2400, s29;
	s8 =	sadd.s32 $0x4F0, s16  }
0x3ff: {  	[hbm4b:s8+s3] =	stream.linear.scatter [tilespmem:s2], [sflag:$0x1], $0x80, $0x38;
	[tilespmem:$0x8200] =	vst v63  }
0x400: {  	s30 =	sor.u32 $0x2800, s29;
	s31 =	sadd.s32 $0x570, s16  }
0x401: {  	[hbm4b:s31+s3] =	stream.linear.scatter [tilespmem:s30], [sflag:$0x1], $0x80, $0x38;
	[tilespmem:$0x8200] =	vst v63  }
0x402: {  	s2 =	sor.u32 $0x2C00, s29;
	s8 =	sadd.s32 $0x5F0, s16  }
0x403: {  	[hbm4b:s8+s3] =	stream.linear.scatter [tilespmem:s2], [sflag:$0x1], $0x80, $0x38;
	[tilespmem:$0x8200] =	vst v63  }
0x404: {  	s30 =	sor.u32 $0x3000, s29;
	s31 =	sadd.s32 $0x670, s16  }
0x405: {  	[hbm4b:s31+s3] =	stream.linear.scatter [tilespmem:s30], [sflag:$0x1], $0x80, $0x38;
	[tilespmem:$0x8200] =	vst v63  }
0x406: {  	s2 =	sor.u32 $0x3400, s29;
	s8 =	sadd.s32 $0x6F0, s16  }
0x407: {  	[hbm4b:s8+s3] =	stream.linear.scatter [tilespmem:s2], [sflag:$0x1], $0x80, $0x38;
	[tilespmem:$0x8200] =	vst v63  }
0x408: {  	s30 =	sor.u32 $0x3800, s29;
	s31 =	sadd.s32 $0x770, s16  }
0x409: {  	[hbm4b:s31+s3] =	stream.linear.scatter [tilespmem:s30], [sflag:$0x1], $0x80, $0x38;
	[tilespmem:$0x8200] =	vst v63  }
0x40a: {  	s2 =	sor.u32 $0x3C00, s29;
	s8 =	sadd.s32 $0x7F0, s16  }
0x40b: {  	[hbm4b:s8+s3] =	stream.linear.scatter [tilespmem:s2], [sflag:$0x1], $0x80, $0x38;
	[tilespmem:$0x8200] =	vst v63  }
0x40c: {  	s29 =	sadd.s32 $0x800, s16  }
0x40d: {  	[hbm4b:s29+s3] =	stream.linear.scatter [tilespmem:s25], [sflag:$0x1], $0x80, $0x38;
	[tilespmem:$0x8200] =	vst v63  }
0x40e: {  	s30 =	sor.u32 $0x400, s25;
	s31 =	sadd.s32 $0x880, s16  }
0x40f: {  	[hbm4b:s31+s3] =	stream.linear.scatter [tilespmem:s30], [sflag:$0x1], $0x80, $0x38;
	[tilespmem:$0x8200] =	vst v63  }
0x410: {  	s1 =	sor.u32 $0x800, s25;
	s2 =	sadd.s32 $0x900, s16  }
0x411: {  	[hbm4b:s2+s3] =	stream.linear.scatter [tilespmem:s1], [sflag:$0x1], $0x80, $0x38;
	[tilespmem:$0x8200] =	vst v63  }
0x412: {  	s8 =	sor.u32 $0xC00, s25;
	s29 =	sadd.s32 $0x980, s16  }
0x413: {  	[hbm4b:s29+s3] =	stream.linear.scatter [tilespmem:s8], [sflag:$0x1], $0x80, $0x38;
	[tilespmem:$0x8200] =	vst v63  }
0x414: {  	s30 =	sor.u32 $0x1000, s25;
	s31 =	sadd.s32 $0xA00, s16  }
0x415: {  	[hbm4b:s31+s3] =	stream.linear.scatter [tilespmem:s30], [sflag:$0x1], $0x80, $0x38;
	[tilespmem:$0x8200] =	vst v63  }
0x416: {  	s1 =	sor.u32 $0x1400, s25;
	s2 =	sadd.s32 $0xA80, s16  }
0x417: {  	[hbm4b:s2+s3] =	stream.linear.scatter [tilespmem:s1], [sflag:$0x1], $0x80, $0x38;
	[tilespmem:$0x8200] =	vst v63  }
0x418: {  	s8 =	sor.u32 $0x1800, s25;
	s29 =	sadd.s32 $0xB00, s16  }
0x419: {  	[hbm4b:s29+s3] =	stream.linear.scatter [tilespmem:s8], [sflag:$0x1], $0x80, $0x38;
	[tilespmem:$0x8200] =	vst v63  }
0x41a: {  	s30 =	sor.u32 $0x1C00, s25;
	s31 =	sadd.s32 $0xB80, s16  }
0x41b: {  	[hbm4b:s31+s3] =	stream.linear.scatter [tilespmem:s30], [sflag:$0x1], $0x80, $0x38;
	[tilespmem:$0x8200] =	vst v63  }
0x41c: {  	s1 =	sor.u32 $0x2000, s25;
	s2 =	sadd.s32 $0xC00, s16  }
0x41d: {  	[hbm4b:s2+s3] =	stream.linear.scatter [tilespmem:s1], [sflag:$0x1], $0x80, $0x38;
	[tilespmem:$0x8200] =	vst v63  }
0x41e: {  	s8 =	sor.u32 $0x2400, s25;
	s29 =	sadd.s32 $0xC80, s16  }
0x41f: {  	[hbm4b:s29+s3] =	stream.linear.scatter [tilespmem:s8], [sflag:$0x1], $0x80, $0x38;
	[tilespmem:$0x8200] =	vst v63  }
0x420: {  	s30 =	sor.u32 $0x2800, s25;
	s31 =	sadd.s32 $0xD00, s16  }
0x421: {  	[hbm4b:s31+s3] =	stream.linear.scatter [tilespmem:s30], [sflag:$0x1], $0x80, $0x38;
	[tilespmem:$0x8200] =	vst v63  }
0x422: {  	s1 =	sor.u32 $0x2C00, s25;
	s2 =	sadd.s32 $0xD80, s16  }
0x423: {  	[hbm4b:s2+s3] =	stream.linear.scatter [tilespmem:s1], [sflag:$0x1], $0x80, $0x38;
	[tilespmem:$0x8200] =	vst v63  }
0x424: {  	s8 =	sor.u32 $0x3000, s25;
	s29 =	sadd.s32 $0xE00, s16  }
0x425: {  	[hbm4b:s29+s3] =	stream.linear.scatter [tilespmem:s8], [sflag:$0x1], $0x80, $0x38;
	[tilespmem:$0x8200] =	vst v63  }
0x426: {  	s30 =	sor.u32 $0x3400, s25;
	s31 =	sadd.s32 $0xE80, s16  }
0x427: {  	[hbm4b:s31+s3] =	stream.linear.scatter [tilespmem:s30], [sflag:$0x1], $0x80, $0x38;
	[tilespmem:$0x8200] =	vst v63  }
0x428: {  	s28 =	sshll.u32 s28, $0x7;
	s2 =	sor.u32 $0x3800, s25;
	s8 =	sadd.s32 $0xF00, s16  }
0x429: {  	[hbm4b:s8+s3] =	stream.linear.scatter [tilespmem:s2], [sflag:$0x1], $0x80, $0x38;
	[tilespmem:$0x8200] =	vst v63  }
0x42a: {  	s25 =	sor.u32 $0x3C00, s25;
	s29 =	sadd.s32 $0xF80, s16;
	s30 =	sand.u32 $0x380, s28  }
0x42b: {  	[hbm4b:s29+s3] =	stream.linear.scatter [tilespmem:s25], [sflag:$0x1], $0x80, $0x38;
	[tilespmem:$0x8200] =	vst v63  }
0x42c: {  	s31 =	sadd.s32 $0x810, s16;
	s25 =	sor.u32 s30, s26  }
0x42d: {  	[hbm4b:s31+s3] =	stream.linear.scatter [tilespmem:s25], [sflag:$0x1], $0x80, $0x38;
	[tilespmem:$0x8200] =	vst v63  }
0x42e: {  	s2 =	sadd.s32 $0x890, s16;
	s1 =	sor.u32 $0x400, s25  }
0x42f: {  	[hbm4b:s2+s3] =	stream.linear.scatter [tilespmem:s1], [sflag:$0x1], $0x80, $0x38;
	[tilespmem:$0x8200] =	vst v63  }
0x430: {  	s26 =	sadd.s32 $0x910, s16;
	s8 =	sor.u32 $0x800, s25  }
0x431: {  	[hbm4b:s26+s3] =	stream.linear.scatter [tilespmem:s8], [sflag:$0x1], $0x80, $0x38;
	[tilespmem:$0x8200] =	vst v63  }
0x432: {  	s29 =	sadd.s32 $0x990, s16;
	s28 =	sor.u32 $0xC00, s25  }
0x433: {  	[hbm4b:s29+s3] =	stream.linear.scatter [tilespmem:s28], [sflag:$0x1], $0x80, $0x38;
	[tilespmem:$0x8200] =	vst v63  }
0x434: {  	s30 =	sor.u32 $0x1000, s25;
	s31 =	sadd.s32 $0xA10, s16  }
0x435: {  	[hbm4b:s31+s3] =	stream.linear.scatter [tilespmem:s30], [sflag:$0x1], $0x80, $0x38;
	[tilespmem:$0x8200] =	vst v63  }
0x436: {  	s1 =	sor.u32 $0x1400, s25;
	s2 =	sadd.s32 $0xA90, s16  }
0x437: {  	[hbm4b:s2+s3] =	stream.linear.scatter [tilespmem:s1], [sflag:$0x1], $0x80, $0x38;
	[tilespmem:$0x8200] =	vst v63  }
0x438: {  	s8 =	sor.u32 $0x1800, s25;
	s26 =	sadd.s32 $0xB10, s16  }
0x439: {  	[hbm4b:s26+s3] =	stream.linear.scatter [tilespmem:s8], [sflag:$0x1], $0x80, $0x38;
	[tilespmem:$0x8200] =	vst v63  }
0x43a: {  	s28 =	sor.u32 $0x1C00, s25;
	s29 =	sadd.s32 $0xB90, s16  }
0x43b: {  	[hbm4b:s29+s3] =	stream.linear.scatter [tilespmem:s28], [sflag:$0x1], $0x80, $0x38;
	[tilespmem:$0x8200] =	vst v63  }
0x43c: {  	s30 =	sor.u32 $0x2000, s25;
	s31 =	sadd.s32 $0xC10, s16  }
0x43d: {  	[hbm4b:s31+s3] =	stream.linear.scatter [tilespmem:s30], [sflag:$0x1], $0x80, $0x38;
	[tilespmem:$0x8200] =	vst v63  }
0x43e: {  	s1 =	sor.u32 $0x2400, s25;
	s2 =	sadd.s32 $0xC90, s16  }
0x43f: {  	[hbm4b:s2+s3] =	stream.linear.scatter [tilespmem:s1], [sflag:$0x1], $0x80, $0x38;
	[tilespmem:$0x8200] =	vst v63  }
0x440: {  	s8 =	sor.u32 $0x2800, s25;
	s26 =	sadd.s32 $0xD10, s16  }
0x441: {  	[hbm4b:s26+s3] =	stream.linear.scatter [tilespmem:s8], [sflag:$0x1], $0x80, $0x38;
	[tilespmem:$0x8200] =	vst v63  }
0x442: {  	s28 =	sor.u32 $0x2C00, s25;
	s29 =	sadd.s32 $0xD90, s16  }
0x443: {  	[hbm4b:s29+s3] =	stream.linear.scatter [tilespmem:s28], [sflag:$0x1], $0x80, $0x38;
	[tilespmem:$0x8200] =	vst v63  }
0x444: {  	s30 =	sor.u32 $0x3000, s25;
	s31 =	sadd.s32 $0xE10, s16  }
0x445: {  	[hbm4b:s31+s3] =	stream.linear.scatter [tilespmem:s30], [sflag:$0x1], $0x80, $0x38;
	[tilespmem:$0x8200] =	vst v63  }
0x446: {  	s1 =	sor.u32 $0x3400, s25;
	s2 =	sadd.s32 $0xE90, s16  }
0x447: {  	[hbm4b:s2+s3] =	stream.linear.scatter [tilespmem:s1], [sflag:$0x1], $0x80, $0x38;
	[tilespmem:$0x8200] =	vst v63  }
0x448: {  	s23 =	sshll.u32 s23, $0x7;
	s8 =	sor.u32 $0x3800, s25;
	s26 =	sadd.s32 $0xF10, s16  }
0x449: {  	[hbm4b:s26+s3] =	stream.linear.scatter [tilespmem:s8], [sflag:$0x1], $0x80, $0x38;
	[tilespmem:$0x8200] =	vst v63  }
0x44a: {  	s28 =	sor.u32 $0x3C00, s25;
	s29 =	sadd.s32 $0xF90, s16;
	s30 =	sand.u32 $0x380, s23  }
0x44b: {  	[hbm4b:s29+s3] =	stream.linear.scatter [tilespmem:s28], [sflag:$0x1], $0x80, $0x38;
	[tilespmem:$0x8200] =	vst v63  }
0x44c: {  	s31 =	sadd.s32 $0x820, s16;
	s23 =	sor.u32 s30, s24  }
0x44d: {  	[hbm4b:s31+s3] =	stream.linear.scatter [tilespmem:s23], [sflag:$0x1], $0x80, $0x38;
	[tilespmem:$0x8200] =	vst v63  }
0x44e: {  	s1 =	sor.u32 $0x400, s23;
	s2 =	sadd.s32 $0x8A0, s16  }
0x44f: {  	[hbm4b:s2+s3] =	stream.linear.scatter [tilespmem:s1], [sflag:$0x1], $0x80, $0x38;
	[tilespmem:$0x8200] =	vst v63  }
0x450: {  	s24 =	sadd.s32 $0x920, s16;
	s8 =	sor.u32 $0x800, s23  }
0x451: {  	[hbm4b:s24+s3] =	stream.linear.scatter [tilespmem:s8], [sflag:$0x1], $0x80, $0x38;
	[tilespmem:$0x8200] =	vst v63  }
0x452: {  	s25 =	sor.u32 $0xC00, s23;
	s26 =	sadd.s32 $0x9A0, s16  }
0x453: {  	[hbm4b:s26+s3] =	stream.linear.scatter [tilespmem:s25], [sflag:$0x1], $0x80, $0x38;
	[tilespmem:$0x8200] =	vst v63  }
0x454: {  	s28 =	sor.u32 $0x1000, s23;
	s29 =	sadd.s32 $0xA20, s16  }
0x455: {  	[hbm4b:s29+s3] =	stream.linear.scatter [tilespmem:s28], [sflag:$0x1], $0x80, $0x38;
	[tilespmem:$0x8200] =	vst v63  }
0x456: {  	s30 =	sor.u32 $0x1400, s23;
	s31 =	sadd.s32 $0xAA0, s16  }
0x457: {  	[hbm4b:s31+s3] =	stream.linear.scatter [tilespmem:s30], [sflag:$0x1], $0x80, $0x38;
	[tilespmem:$0x8200] =	vst v63  }
0x458: {  	s1 =	sor.u32 $0x1800, s23;
	s2 =	sadd.s32 $0xB20, s16  }
0x459: {  	[hbm4b:s2+s3] =	stream.linear.scatter [tilespmem:s1], [sflag:$0x1], $0x80, $0x38;
	[tilespmem:$0x8200] =	vst v63  }
0x45a: {  	s8 =	sor.u32 $0x1C00, s23;
	s24 =	sadd.s32 $0xBA0, s16  }
0x45b: {  	[hbm4b:s24+s3] =	stream.linear.scatter [tilespmem:s8], [sflag:$0x1], $0x80, $0x38;
	[tilespmem:$0x8200] =	vst v63  }
0x45c: {  	s25 =	sor.u32 $0x2000, s23;
	s26 =	sadd.s32 $0xC20, s16  }
0x45d: {  	[hbm4b:s26+s3] =	stream.linear.scatter [tilespmem:s25], [sflag:$0x1], $0x80, $0x38;
	[tilespmem:$0x8200] =	vst v63  }
0x45e: {  	s28 =	sor.u32 $0x2400, s23;
	s29 =	sadd.s32 $0xCA0, s16  }
0x45f: {  	[hbm4b:s29+s3] =	stream.linear.scatter [tilespmem:s28], [sflag:$0x1], $0x80, $0x38;
	[tilespmem:$0x8200] =	vst v63  }
0x460: {  	s30 =	sor.u32 $0x2800, s23;
	s31 =	sadd.s32 $0xD20, s16  }
0x461: {  	[hbm4b:s31+s3] =	stream.linear.scatter [tilespmem:s30], [sflag:$0x1], $0x80, $0x38;
	[tilespmem:$0x8200] =	vst v63  }
0x462: {  	s1 =	sor.u32 $0x2C00, s23;
	s2 =	sadd.s32 $0xDA0, s16  }
0x463: {  	[hbm4b:s2+s3] =	stream.linear.scatter [tilespmem:s1], [sflag:$0x1], $0x80, $0x38;
	[tilespmem:$0x8200] =	vst v63  }
0x464: {  	s8 =	sor.u32 $0x3000, s23;
	s24 =	sadd.s32 $0xE20, s16  }
0x465: {  	[hbm4b:s24+s3] =	stream.linear.scatter [tilespmem:s8], [sflag:$0x1], $0x80, $0x38;
	[tilespmem:$0x8200] =	vst v63  }
0x466: {  	s25 =	sor.u32 $0x3400, s23;
	s26 =	sadd.s32 $0xEA0, s16  }
0x467: {  	[hbm4b:s26+s3] =	stream.linear.scatter [tilespmem:s25], [sflag:$0x1], $0x80, $0x38;
	[tilespmem:$0x8200] =	vst v63  }
0x468: {  	s28 =	sor.u32 $0x3800, s23;
	s29 =	sadd.s32 $0xF20, s16  }
0x469: {  	[hbm4b:s29+s3] =	stream.linear.scatter [tilespmem:s28], [sflag:$0x1], $0x80, $0x38;
	[tilespmem:$0x8200] =	vst v63  }
0x46a: {  	s30 =	sor.u32 $0x3C00, s23;
	s31 =	sadd.s32 $0xFA0, s16  }
0x46b: {  	[hbm4b:s31+s3] =	stream.linear.scatter [tilespmem:s30], [sflag:$0x1], $0x80, $0x38;
	[tilespmem:$0x8200] =	vst v63  }
0x46c: {  	s1 =	sadd.s32 $0x830, s16  }
0x46d: {  	[hbm4b:s1+s3] =	stream.linear.scatter [tilespmem:s22], [sflag:$0x1], $0x80, $0x38;
	[tilespmem:$0x8200] =	vst v63  }
0x46e: {  	s2 =	sor.u32 $0x400, s22;
	s8 =	sadd.s32 $0x8B0, s16  }
0x46f: {  	[hbm4b:s8+s3] =	stream.linear.scatter [tilespmem:s2], [sflag:$0x1], $0x80, $0x38;
	[tilespmem:$0x8200] =	vst v63  }
0x470: {  	s23 =	sor.u32 $0x800, s22;
	s24 =	sadd.s32 $0x930, s16  }
0x471: {  	[hbm4b:s24+s3] =	stream.linear.scatter [tilespmem:s23], [sflag:$0x1], $0x80, $0x38;
	[tilespmem:$0x8200] =	vst v63  }
0x472: {  	s25 =	sor.u32 $0xC00, s22;
	s26 =	sadd.s32 $0x9B0, s16  }
0x473: {  	[hbm4b:s26+s3] =	stream.linear.scatter [tilespmem:s25], [sflag:$0x1], $0x80, $0x38;
	[tilespmem:$0x8200] =	vst v63  }
0x474: {  	s28 =	sor.u32 $0x1000, s22;
	s29 =	sadd.s32 $0xA30, s16  }
0x475: {  	[hbm4b:s29+s3] =	stream.linear.scatter [tilespmem:s28], [sflag:$0x1], $0x80, $0x38;
	[tilespmem:$0x8200] =	vst v63  }
0x476: {  	s30 =	sor.u32 $0x1400, s22;
	s31 =	sadd.s32 $0xAB0, s16  }
0x477: {  	[hbm4b:s31+s3] =	stream.linear.scatter [tilespmem:s30], [sflag:$0x1], $0x80, $0x38;
	[tilespmem:$0x8200] =	vst v63  }
0x478: {  	s2 =	sor.u32 $0x1800, s22;
	s8 =	sadd.s32 $0xB30, s16  }
0x479: {  	[hbm4b:s8+s3] =	stream.linear.scatter [tilespmem:s2], [sflag:$0x1], $0x80, $0x38;
	[tilespmem:$0x8200] =	vst v63  }
0x47a: {  	s23 =	sor.u32 $0x1C00, s22;
	s24 =	sadd.s32 $0xBB0, s16  }
0x47b: {  	[hbm4b:s24+s3] =	stream.linear.scatter [tilespmem:s23], [sflag:$0x1], $0x80, $0x38;
	[tilespmem:$0x8200] =	vst v63  }
0x47c: {  	s25 =	sor.u32 $0x2000, s22;
	s26 =	sadd.s32 $0xC30, s16  }
0x47d: {  	[hbm4b:s26+s3] =	stream.linear.scatter [tilespmem:s25], [sflag:$0x1], $0x80, $0x38;
	[tilespmem:$0x8200] =	vst v63  }
0x47e: {  	s28 =	sor.u32 $0x2400, s22;
	s29 =	sadd.s32 $0xCB0, s16  }
0x47f: {  	[hbm4b:s29+s3] =	stream.linear.scatter [tilespmem:s28], [sflag:$0x1], $0x80, $0x38;
	[tilespmem:$0x8200] =	vst v63  }
0x480: {  	s30 =	sor.u32 $0x2800, s22;
	s31 =	sadd.s32 $0xD30, s16  }
0x481: {  	[hbm4b:s31+s3] =	stream.linear.scatter [tilespmem:s30], [sflag:$0x1], $0x80, $0x38;
	[tilespmem:$0x8200] =	vst v63  }
0x482: {  	s2 =	sor.u32 $0x2C00, s22;
	s8 =	sadd.s32 $0xDB0, s16  }
0x483: {  	[hbm4b:s8+s3] =	stream.linear.scatter [tilespmem:s2], [sflag:$0x1], $0x80, $0x38;
	[tilespmem:$0x8200] =	vst v63  }
0x484: {  	s23 =	sor.u32 $0x3000, s22;
	s24 =	sadd.s32 $0xE30, s16  }
0x485: {  	[hbm4b:s24+s3] =	stream.linear.scatter [tilespmem:s23], [sflag:$0x1], $0x80, $0x38;
	[tilespmem:$0x8200] =	vst v63  }
0x486: {  	s25 =	sor.u32 $0x3400, s22;
	s26 =	sadd.s32 $0xEB0, s16  }
0x487: {  	[hbm4b:s26+s3] =	stream.linear.scatter [tilespmem:s25], [sflag:$0x1], $0x80, $0x38;
	[tilespmem:$0x8200] =	vst v63  }
0x488: {  	s28 =	sor.u32 $0x3800, s22;
	s29 =	sadd.s32 $0xF30, s16  }
0x489: {  	[hbm4b:s29+s3] =	stream.linear.scatter [tilespmem:s28], [sflag:$0x1], $0x80, $0x38;
	[tilespmem:$0x8200] =	vst v63  }
0x48a: {  	s30 =	sor.u32 $0x3C00, s22;
	s31 =	sadd.s32 $0xFB0, s16  }
0x48b: {  	[hbm4b:s31+s3] =	stream.linear.scatter [tilespmem:s30], [sflag:$0x1], $0x80, $0x38;
	[tilespmem:$0x8200] =	vst v63  }
0x48c: {  	s2 =	sadd.s32 $0x840, s16  }
0x48d: {  	[hbm4b:s2+s3] =	stream.linear.scatter [tilespmem:s19], [sflag:$0x1], $0x80, $0x38;
	[tilespmem:$0x8200] =	vst v63  }
0x48e: {  	s22 =	sadd.s32 $0x8C0, s16;
	s8 =	sor.u32 $0x400, s19  }
0x48f: {  	[hbm4b:s22+s3] =	stream.linear.scatter [tilespmem:s8], [sflag:$0x1], $0x80, $0x38;
	[tilespmem:$0x8200] =	vst v63  }
0x490: {  	s23 =	sor.u32 $0x800, s19;
	s24 =	sadd.s32 $0x940, s16  }
0x491: {  	[hbm4b:s24+s3] =	stream.linear.scatter [tilespmem:s23], [sflag:$0x1], $0x80, $0x38;
	[tilespmem:$0x8200] =	vst v63  }
0x492: {  	s25 =	sor.u32 $0xC00, s19;
	s26 =	sadd.s32 $0x9C0, s16  }
0x493: {  	[hbm4b:s26+s3] =	stream.linear.scatter [tilespmem:s25], [sflag:$0x1], $0x80, $0x38;
	[tilespmem:$0x8200] =	vst v63  }
0x494: {  	s28 =	sor.u32 $0x1000, s19;
	s29 =	sadd.s32 $0xA40, s16  }
0x495: {  	[hbm4b:s29+s3] =	stream.linear.scatter [tilespmem:s28], [sflag:$0x1], $0x80, $0x38;
	[tilespmem:$0x8200] =	vst v63  }
0x496: {  	s30 =	sor.u32 $0x1400, s19;
	s31 =	sadd.s32 $0xAC0, s16  }
0x497: {  	[hbm4b:s31+s3] =	stream.linear.scatter [tilespmem:s30], [sflag:$0x1], $0x80, $0x38;
	[tilespmem:$0x8200] =	vst v63  }
0x498: {  	s1 =	sor.u32 $0x1800, s19;
	s2 =	sadd.s32 $0xB40, s16  }
0x499: {  	[hbm4b:s2+s3] =	stream.linear.scatter [tilespmem:s1], [sflag:$0x1], $0x80, $0x38;
	[tilespmem:$0x8200] =	vst v63  }
0x49a: {  	s8 =	sor.u32 $0x1C00, s19;
	s22 =	sadd.s32 $0xBC0, s16  }
0x49b: {  	[hbm4b:s22+s3] =	stream.linear.scatter [tilespmem:s8], [sflag:$0x1], $0x80, $0x38;
	[tilespmem:$0x8200] =	vst v63  }
0x49c: {  	s23 =	sor.u32 $0x2000, s19;
	s24 =	sadd.s32 $0xC40, s16  }
0x49d: {  	[hbm4b:s24+s3] =	stream.linear.scatter [tilespmem:s23], [sflag:$0x1], $0x80, $0x38;
	[tilespmem:$0x8200] =	vst v63  }
0x49e: {  	s25 =	sor.u32 $0x2400, s19;
	s26 =	sadd.s32 $0xCC0, s16  }
0x49f: {  	[hbm4b:s26+s3] =	stream.linear.scatter [tilespmem:s25], [sflag:$0x1], $0x80, $0x38;
	[tilespmem:$0x8200] =	vst v63  }
0x4a0: {  	s28 =	sor.u32 $0x2800, s19;
	s29 =	sadd.s32 $0xD40, s16  }
0x4a1: {  	[hbm4b:s29+s3] =	stream.linear.scatter [tilespmem:s28], [sflag:$0x1], $0x80, $0x38;
	[tilespmem:$0x8200] =	vst v63  }
0x4a2: {  	s30 =	sor.u32 $0x2C00, s19;
	s31 =	sadd.s32 $0xDC0, s16  }
0x4a3: {  	[hbm4b:s31+s3] =	stream.linear.scatter [tilespmem:s30], [sflag:$0x1], $0x80, $0x38;
	[tilespmem:$0x8200] =	vst v63  }
0x4a4: {  	s1 =	sor.u32 $0x3000, s19;
	s2 =	sadd.s32 $0xE40, s16  }
0x4a5: {  	[hbm4b:s2+s3] =	stream.linear.scatter [tilespmem:s1], [sflag:$0x1], $0x80, $0x38;
	[tilespmem:$0x8200] =	vst v63  }
0x4a6: {  	s8 =	sor.u32 $0x3400, s19;
	s22 =	sadd.s32 $0xEC0, s16  }
0x4a7: {  	[hbm4b:s22+s3] =	stream.linear.scatter [tilespmem:s8], [sflag:$0x1], $0x80, $0x38;
	[tilespmem:$0x8200] =	vst v63  }
0x4a8: {  	s23 =	sor.u32 $0x3800, s19;
	s24 =	sadd.s32 $0xF40, s16  }
0x4a9: {  	[hbm4b:s24+s3] =	stream.linear.scatter [tilespmem:s23], [sflag:$0x1], $0x80, $0x38;
	[tilespmem:$0x8200] =	vst v63  }
0x4aa: {  	s25 =	sor.u32 $0x3C00, s19;
	s26 =	sadd.s32 $0xFC0, s16;
	s28 =	sand.u32 $0x380, s21  }
0x4ab: {  	[hbm4b:s26+s3] =	stream.linear.scatter [tilespmem:s25], [sflag:$0x1], $0x80, $0x38;
	[tilespmem:$0x8200] =	vst v63  }
0x4ac: {  	s29 =	sadd.s32 $0x850, s16;
	s19 =	sor.u32 s28, s20  }
0x4ad: {  	[hbm4b:s29+s3] =	stream.linear.scatter [tilespmem:s19], [sflag:$0x1], $0x80, $0x38;
	[tilespmem:$0x8200] =	vst v63  }
0x4ae: {  	s30 =	sor.u32 $0x400, s19;
	s31 =	sadd.s32 $0x8D0, s16  }
0x4af: {  	[hbm4b:s31+s3] =	stream.linear.scatter [tilespmem:s30], [sflag:$0x1], $0x80, $0x38;
	[tilespmem:$0x8200] =	vst v63  }
0x4b0: {  	s1 =	sor.u32 $0x800, s19;
	s2 =	sadd.s32 $0x950, s16  }
0x4b1: {  	[hbm4b:s2+s3] =	stream.linear.scatter [tilespmem:s1], [sflag:$0x1], $0x80, $0x38;
	[tilespmem:$0x8200] =	vst v63  }
0x4b2: {  	s20 =	sadd.s32 $0x9D0, s16;
	s8 =	sor.u32 $0xC00, s19  }
0x4b3: {  	[hbm4b:s20+s3] =	stream.linear.scatter [tilespmem:s8], [sflag:$0x1], $0x80, $0x38;
	[tilespmem:$0x8200] =	vst v63  }
0x4b4: {  	s21 =	sor.u32 $0x1000, s19;
	s22 =	sadd.s32 $0xA50, s16  }
0x4b5: {  	[hbm4b:s22+s3] =	stream.linear.scatter [tilespmem:s21], [sflag:$0x1], $0x80, $0x38;
	[tilespmem:$0x8200] =	vst v63  }
0x4b6: {  	s23 =	sor.u32 $0x1400, s19;
	s24 =	sadd.s32 $0xAD0, s16  }
0x4b7: {  	[hbm4b:s24+s3] =	stream.linear.scatter [tilespmem:s23], [sflag:$0x1], $0x80, $0x38;
	[tilespmem:$0x8200] =	vst v63  }
0x4b8: {  	s25 =	sor.u32 $0x1800, s19;
	s26 =	sadd.s32 $0xB50, s16  }
0x4b9: {  	[hbm4b:s26+s3] =	stream.linear.scatter [tilespmem:s25], [sflag:$0x1], $0x80, $0x38;
	[tilespmem:$0x8200] =	vst v63  }
0x4ba: {  	s28 =	sor.u32 $0x1C00, s19;
	s29 =	sadd.s32 $0xBD0, s16  }
0x4bb: {  	[hbm4b:s29+s3] =	stream.linear.scatter [tilespmem:s28], [sflag:$0x1], $0x80, $0x38;
	[tilespmem:$0x8200] =	vst v63  }
0x4bc: {  	s30 =	sor.u32 $0x2000, s19;
	s31 =	sadd.s32 $0xC50, s16  }
0x4bd: {  	[hbm4b:s31+s3] =	stream.linear.scatter [tilespmem:s30], [sflag:$0x1], $0x80, $0x38;
	[tilespmem:$0x8200] =	vst v63  }
0x4be: {  	s1 =	sor.u32 $0x2400, s19;
	s2 =	sadd.s32 $0xCD0, s16  }
0x4bf: {  	[hbm4b:s2+s3] =	stream.linear.scatter [tilespmem:s1], [sflag:$0x1], $0x80, $0x38;
	[tilespmem:$0x8200] =	vst v63  }
0x4c0: {  	s8 =	sor.u32 $0x2800, s19;
	s20 =	sadd.s32 $0xD50, s16  }
0x4c1: {  	[hbm4b:s20+s3] =	stream.linear.scatter [tilespmem:s8], [sflag:$0x1], $0x80, $0x38;
	[tilespmem:$0x8200] =	vst v63  }
0x4c2: {  	s21 =	sor.u32 $0x2C00, s19;
	s22 =	sadd.s32 $0xDD0, s16  }
0x4c3: {  	[hbm4b:s22+s3] =	stream.linear.scatter [tilespmem:s21], [sflag:$0x1], $0x80, $0x38;
	[tilespmem:$0x8200] =	vst v63  }
0x4c4: {  	s23 =	sor.u32 $0x3000, s19;
	s24 =	sadd.s32 $0xE50, s16  }
0x4c5: {  	[hbm4b:s24+s3] =	stream.linear.scatter [tilespmem:s23], [sflag:$0x1], $0x80, $0x38;
	[tilespmem:$0x8200] =	vst v63  }
0x4c6: {  	s25 =	sor.u32 $0x3400, s19;
	s26 =	sadd.s32 $0xED0, s16  }
0x4c7: {  	[hbm4b:s26+s3] =	stream.linear.scatter [tilespmem:s25], [sflag:$0x1], $0x80, $0x38;
	[tilespmem:$0x8200] =	vst v63  }
0x4c8: {  	s28 =	sor.u32 $0x3800, s19;
	s29 =	sadd.s32 $0xF50, s16  }
0x4c9: {  	[hbm4b:s29+s3] =	stream.linear.scatter [tilespmem:s28], [sflag:$0x1], $0x80, $0x38;
	[tilespmem:$0x8200] =	vst v63  }
0x4ca: {  	s30 =	sor.u32 $0x3C00, s19;
	s31 =	sadd.s32 $0xFD0, s16  }
0x4cb: {  	[hbm4b:s31+s3] =	stream.linear.scatter [tilespmem:s30], [sflag:$0x1], $0x80, $0x38;
	[tilespmem:$0x8200] =	vst v63  }
0x4cc: {  	s1 =	sadd.s32 $0x860, s16  }
0x4cd: {  	[hbm4b:s1+s3] =	stream.linear.scatter [tilespmem:s18], [sflag:$0x1], $0x80, $0x38;
	[tilespmem:$0x8200] =	vst v63  }
0x4ce: {  	s2 =	sor.u32 $0x400, s18;
	s8 =	sadd.s32 $0x8E0, s16  }
0x4cf: {  	[hbm4b:s8+s3] =	stream.linear.scatter [tilespmem:s2], [sflag:$0x1], $0x80, $0x38;
	[tilespmem:$0x8200] =	vst v63  }
0x4d0: {  	s19 =	sor.u32 $0x800, s18;
	s20 =	sadd.s32 $0x960, s16  }
0x4d1: {  	[hbm4b:s20+s3] =	stream.linear.scatter [tilespmem:s19], [sflag:$0x1], $0x80, $0x38;
	[tilespmem:$0x8200] =	vst v63  }
0x4d2: {  	s21 =	sor.u32 $0xC00, s18;
	s22 =	sadd.s32 $0x9E0, s16  }
0x4d3: {  	[hbm4b:s22+s3] =	stream.linear.scatter [tilespmem:s21], [sflag:$0x1], $0x80, $0x38;
	[tilespmem:$0x8200] =	vst v63  }
0x4d4: {  	s23 =	sor.u32 $0x1000, s18;
	s24 =	sadd.s32 $0xA60, s16  }
0x4d5: {  	[hbm4b:s24+s3] =	stream.linear.scatter [tilespmem:s23], [sflag:$0x1], $0x80, $0x38;
	[tilespmem:$0x8200] =	vst v63  }
0x4d6: {  	s25 =	sor.u32 $0x1400, s18;
	s26 =	sadd.s32 $0xAE0, s16  }
0x4d7: {  	[hbm4b:s26+s3] =	stream.linear.scatter [tilespmem:s25], [sflag:$0x1], $0x80, $0x38;
	[tilespmem:$0x8200] =	vst v63  }
0x4d8: {  	s28 =	sor.u32 $0x1800, s18;
	s29 =	sadd.s32 $0xB60, s16  }
0x4d9: {  	[hbm4b:s29+s3] =	stream.linear.scatter [tilespmem:s28], [sflag:$0x1], $0x80, $0x38;
	[tilespmem:$0x8200] =	vst v63  }
0x4da: {  	s30 =	sor.u32 $0x1C00, s18;
	s31 =	sadd.s32 $0xBE0, s16  }
0x4db: {  	[hbm4b:s31+s3] =	stream.linear.scatter [tilespmem:s30], [sflag:$0x1], $0x80, $0x38;
	[tilespmem:$0x8200] =	vst v63  }
0x4dc: {  	s2 =	sor.u32 $0x2000, s18;
	s8 =	sadd.s32 $0xC60, s16  }
0x4dd: {  	[hbm4b:s8+s3] =	stream.linear.scatter [tilespmem:s2], [sflag:$0x1], $0x80, $0x38;
	[tilespmem:$0x8200] =	vst v63  }
0x4de: {  	s19 =	sor.u32 $0x2400, s18;
	s20 =	sadd.s32 $0xCE0, s16  }
0x4df: {  	[hbm4b:s20+s3] =	stream.linear.scatter [tilespmem:s19], [sflag:$0x1], $0x80, $0x38;
	[tilespmem:$0x8200] =	vst v63  }
0x4e0: {  	s21 =	sor.u32 $0x2800, s18;
	s22 =	sadd.s32 $0xD60, s16  }
0x4e1: {  	[hbm4b:s22+s3] =	stream.linear.scatter [tilespmem:s21], [sflag:$0x1], $0x80, $0x38;
	[tilespmem:$0x8200] =	vst v63  }
0x4e2: {  	s23 =	sor.u32 $0x2C00, s18;
	s24 =	sadd.s32 $0xDE0, s16  }
0x4e3: {  	[hbm4b:s24+s3] =	stream.linear.scatter [tilespmem:s23], [sflag:$0x1], $0x80, $0x38;
	[tilespmem:$0x8200] =	vst v63  }
0x4e4: {  	s25 =	sor.u32 $0x3000, s18;
	s26 =	sadd.s32 $0xE60, s16  }
0x4e5: {  	[hbm4b:s26+s3] =	stream.linear.scatter [tilespmem:s25], [sflag:$0x1], $0x80, $0x38;
	[tilespmem:$0x8200] =	vst v63  }
0x4e6: {  	s28 =	sor.u32 $0x3400, s18;
	s29 =	sadd.s32 $0xEE0, s16  }
0x4e7: {  	[hbm4b:s29+s3] =	stream.linear.scatter [tilespmem:s28], [sflag:$0x1], $0x80, $0x38;
	[tilespmem:$0x8200] =	vst v63  }
0x4e8: {  	s30 =	sor.u32 $0x3800, s18;
	s31 =	sadd.s32 $0xF60, s16  }
0x4e9: {  	[hbm4b:s31+s3] =	stream.linear.scatter [tilespmem:s30], [sflag:$0x1], $0x80, $0x38;
	[tilespmem:$0x8200] =	vst v63  }
0x4ea: {  	s2 =	sor.u32 $0x3C00, s18;
	s8 =	sadd.s32 $0xFE0, s16  }
0x4eb: {  	[hbm4b:s8+s3] =	stream.linear.scatter [tilespmem:s2], [sflag:$0x1], $0x80, $0x38;
	[tilespmem:$0x8200] =	vst v63  }
0x4ec: {  	s18 =	sadd.s32 $0x870, s16  }
0x4ed: {  	[hbm4b:s18+s3] =	stream.linear.scatter [tilespmem:s17], [sflag:$0x1], $0x80, $0x38;
	[tilespmem:$0x8200] =	vst v63  }
0x4ee: {  	s19 =	sor.u32 $0x400, s17;
	s20 =	sadd.s32 $0x8F0, s16  }
0x4ef: {  	[hbm4b:s20+s3] =	stream.linear.scatter [tilespmem:s19], [sflag:$0x1], $0x80, $0x38;
	[tilespmem:$0x8200] =	vst v63  }
0x4f0: {  	s21 =	sor.u32 $0x800, s17;
	s22 =	sadd.s32 $0x970, s16  }
0x4f1: {  	[hbm4b:s22+s3] =	stream.linear.scatter [tilespmem:s21], [sflag:$0x1], $0x80, $0x38;
	[tilespmem:$0x8200] =	vst v63  }
0x4f2: {  	s23 =	sor.u32 $0xC00, s17;
	s24 =	sadd.s32 $0x9F0, s16  }
0x4f3: {  	[hbm4b:s24+s3] =	stream.linear.scatter [tilespmem:s23], [sflag:$0x1], $0x80, $0x38;
	[tilespmem:$0x8200] =	vst v63  }
0x4f4: {  	s25 =	sor.u32 $0x1000, s17;
	s26 =	sadd.s32 $0xA70, s16  }
0x4f5: {  	[hbm4b:s26+s3] =	stream.linear.scatter [tilespmem:s25], [sflag:$0x1], $0x80, $0x38;
	[tilespmem:$0x8200] =	vst v63  }
0x4f6: {  	s28 =	sor.u32 $0x1400, s17;
	s29 =	sadd.s32 $0xAF0, s16  }
0x4f7: {  	[hbm4b:s29+s3] =	stream.linear.scatter [tilespmem:s28], [sflag:$0x1], $0x80, $0x38;
	[tilespmem:$0x8200] =	vst v63  }
0x4f8: {  	s30 =	sor.u32 $0x1800, s17;
	s31 =	sadd.s32 $0xB70, s16  }
0x4f9: {  	[hbm4b:s31+s3] =	stream.linear.scatter [tilespmem:s30], [sflag:$0x1], $0x80, $0x38;
	[tilespmem:$0x8200] =	vst v63  }
0x4fa: {  	s1 =	sor.u32 $0x1C00, s17;
	s2 =	sadd.s32 $0xBF0, s16  }
0x4fb: {  	[hbm4b:s2+s3] =	stream.linear.scatter [tilespmem:s1], [sflag:$0x1], $0x80, $0x38;
	[tilespmem:$0x8200] =	vst v63  }
0x4fc: {  	s8 =	sor.u32 $0x2000, s17;
	s18 =	sadd.s32 $0xC70, s16  }
0x4fd: {  	[hbm4b:s18+s3] =	stream.linear.scatter [tilespmem:s8], [sflag:$0x1], $0x80, $0x38;
	[tilespmem:$0x8200] =	vst v63  }
0x4fe: {  	s19 =	sor.u32 $0x2400, s17;
	s20 =	sadd.s32 $0xCF0, s16  }
0x4ff: {  	[hbm4b:s20+s3] =	stream.linear.scatter [tilespmem:s19], [sflag:$0x1], $0x80, $0x38;
	[tilespmem:$0x8200] =	vst v63  }
0x500: {  	s21 =	sor.u32 $0x2800, s17;
	s22 =	sadd.s32 $0xD70, s16  }
0x501: {  	[hbm4b:s22+s3] =	stream.linear.scatter [tilespmem:s21], [sflag:$0x1], $0x80, $0x38;
	[tilespmem:$0x8200] =	vst v63  }
0x502: {  	s23 =	sor.u32 $0x2C00, s17;
	s24 =	sadd.s32 $0xDF0, s16  }
0x503: {  	[hbm4b:s24+s3] =	stream.linear.scatter [tilespmem:s23], [sflag:$0x1], $0x80, $0x38;
	[tilespmem:$0x8200] =	vst v63  }
0x504: {  	p0 =	sne.s32 s14, $0x17000;
	s25 =	sor.u32 $0x3000, s17;
	s26 =	sadd.s32 $0xE70, s16  }
0x505: {  	[hbm4b:s26+s3] =	stream.linear.scatter [tilespmem:s25], [sflag:$0x1], $0x80, $0x38;
	[tilespmem:$0x8200] =	vst v63  }
.Ltmp10:
0x506: {  	s14 =	sadd.s32 $0x1000, s14;
	s15 =	sadd.s32 $0x10, s15;
	(pc) =	sbr.rel @p0 .LBB2_22-.Ltmp10, $4  }
0x507: {  	s28 =	sor.u32 $0x3400, s17;
	s29 =	sadd.s32 $0xEF0, s16;
	s30 =	sor.u32 $0x3800, s17  }
0x508: {  	[hbm4b:s29+s3] =	stream.linear.scatter [tilespmem:s28], [sflag:$0x1], $0x80, $0x38;
	[tilespmem:$0x8200] =	vst v63  }
0x509: {  	s31 =	sadd.s32 $0xF70, s16;
	s17 =	sor.u32 $0x3C00, s17;
	s16 =	sadd.s32 $0xFF0, s16  }
0x50a: {  	[hbm4b:s31+s3] =	stream.linear.scatter [tilespmem:s30], [sflag:$0x1], $0x80, $0x38;
	[tilespmem:$0x8200] =	vst v63  }
0x50b: {  	[hbm4b:s16+s3] =	stream.linear.scatter [tilespmem:s17], [sflag:$0x1], $0x80, $0x38;
	[tilespmem:$0x8200] =	vst v63  }
0x50c: {  	_ =	swait.ge [sflag:s12], $0x800  }
0x50d: {  	s14 =	simm.s32 $0x17F;
	[sflag:s12] =	ssyncset.done $0x0  }
.LBB2_24:
0x50e: {  	p0 =	sne.s32 s14, $0x1;
	s14 =	sadd.s32 $0xFFFFFFFF, s14;
	[sflag:s12] =	ssyncadd.s32 $0xFFFFF800  }
.Ltmp11:
0x50f: {  	(pc) =	sbr.rel @p0 .LBB2_24-.Ltmp11, $3  }
0x510: {  	_ =	sdelay $0x1  }
0x511: {  	_ =	swait.ge [sflag:s12], $0x800  }
0x512: {  	[sflag:s12] =	ssyncset.done $0x0  }
0x513: {  	s13 =	sadd.s32 $0x1, s13  }
0x514: {  	p0 =	sne.s32 s13, s6  }
.Ltmp12:
0x515: {  	_ = 	snop;
	(pc) =	sbr.rel @p0 .LBB2_1-.Ltmp12, $2  }
0x516: {  	_ =	sdelay $0x2  }
0x517: {  	[sflag:s12] =	ssyncadd.s32 $0xFFFFF800  }
0x518: {  	_ =	sfence.sel $0x180000  }
0x519: {  	[bflag:$0x0] =	sbarrier.arrive $0xFFFF  }
0x51a: {  	_ =	strace $0x90000047  }
0x51b: {  	s0 =	stileid.u32;
	[bflag:$0x2] =	sbarrier.arrive $0xFFFF  }
0x51c: {  	p0 =	sne.s32 s0, $0x0;
	s0 =	rddreg [dreg:$0x3]  }
0x51d: {  	s0 =	sadd.s32 @!p0 $0x100000, s0  }
0x51e: {  	[sflag:s0] =	ssyncadd.tile.s32 @!p0 $0x1;
	_ =	shalt  }
.Lfunc_end2:
_tile_overlayer_lowered:
.L_overlay_start_2:
0x51f: {  	(tag) =	ssettag $0x2  }
0x520: {  	s0 =	rddreg [dreg:$0x0];
	s2 =	stileid.u32  }
0x521: {  	s1 =	rddreg [dreg:$0x1];
	p0 =	sne.s32 s2, $0x0  }
0x522: {  	s3 =	rddreg [dreg:$0x2];
	[bflag:$0x3] =	sbarrier.arrive $0xFFFF;
	s2 =	simm.s32 @!p0 $0x1C02  }
0x523: {  	[timem:s3], [sflag:s2] =	dma.local @!p0 [hbm:s0], s1  }
0x524: {  	s0 =	simm.s32 @!p0 $0x2  }
0x525: {  	_ =	swait.ge @!p0 [sflag:s0], s1  }
0x526: {  	s1 =	ssub.s32 @!p0 $0x0, s1;
	[sflag:s0] =	ssyncset.done @!p0 $0x0  }
0x527: {  	[sflag:s0] =	ssyncadd.s32 @!p0 s1  }
0x528: {  	[bflag:$0x3] =	sbarrier.arrive $0xFFFF  }
0x529: {  	_ =	shalt  }

</sc_bundles>
